<compile_context>
chip_gen: v7x
topology: tpu7x:2x2x1
jax: 0.10.2.dev20260603
libtpu: 0.0.44.dev20260713+nightly
codegen_flags: <defaults>
</compile_context>

<pallas_src>
import functools

import jax
import jax.numpy as jnp
from jax import lax
from jax.experimental import pallas as pl
from jax.experimental.pallas import tpu as pltpu
from jax.experimental.pallas import tpu_sc as plsc

NC = 2
NS = 16
NW = NC * NS


def _sc_mesh():
    return plsc.VectorSubcoreMesh(
        core_axis_name="c", subcore_axis_name="s",
        num_cores=NC, num_subcores=NS)


def _make_hist(E, MDEG, K):
    EPW = E // NW
    nch = EPW // K
    RPT = MDEG // NS

    KUP = (K + 15) // 16 * 16

    @functools.partial(
        pl.kernel,
        out_type=jax.ShapeDtypeStruct((NC * MDEG,), jnp.float32),
        mesh=_sc_mesh(),
        compiler_params=pltpu.CompilerParams(use_tc_tiling_on_sc=False),
        scratch_types=[
            pltpu.VMEM_SHARED((MDEG,), jnp.float32),
            pltpu.VMEM((nch, K), jnp.int32),
            pltpu.VMEM((KUP,), jnp.float32),
            pltpu.VMEM((RPT,), jnp.float32),
            [pltpu.SemaphoreType.DMA] * 4,
        ],
    )
    def hist(dst_hbm, out_hbm, deg_sh, dste, ones_v, zbuf, ssem):
        c = lax.axis_index("c")
        s = lax.axis_index("s")
        w = c * NS + s
        for i in range(RPT // 16):
            zbuf[pl.ds(i * 16, 16)] = jnp.zeros((16,), jnp.float32)
        for i in range(KUP // 16):
            ones_v[pl.ds(i * 16, 16)] = jnp.ones((16,), jnp.float32)
        pltpu.sync_copy(zbuf, deg_sh.at[pl.ds(s * RPT, RPT)])
        pltpu.sync_copy(dst_hbm.at[w], dste)
        plsc.subcore_barrier()

        def scat1(j, sem):
            pltpu.async_copy(ones_v.at[pl.ds(0, K)],
                             deg_sh.at[dste.at[j]], sem, add=True)

        def drain(sem):
            pltpu.make_async_copy(ones_v.at[pl.ds(0, K)],
                                  deg_sh.at[dste.at[0]], sem).wait()

        def body(ti, carry):
            for k in range(4):
                j = 4 * ti + k

                @pl.when(j >= 4)
                def _():
                    drain(ssem[k])

                scat1(j, ssem[k])
            return carry

        lax.fori_loop(0, nch // 4, body, 0)
        for k in range(4):
            drain(ssem[k])
        plsc.subcore_barrier()
        pltpu.sync_copy(deg_sh.at[pl.ds(s * RPT, RPT)],
                        out_hbm.at[pl.ds(c * MDEG + s * RPT, RPT)])

    return hist


def _make_scatter(NPAD, D, E, K, GB):
    EPW = E // NW
    nch = EPW // K
    nblk = nch // GB
    RPT = NPAD // NS
    assert nch % GB == 0 and nblk % 2 == 0 and GB % 2 == 0

    @functools.partial(
        pl.kernel,
        out_type=jax.ShapeDtypeStruct((NC * NPAD, D), jnp.bfloat16),
        mesh=_sc_mesh(),
        compiler_params=pltpu.CompilerParams(use_tc_tiling_on_sc=False),
        scratch_types=[
            pltpu.VMEM_SHARED((NPAD, D), jnp.bfloat16),
            pltpu.VMEM((GB, K), jnp.int32),
            pltpu.VMEM((GB, K), jnp.int32),
            pltpu.VMEM((nch, K), jnp.int32),
            [pltpu.VMEM((K, D), jnp.bfloat16)] * 8,
            [pltpu.SemaphoreType.DMA] * 8,
            [pltpu.SemaphoreType.DMA] * 8,
            pltpu.SemaphoreType.DMA,
            pltpu.SemaphoreType.DMA,
        ],
    )
    def scat(gbf_hbm, src_hbm, dst_hbm, out_hbm,
             acc_sh, ixa, ixb, dsta, rows, gsem, ssem, sem_ia, sem_ib):
        c = lax.axis_index("c")
        s = lax.axis_index("s")
        w = c * NS + s
        pltpu.sync_copy(dst_hbm.at[w], dsta)
        pltpu.sync_copy(gbf_hbm.at[pl.ds(s * RPT, RPT)],
                        acc_sh.at[pl.ds(s * RPT, RPT)])
        plsc.subcore_barrier()

        def stage(b, buf, sem):
            return pltpu.async_copy(
                src_hbm.at[w, pl.ds(b * GB, GB)], buf, sem)

        def wait_stage(buf, sem):
            pltpu.make_async_copy(src_hbm.at[w, pl.ds(0, GB)], buf, sem).wait()

        def gather(ix, t, buf, sem):
            pltpu.async_copy(gbf_hbm.at[ix.at[t]], buf, sem)

        def wait_rows(buf, sem):
            pltpu.make_async_copy(gbf_hbm.at[ixa.at[0]], buf, sem).wait()

        def scatter(j, buf, sem):
            pltpu.async_copy(buf, acc_sh.at[dsta.at[j]], sem, add=True)

        def wait_scat(buf, sem):
            pltpu.make_async_copy(buf, acc_sh.at[dsta.at[0]], sem).wait()

        DEPTH = 4
        NB = 2 * DEPTH

        def step(jglob, ix, t, gx, gt, has_g, q):
            q2 = (q + DEPTH) % NB
            wait_rows(rows[q], gsem[q])
            scatter(jglob, rows[q], ssem[q])

            @pl.when(jglob >= DEPTH)
            def _():
                wait_scat(rows[q2], ssem[q2])

            @pl.when(has_g)
            def _():
                gather(gx, gt, rows[q2], gsem[q2])

        def block(b, ix, nxt_ix, nxt_sem, has_next):
            for t in range(DEPTH):
                step(b * GB + t, ix, t, ix, t + DEPTH, jnp.bool_(True), t)

            @pl.when(has_next)
            def _():
                wait_stage(nxt_ix, nxt_sem)

            for t in range(DEPTH, NB):
                step(b * GB + t, ix, t, nxt_ix, t - DEPTH, has_next, t)

        stage(0, ixa, sem_ia).wait()
        stage(1, ixb, sem_ib)
        for t in range(DEPTH):
            gather(ixa, t, rows[t], gsem[t])

        def outer2(bi, carry):
            b0 = 2 * bi
            block(b0, ixa, ixb, sem_ib, b0 + 1 < nblk)

            @pl.when(b0 + 2 < nblk)
            def _():
                stage(b0 + 2, ixa, sem_ia)

            block(b0 + 1, ixb, ixa, sem_ia, b0 + 2 < nblk)

            @pl.when(b0 + 3 < nblk)
            def _():
                stage(b0 + 3, ixb, sem_ib)

            return carry

        lax.fori_loop(0, nblk // 2, outer2, 0)
        for j in range(nch - DEPTH, nch):
            wait_scat(rows[j % NB], ssem[j % NB])
        plsc.subcore_barrier()
        pltpu.sync_copy(acc_sh.at[pl.ds(s * RPT, RPT)],
                        out_hbm.at[pl.ds(c * NPAD + s * RPT, RPT)])

    return scat


def _matmul_scale(x, W, d0, d1, NPAD):
    N, Din = x.shape
    Dout = W.shape[1]
    BN = 1000

    def body(x_ref, w_ref, d0_ref, d1_ref, gbf_ref, dinv_ref):
        dinv = lax.rsqrt(d0_ref[...] + d1_ref[...] + 1.0)
        h = jnp.dot(x_ref[...], w_ref[...],
                    preferred_element_type=jnp.float32)
        gbf_ref[...] = (h * dinv).astype(jnp.bfloat16)
        dinv_ref[...] = dinv

    return pl.pallas_call(
        body,
        grid=(N // BN,),
        in_specs=[
            pl.BlockSpec((BN, Din), lambda i: (i, 0)),
            pl.BlockSpec((Din, Dout), lambda i: (0, 0)),
            pl.BlockSpec((BN, 1), lambda i: (i, 0)),
            pl.BlockSpec((BN, 1), lambda i: (i, 0)),
        ],
        out_specs=[
            pl.BlockSpec((BN, Dout), lambda i: (i, 0)),
            pl.BlockSpec((BN, 1), lambda i: (i, 0)),
        ],
        out_shape=[
            jax.ShapeDtypeStruct((NPAD, Dout), jnp.bfloat16),
            jax.ShapeDtypeStruct((N, 1), jnp.float32),
        ],
    )(x, W, d0, d1)


def _final(acc, g, dinv, b2d, N):
    D = g.shape[1]
    BN = 1000

    def body(a_ref, g_ref, dinv_ref, b_ref, o_ref):
        a = a_ref[...].astype(jnp.float32)
        o_ref[...] = (dinv_ref[...]
                      * (a[0] + a[1] - g_ref[...].astype(jnp.float32))
                      + b_ref[...])

    return pl.pallas_call(
        body,
        grid=(N // BN,),
        in_specs=[
            pl.BlockSpec((2, BN, D), lambda i: (0, i, 0)),
            pl.BlockSpec((BN, D), lambda i: (i, 0)),
            pl.BlockSpec((BN, 1), lambda i: (i, 0)),
            pl.BlockSpec((1, D), lambda i: (0, 0)),
        ],
        out_specs=pl.BlockSpec((BN, D), lambda i: (i, 0)),
        out_shape=jax.ShapeDtypeStruct((N, D), jnp.float32),
    )(acc, g, dinv, b2d)


def kernel(x, edge_index, t_embed, W, b):
    N, Din = x.shape
    Dout = W.shape[1]
    E = edge_index.shape[1]
    src = edge_index[0]
    dst = edge_index[1]

    NPAD = 10240
    KH = 125
    K = 125
    GB = 8

    nch = E // NW // K
    src3d = src.reshape(NW, nch, K)
    dst3d = dst.reshape(NW, nch, K)

    degp = _make_hist(E, NPAD, KH)(dst3d)
    d0 = degp[:N].reshape(N, 1)
    d1 = degp[NPAD:NPAD + N].reshape(N, 1)

    gbf, dinv = _matmul_scale(x, W, d0, d1, NPAD)

    acc = _make_scatter(NPAD, Dout, E, K, GB)(gbf, src3d, dst3d)
    acc = acc.reshape(NC, NPAD, Dout)

    out = _final(acc, gbf, dinv, b.reshape(1, Dout), N)
    return (out, edge_index, t_embed)

# --- scband reference (transcript-rebuilt; emitter-appended) ---
"""Pipeline reference for scband-gconv-layer-11312943858313 (READ-ONLY COPY).

The authoritative reference and input builder live on the scoring server;
editing this copy changes nothing except your own understanding.
"""

import jax, jax.numpy as jnp
import numpy as np

N = 10000
E = 320000
D_IN = 128
D_OUT = 128


def setup_inputs(seed: int = 0) -> dict:
    key = jax.random.key(seed)
    k1, k2, k3, k4 = jax.random.split(key, 4)
    x = jax.random.normal(k1, (N, D_IN), dtype=jnp.float32)
    edge_index = jax.random.randint(k2, (2, E), 0, N, dtype=jnp.int32)
    t_embed = jax.random.normal(k3, (N, D_IN), dtype=jnp.float32)
    # GCNConv learned params: linear weight (no bias in matmul, bias added post-aggregation)
    W = (jax.random.normal(k4, (D_IN, D_OUT), dtype=jnp.float32) / np.sqrt(D_IN)).astype(jnp.float32)
    b = jnp.zeros((D_OUT,), dtype=jnp.float32)
    return {"x": x, "edge_index": edge_index, "t_embed": t_embed, "W": W, "b": b}


def gcn_forward(x, edge_index, W, b):
    # Faithful PyG GCNConv: add self-loops, symmetric deg^{-1/2} A deg^{-1/2} normalization,
    # linear transform, scatter-add aggregation from src to dst, bias after aggregation.
    n = x.shape[0]
    src = edge_index[0]
    dst = edge_index[1]
    loop = jnp.arange(n, dtype=src.dtype)
    src = jnp.concatenate([src, loop])
    dst = jnp.concatenate([dst, loop])
    ones = jnp.ones_like(dst, dtype=x.dtype)
    deg = jax.ops.segment_sum(ones, dst, num_segments=n)
    dinv = jnp.where(deg > 0, jax.lax.rsqrt(deg), 0.0)
    norm = dinv[src] * dinv[dst]
    h = x @ W
    msgs = h[src] * norm[:, None]
    out = jax.ops.segment_sum(msgs, dst, num_segments=n) + b
    return out


def reference(x, edge_index, t_embed, W, b):
    # forward(x_in): x, data, t_embed = x_in; edge_index = data.edge_index
    # returns (GCNConv(x, edge_index), data, t_embed); data is represented by edge_index.
    out = gcn_forward(x, edge_index, W, b)
    return (out, edge_index, t_embed)

if __name__ == "__main__":
    import jax
    _d = setup_inputs()
    print(jax.jit(kernel)(*tuple(_d.values())))

</pallas_src>

<mosaic_0001>
#map = affine_map<(d0, d1) -> (0, 0, 0)>
#map1 = affine_map<(d0, d1) -> (0)>
module attributes {stable_mosaic.version = 14 : i64} {
  func.func @hist(%arg0: i32, %arg1: i32, %arg2: memref<32x80x125xi32, #tpu.memory_space<hbm>>, %arg3: memref<20480xf32, #tpu.memory_space<hbm>>, %arg4: memref<10240xf32, #tpu.memory_space<vmem_shared>>, %arg5: memref<80x125xi32, #tpu.memory_space<vmem>>, %arg6: memref<128xf32, #tpu.memory_space<vmem>>, %arg7: memref<640xf32, #tpu.memory_space<vmem>>, %arg8: memref<!tpu.dma_semaphore, #tpu.memory_space<semaphore_mem>>, %arg9: memref<!tpu.dma_semaphore, #tpu.memory_space<semaphore_mem>>, %arg10: memref<!tpu.dma_semaphore, #tpu.memory_space<semaphore_mem>>, %arg11: memref<!tpu.dma_semaphore, #tpu.memory_space<semaphore_mem>>) attributes {dimension_semantics = [#tpu.dimension_semantics<core_parallel>, #tpu.dimension_semantics<subcore_parallel>], iteration_bounds = array<i64: 2, 16>, scalar_prefetch = 0 : i64, scratch_operands = 8 : i64, tpu.core_type = #tpu.core_type<sc_vector_subcore>, window_params = [{transform_indices = #map}, {transform_indices = #map1}]} {
    %mul3A = arith.constant 16 : i32
    %mul3A_0 = arith.muli %arg0, %mul3A : i32
    %add3A = arith.addi %mul3A_0, %arg1 : i32
    %broadcast_in_dim3A = arith.constant 0.000000e+00 : f32
    %broadcast_in_dim3A_1 = vector.broadcast %broadcast_in_dim3A : f32 to vector<16xf32>
    %swap3A = arith.constant 0 : index
    %swap3A_2 = tpu.vector_load %arg7[%swap3A] {strides = array<i32>} : memref<640xf32, #tpu.memory_space<vmem>>, vector<16xf32>,
    %swap3A_3 = vector.shape_cast %swap3A_2 : vector<16xf32> to vector<16xf32>
    %swap3A_4 = vector.shape_cast %broadcast_in_dim3A_1 : vector<16xf32> to vector<16xf32>
    tpu.vector_store %arg7[%swap3A], %swap3A_4 {strides = array<i32>} : memref<640xf32, #tpu.memory_space<vmem>>, vector<16xf32>,
    %broadcast_in_dim3A_5 = arith.constant 0.000000e+00 : f32
    %broadcast_in_dim3A_6 = vector.broadcast %broadcast_in_dim3A_5 : f32 to vector<16xf32>
    %swap3A_7 = arith.constant 16 : index
    %swap3A_8 = tpu.vector_load %arg7[%swap3A_7] {strides = array<i32>} : memref<640xf32, #tpu.memory_space<vmem>>, vector<16xf32>,
    %swap3A_9 = vector.shape_cast %swap3A_8 : vector<16xf32> to vector<16xf32>
    %swap3A_10 = vector.shape_cast %broadcast_in_dim3A_6 : vector<16xf32> to vector<16xf32>
    tpu.vector_store %arg7[%swap3A_7], %swap3A_10 {strides = array<i32>} : memref<640xf32, #tpu.memory_space<vmem>>, vector<16xf32>,
    %broadcast_in_dim3A_11 = arith.constant 0.000000e+00 : f32
    %broadcast_in_dim3A_12 = vector.broadcast %broadcast_in_dim3A_11 : f32 to vector<16xf32>
    %swap3A_13 = arith.constant 32 : index
    %swap3A_14 = tpu.vector_load %arg7[%swap3A_13] {strides = array<i32>} : memref<640xf32, #tpu.memory_space<vmem>>, vector<16xf32>,
    %swap3A_15 = vector.shape_cast %swap3A_14 : vector<16xf32> to vector<16xf32>
    %swap3A_16 = vector.shape_cast %broadcast_in_dim3A_12 : vector<16xf32> to vector<16xf32>
    tpu.vector_store %arg7[%swap3A_13], %swap3A_16 {strides = array<i32>} : memref<640xf32, #tpu.memory_space<vmem>>, vector<16xf32>,
    %broadcast_in_dim3A_17 = arith.constant 0.000000e+00 : f32
    %broadcast_in_dim3A_18 = vector.broadcast %broadcast_in_dim3A_17 : f32 to vector<16xf32>
    %swap3A_19 = arith.constant 48 : index
    %swap3A_20 = tpu.vector_load %arg7[%swap3A_19] {strides = array<i32>} : memref<640xf32, #tpu.memory_space<vmem>>, vector<16xf32>,
    %swap3A_21 = vector.shape_cast %swap3A_20 : vector<16xf32> to vector<16xf32>
    %swap3A_22 = vector.shape_cast %broadcast_in_dim3A_18 : vector<16xf32> to vector<16xf32>
    tpu.vector_store %arg7[%swap3A_19], %swap3A_22 {strides = array<i32>} : memref<640xf32, #tpu.memory_space<vmem>>, vector<16xf32>,
    %broadcast_in_dim3A_23 = arith.constant 0.000000e+00 : f32
    %broadcast_in_dim3A_24 = vector.broadcast %broadcast_in_dim3A_23 : f32 to vector<16xf32>
    %swap3A_25 = arith.constant 64 : index
    %swap3A_26 = tpu.vector_load %arg7[%swap3A_25] {strides = array<i32>} : memref<640xf32, #tpu.memory_space<vmem>>, vector<16xf32>,
    %swap3A_27 = vector.shape_cast %swap3A_26 : vector<16xf32> to vector<16xf32>
    %swap3A_28 = vector.shape_cast %broadcast_in_dim3A_24 : vector<16xf32> to vector<16xf32>
    tpu.vector_store %arg7[%swap3A_25], %swap3A_28 {strides = array<i32>} : memref<640xf32, #tpu.memory_space<vmem>>, vector<16xf32>,
    %broadcast_in_dim3A_29 = arith.constant 0.000000e+00 : f32
    %broadcast_in_dim3A_30 = vector.broadcast %broadcast_in_dim3A_29 : f32 to vector<16xf32>
    %swap3A_31 = arith.constant 80 : index
    %swap3A_32 = tpu.vector_load %arg7[%swap3A_31] {strides = array<i32>} : memref<640xf32, #tpu.memory_space<vmem>>, vector<16xf32>,
    %swap3A_33 = vector.shape_cast %swap3A_32 : vector<16xf32> to vector<16xf32>
    %swap3A_34 = vector.shape_cast %broadcast_in_dim3A_30 : vector<16xf32> to vector<16xf32>
    tpu.vector_store %arg7[%swap3A_31], %swap3A_34 {strides = array<i32>} : memref<640xf32, #tpu.memory_space<vmem>>, vector<16xf32>,
    %broadcast_in_dim3A_35 = arith.constant 0.000000e+00 : f32
    %broadcast_in_dim3A_36 = vector.broadcast %broadcast_in_dim3A_35 : f32 to vector<16xf32>
    %swap3A_37 = arith.constant 96 : index
    %swap3A_38 = tpu.vector_load %arg7[%swap3A_37] {strides = array<i32>} : memref<640xf32, #tpu.memory_space<vmem>>, vector<16xf32>,
    %swap3A_39 = vector.shape_cast %swap3A_38 : vector<16xf32> to vector<16xf32>
    %swap3A_40 = vector.shape_cast %broadcast_in_dim3A_36 : vector<16xf32> to vector<16xf32>
    tpu.vector_store %arg7[%swap3A_37], %swap3A_40 {strides = array<i32>} : memref<640xf32, #tpu.memory_space<vmem>>, vector<16xf32>,
    %broadcast_in_dim3A_41 = arith.constant 0.000000e+00 : f32
    %broadcast_in_dim3A_42 = vector.broadcast %broadcast_in_dim3A_41 : f32 to vector<16xf32>
    %swap3A_43 = arith.constant 112 : index
    %swap3A_44 = tpu.vector_load %arg7[%swap3A_43] {strides = array<i32>} : memref<640xf32, #tpu.memory_space<vmem>>, vector<16xf32>,
    %swap3A_45 = vector.shape_cast %swap3A_44 : vector<16xf32> to vector<16xf32>
    %swap3A_46 = vector.shape_cast %broadcast_in_dim3A_42 : vector<16xf32> to vector<16xf32>
    tpu.vector_store %arg7[%swap3A_43], %swap3A_46 {strides = array<i32>} : memref<640xf32, #tpu.memory_space<vmem>>, vector<16xf32>,
    %broadcast_in_dim3A_47 = arith.constant 0.000000e+00 : f32
    %broadcast_in_dim3A_48 = vector.broadcast %broadcast_in_dim3A_47 : f32 to vector<16xf32>
    %swap3A_49 = arith.constant 128 : index
    %swap3A_50 = tpu.vector_load %arg7[%swap3A_49] {strides = array<i32>} : memref<640xf32, #tpu.memory_space<vmem>>, vector<16xf32>,
    %swap3A_51 = vector.shape_cast %swap3A_50 : vector<16xf32> to vector<16xf32>
    %swap3A_52 = vector.shape_cast %broadcast_in_dim3A_48 : vector<16xf32> to vector<16xf32>
    tpu.vector_store %arg7[%swap3A_49], %swap3A_52 {strides = array<i32>} : memref<640xf32, #tpu.memory_space<vmem>>, vector<16xf32>,
    %broadcast_in_dim3A_53 = arith.constant 0.000000e+00 : f32
    %broadcast_in_dim3A_54 = vector.broadcast %broadcast_in_dim3A_53 : f32 to vector<16xf32>
    %swap3A_55 = arith.constant 144 : index
    %swap3A_56 = tpu.vector_load %arg7[%swap3A_55] {strides = array<i32>} : memref<640xf32, #tpu.memory_space<vmem>>, vector<16xf32>,
    %swap3A_57 = vector.shape_cast %swap3A_56 : vector<16xf32> to vector<16xf32>
    %swap3A_58 = vector.shape_cast %broadcast_in_dim3A_54 : vector<16xf32> to vector<16xf32>
    tpu.vector_store %arg7[%swap3A_55], %swap3A_58 {strides = array<i32>} : memref<640xf32, #tpu.memory_space<vmem>>, vector<16xf32>,
    %broadcast_in_dim3A_59 = arith.constant 0.000000e+00 : f32
    %broadcast_in_dim3A_60 = vector.broadcast %broadcast_in_dim3A_59 : f32 to vector<16xf32>
    %swap3A_61 = arith.constant 160 : index
    %swap3A_62 = tpu.vector_load %arg7[%swap3A_61] {strides = array<i32>} : memref<640xf32, #tpu.memory_space<vmem>>, vector<16xf32>,
    %swap3A_63 = vector.shape_cast %swap3A_62 : vector<16xf32> to vector<16xf32>
    %swap3A_64 = vector.shape_cast %broadcast_in_dim3A_60 : vector<16xf32> to vector<16xf32>
    tpu.vector_store %arg7[%swap3A_61], %swap3A_64 {strides = array<i32>} : memref<640xf32, #tpu.memory_space<vmem>>, vector<16xf32>,
    %broadcast_in_dim3A_65 = arith.constant 0.000000e+00 : f32
    %broadcast_in_dim3A_66 = vector.broadcast %broadcast_in_dim3A_65 : f32 to vector<16xf32>
    %swap3A_67 = arith.constant 176 : index
    %swap3A_68 = tpu.vector_load %arg7[%swap3A_67] {strides = array<i32>} : memref<640xf32, #tpu.memory_space<vmem>>, vector<16xf32>,
    %swap3A_69 = vector.shape_cast %swap3A_68 : vector<16xf32> to vector<16xf32>
    %swap3A_70 = vector.shape_cast %broadcast_in_dim3A_66 : vector<16xf32> to vector<16xf32>
    tpu.vector_store %arg7[%swap3A_67], %swap3A_70 {strides = array<i32>} : memref<640xf32, #tpu.memory_space<vmem>>, vector<16xf32>,
    %broadcast_in_dim3A_71 = arith.constant 0.000000e+00 : f32
    %broadcast_in_dim3A_72 = vector.broadcast %broadcast_in_dim3A_71 : f32 to vector<16xf32>
    %swap3A_73 = arith.constant 192 : index
    %swap3A_74 = tpu.vector_load %arg7[%swap3A_73] {strides = array<i32>} : memref<640xf32, #tpu.memory_space<vmem>>, vector<16xf32>,
    %swap3A_75 = vector.shape_cast %swap3A_74 : vector<16xf32> to vector<16xf32>
    %swap3A_76 = vector.shape_cast %broadcast_in_dim3A_72 : vector<16xf32> to vector<16xf32>
    tpu.vector_store %arg7[%swap3A_73], %swap3A_76 {strides = array<i32>} : memref<640xf32, #tpu.memory_space<vmem>>, vector<16xf32>,
    %broadcast_in_dim3A_77 = arith.constant 0.000000e+00 : f32
    %broadcast_in_dim3A_78 = vector.broadcast %broadcast_in_dim3A_77 : f32 to vector<16xf32>
    %swap3A_79 = arith.constant 208 : index
    %swap3A_80 = tpu.vector_load %arg7[%swap3A_79] {strides = array<i32>} : memref<640xf32, #tpu.memory_space<vmem>>, vector<16xf32>,
    %swap3A_81 = vector.shape_cast %swap3A_80 : vector<16xf32> to vector<16xf32>
    %swap3A_82 = vector.shape_cast %broadcast_in_dim3A_78 : vector<16xf32> to vector<16xf32>
    tpu.vector_store %arg7[%swap3A_79], %swap3A_82 {strides = array<i32>} : memref<640xf32, #tpu.memory_space<vmem>>, vector<16xf32>,
    %broadcast_in_dim3A_83 = arith.constant 0.000000e+00 : f32
    %broadcast_in_dim3A_84 = vector.broadcast %broadcast_in_dim3A_83 : f32 to vector<16xf32>
    %swap3A_85 = arith.constant 224 : index
    %swap3A_86 = tpu.vector_load %arg7[%swap3A_85] {strides = array<i32>} : memref<640xf32, #tpu.memory_space<vmem>>, vector<16xf32>,
    %swap3A_87 = vector.shape_cast %swap3A_86 : vector<16xf32> to vector<16xf32>
    %swap3A_88 = vector.shape_cast %broadcast_in_dim3A_84 : vector<16xf32> to vector<16xf32>
    tpu.vector_store %arg7[%swap3A_85], %swap3A_88 {strides = array<i32>} : memref<640xf32, #tpu.memory_space<vmem>>, vector<16xf32>,
    %broadcast_in_dim3A_89 = arith.constant 0.000000e+00 : f32
    %broadcast_in_dim3A_90 = vector.broadcast %broadcast_in_dim3A_89 : f32 to vector<16xf32>
    %swap3A_91 = arith.constant 240 : index
    %swap3A_92 = tpu.vector_load %arg7[%swap3A_91] {strides = array<i32>} : memref<640xf32, #tpu.memory_space<vmem>>, vector<16xf32>,
    %swap3A_93 = vector.shape_cast %swap3A_92 : vector<16xf32> to vector<16xf32>
    %swap3A_94 = vector.shape_cast %broadcast_in_dim3A_90 : vector<16xf32> to vector<16xf32>
    tpu.vector_store %arg7[%swap3A_91], %swap3A_94 {strides = array<i32>} : memref<640xf32, #tpu.memory_space<vmem>>, vector<16xf32>,
    %broadcast_in_dim3A_95 = arith.constant 0.000000e+00 : f32
    %broadcast_in_dim3A_96 = vector.broadcast %broadcast_in_dim3A_95 : f32 to vector<16xf32>
    %swap3A_97 = arith.constant 256 : index
    %swap3A_98 = tpu.vector_load %arg7[%swap3A_97] {strides = array<i32>} : memref<640xf32, #tpu.memory_space<vmem>>, vector<16xf32>,
    %swap3A_99 = vector.shape_cast %swap3A_98 : vector<16xf32> to vector<16xf32>
    %swap3A_100 = vector.shape_cast %broadcast_in_dim3A_96 : vector<16xf32> to vector<16xf32>
    tpu.vector_store %arg7[%swap3A_97], %swap3A_100 {strides = array<i32>} : memref<640xf32, #tpu.memory_space<vmem>>, vector<16xf32>,
    %broadcast_in_dim3A_101 = arith.constant 0.000000e+00 : f32
    %broadcast_in_dim3A_102 = vector.broadcast %broadcast_in_dim3A_101 : f32 to vector<16xf32>
    %swap3A_103 = arith.constant 272 : index
    %swap3A_104 = tpu.vector_load %arg7[%swap3A_103] {strides = array<i32>} : memref<640xf32, #tpu.memory_space<vmem>>, vector<16xf32>,
    %swap3A_105 = vector.shape_cast %swap3A_104 : vector<16xf32> to vector<16xf32>
    %swap3A_106 = vector.shape_cast %broadcast_in_dim3A_102 : vector<16xf32> to vector<16xf32>
    tpu.vector_store %arg7[%swap3A_103], %swap3A_106 {strides = array<i32>} : memref<640xf32, #tpu.memory_space<vmem>>, vector<16xf32>,
    %broadcast_in_dim3A_107 = arith.constant 0.000000e+00 : f32
    %broadcast_in_dim3A_108 = vector.broadcast %broadcast_in_dim3A_107 : f32 to vector<16xf32>
    %swap3A_109 = arith.constant 288 : index
    %swap3A_110 = tpu.vector_load %arg7[%swap3A_109] {strides = array<i32>} : memref<640xf32, #tpu.memory_space<vmem>>, vector<16xf32>,
    %swap3A_111 = vector.shape_cast %swap3A_110 : vector<16xf32> to vector<16xf32>
    %swap3A_112 = vector.shape_cast %broadcast_in_dim3A_108 : vector<16xf32> to vector<16xf32>
    tpu.vector_store %arg7[%swap3A_109], %swap3A_112 {strides = array<i32>} : memref<640xf32, #tpu.memory_space<vmem>>, vector<16xf32>,
    %broadcast_in_dim3A_113 = arith.constant 0.000000e+00 : f32
    %broadcast_in_dim3A_114 = vector.broadcast %broadcast_in_dim3A_113 : f32 to vector<16xf32>
    %swap3A_115 = arith.constant 304 : index
    %swap3A_116 = tpu.vector_load %arg7[%swap3A_115] {strides = array<i32>} : memref<640xf32, #tpu.memory_space<vmem>>, vector<16xf32>,
    %swap3A_117 = vector.shape_cast %swap3A_116 : vector<16xf32> to vector<16xf32>
    %swap3A_118 = vector.shape_cast %broadcast_in_dim3A_114 : vector<16xf32> to vector<16xf32>
    tpu.vector_store %arg7[%swap3A_115], %swap3A_118 {strides = array<i32>} : memref<640xf32, #tpu.memory_space<vmem>>, vector<16xf32>,
    %broadcast_in_dim3A_119 = arith.constant 0.000000e+00 : f32
    %broadcast_in_dim3A_120 = vector.broadcast %broadcast_in_dim3A_119 : f32 to vector<16xf32>
    %swap3A_121 = arith.constant 320 : index
    %swap3A_122 = tpu.vector_load %arg7[%swap3A_121] {strides = array<i32>} : memref<640xf32, #tpu.memory_space<vmem>>, vector<16xf32>,
    %swap3A_123 = vector.shape_cast %swap3A_122 : vector<16xf32> to vector<16xf32>
    %swap3A_124 = vector.shape_cast %broadcast_in_dim3A_120 : vector<16xf32> to vector<16xf32>
    tpu.vector_store %arg7[%swap3A_121], %swap3A_124 {strides = array<i32>} : memref<640xf32, #tpu.memory_space<vmem>>, vector<16xf32>,
    %broadcast_in_dim3A_125 = arith.constant 0.000000e+00 : f32
    %broadcast_in_dim3A_126 = vector.broadcast %broadcast_in_dim3A_125 : f32 to vector<16xf32>
    %swap3A_127 = arith.constant 336 : index
    %swap3A_128 = tpu.vector_load %arg7[%swap3A_127] {strides = array<i32>} : memref<640xf32, #tpu.memory_space<vmem>>, vector<16xf32>,
    %swap3A_129 = vector.shape_cast %swap3A_128 : vector<16xf32> to vector<16xf32>
    %swap3A_130 = vector.shape_cast %broadcast_in_dim3A_126 : vector<16xf32> to vector<16xf32>
    tpu.vector_store %arg7[%swap3A_127], %swap3A_130 {strides = array<i32>} : memref<640xf32, #tpu.memory_space<vmem>>, vector<16xf32>,
    %broadcast_in_dim3A_131 = arith.constant 0.000000e+00 : f32
    %broadcast_in_dim3A_132 = vector.broadcast %broadcast_in_dim3A_131 : f32 to vector<16xf32>
    %swap3A_133 = arith.constant 352 : index
    %swap3A_134 = tpu.vector_load %arg7[%swap3A_133] {strides = array<i32>} : memref<640xf32, #tpu.memory_space<vmem>>, vector<16xf32>,
    %swap3A_135 = vector.shape_cast %swap3A_134 : vector<16xf32> to vector<16xf32>
    %swap3A_136 = vector.shape_cast %broadcast_in_dim3A_132 : vector<16xf32> to vector<16xf32>
    tpu.vector_store %arg7[%swap3A_133], %swap3A_136 {strides = array<i32>} : memref<640xf32, #tpu.memory_space<vmem>>, vector<16xf32>,
    %broadcast_in_dim3A_137 = arith.constant 0.000000e+00 : f32
    %broadcast_in_dim3A_138 = vector.broadcast %broadcast_in_dim3A_137 : f32 to vector<16xf32>
    %swap3A_139 = arith.constant 368 : index
    %swap3A_140 = tpu.vector_load %arg7[%swap3A_139] {strides = array<i32>} : memref<640xf32, #tpu.memory_space<vmem>>, vector<16xf32>,
    %swap3A_141 = vector.shape_cast %swap3A_140 : vector<16xf32> to vector<16xf32>
    %swap3A_142 = vector.shape_cast %broadcast_in_dim3A_138 : vector<16xf32> to vector<16xf32>
    tpu.vector_store %arg7[%swap3A_139], %swap3A_142 {strides = array<i32>} : memref<640xf32, #tpu.memory_space<vmem>>, vector<16xf32>,
    %broadcast_in_dim3A_143 = arith.constant 0.000000e+00 : f32
    %broadcast_in_dim3A_144 = vector.broadcast %broadcast_in_dim3A_143 : f32 to vector<16xf32>
    %swap3A_145 = arith.constant 384 : index
    %swap3A_146 = tpu.vector_load %arg7[%swap3A_145] {strides = array<i32>} : memref<640xf32, #tpu.memory_space<vmem>>, vector<16xf32>,
    %swap3A_147 = vector.shape_cast %swap3A_146 : vector<16xf32> to vector<16xf32>
    %swap3A_148 = vector.shape_cast %broadcast_in_dim3A_144 : vector<16xf32> to vector<16xf32>
    tpu.vector_store %arg7[%swap3A_145], %swap3A_148 {strides = array<i32>} : memref<640xf32, #tpu.memory_space<vmem>>, vector<16xf32>,
    %broadcast_in_dim3A_149 = arith.constant 0.000000e+00 : f32
    %broadcast_in_dim3A_150 = vector.broadcast %broadcast_in_dim3A_149 : f32 to vector<16xf32>
    %swap3A_151 = arith.constant 400 : index
    %swap3A_152 = tpu.vector_load %arg7[%swap3A_151] {strides = array<i32>} : memref<640xf32, #tpu.memory_space<vmem>>, vector<16xf32>,
    %swap3A_153 = vector.shape_cast %swap3A_152 : vector<16xf32> to vector<16xf32>
    %swap3A_154 = vector.shape_cast %broadcast_in_dim3A_150 : vector<16xf32> to vector<16xf32>
    tpu.vector_store %arg7[%swap3A_151], %swap3A_154 {strides = array<i32>} : memref<640xf32, #tpu.memory_space<vmem>>, vector<16xf32>,
    %broadcast_in_dim3A_155 = arith.constant 0.000000e+00 : f32
    %broadcast_in_dim3A_156 = vector.broadcast %broadcast_in_dim3A_155 : f32 to vector<16xf32>
    %swap3A_157 = arith.constant 416 : index
    %swap3A_158 = tpu.vector_load %arg7[%swap3A_157] {strides = array<i32>} : memref<640xf32, #tpu.memory_space<vmem>>, vector<16xf32>,
    %swap3A_159 = vector.shape_cast %swap3A_158 : vector<16xf32> to vector<16xf32>
    %swap3A_160 = vector.shape_cast %broadcast_in_dim3A_156 : vector<16xf32> to vector<16xf32>
    tpu.vector_store %arg7[%swap3A_157], %swap3A_160 {strides = array<i32>} : memref<640xf32, #tpu.memory_space<vmem>>, vector<16xf32>,
    %broadcast_in_dim3A_161 = arith.constant 0.000000e+00 : f32
    %broadcast_in_dim3A_162 = vector.broadcast %broadcast_in_dim3A_161 : f32 to vector<16xf32>
    %swap3A_163 = arith.constant 432 : index
    %swap3A_164 = tpu.vector_load %arg7[%swap3A_163] {strides = array<i32>} : memref<640xf32, #tpu.memory_space<vmem>>, vector<16xf32>,
    %swap3A_165 = vector.shape_cast %swap3A_164 : vector<16xf32> to vector<16xf32>
    %swap3A_166 = vector.shape_cast %broadcast_in_dim3A_162 : vector<16xf32> to vector<16xf32>
    tpu.vector_store %arg7[%swap3A_163], %swap3A_166 {strides = array<i32>} : memref<640xf32, #tpu.memory_space<vmem>>, vector<16xf32>,
    %broadcast_in_dim3A_167 = arith.constant 0.000000e+00 : f32
    %broadcast_in_dim3A_168 = vector.broadcast %broadcast_in_dim3A_167 : f32 to vector<16xf32>
    %swap3A_169 = arith.constant 448 : index
    %swap3A_170 = tpu.vector_load %arg7[%swap3A_169] {strides = array<i32>} : memref<640xf32, #tpu.memory_space<vmem>>, vector<16xf32>,
    %swap3A_171 = vector.shape_cast %swap3A_170 : vector<16xf32> to vector<16xf32>
    %swap3A_172 = vector.shape_cast %broadcast_in_dim3A_168 : vector<16xf32> to vector<16xf32>
    tpu.vector_store %arg7[%swap3A_169], %swap3A_172 {strides = array<i32>} : memref<640xf32, #tpu.memory_space<vmem>>, vector<16xf32>,
    %broadcast_in_dim3A_173 = arith.constant 0.000000e+00 : f32
    %broadcast_in_dim3A_174 = vector.broadcast %broadcast_in_dim3A_173 : f32 to vector<16xf32>
    %swap3A_175 = arith.constant 464 : index
    %swap3A_176 = tpu.vector_load %arg7[%swap3A_175] {strides = array<i32>} : memref<640xf32, #tpu.memory_space<vmem>>, vector<16xf32>,
    %swap3A_177 = vector.shape_cast %swap3A_176 : vector<16xf32> to vector<16xf32>
    %swap3A_178 = vector.shape_cast %broadcast_in_dim3A_174 : vector<16xf32> to vector<16xf32>
    tpu.vector_store %arg7[%swap3A_175], %swap3A_178 {strides = array<i32>} : memref<640xf32, #tpu.memory_space<vmem>>, vector<16xf32>,
    %broadcast_in_dim3A_179 = arith.constant 0.000000e+00 : f32
    %broadcast_in_dim3A_180 = vector.broadcast %broadcast_in_dim3A_179 : f32 to vector<16xf32>
    %swap3A_181 = arith.constant 480 : index
    %swap3A_182 = tpu.vector_load %arg7[%swap3A_181] {strides = array<i32>} : memref<640xf32, #tpu.memory_space<vmem>>, vector<16xf32>,
    %swap3A_183 = vector.shape_cast %swap3A_182 : vector<16xf32> to vector<16xf32>
    %swap3A_184 = vector.shape_cast %broadcast_in_dim3A_180 : vector<16xf32> to vector<16xf32>
    tpu.vector_store %arg7[%swap3A_181], %swap3A_184 {strides = array<i32>} : memref<640xf32, #tpu.memory_space<vmem>>, vector<16xf32>,
    %broadcast_in_dim3A_185 = arith.constant 0.000000e+00 : f32
    %broadcast_in_dim3A_186 = vector.broadcast %broadcast_in_dim3A_185 : f32 to vector<16xf32>
    %swap3A_187 = arith.constant 496 : index
    %swap3A_188 = tpu.vector_load %arg7[%swap3A_187] {strides = array<i32>} : memref<640xf32, #tpu.memory_space<vmem>>, vector<16xf32>,
    %swap3A_189 = vector.shape_cast %swap3A_188 : vector<16xf32> to vector<16xf32>
    %swap3A_190 = vector.shape_cast %broadcast_in_dim3A_186 : vector<16xf32> to vector<16xf32>
    tpu.vector_store %arg7[%swap3A_187], %swap3A_190 {strides = array<i32>} : memref<640xf32, #tpu.memory_space<vmem>>, vector<16xf32>,
    %broadcast_in_dim3A_191 = arith.constant 0.000000e+00 : f32
    %broadcast_in_dim3A_192 = vector.broadcast %broadcast_in_dim3A_191 : f32 to vector<16xf32>
    %swap3A_193 = arith.constant 512 : index
    %swap3A_194 = tpu.vector_load %arg7[%swap3A_193] {strides = array<i32>} : memref<640xf32, #tpu.memory_space<vmem>>, vector<16xf32>,
    %swap3A_195 = vector.shape_cast %swap3A_194 : vector<16xf32> to vector<16xf32>
    %swap3A_196 = vector.shape_cast %broadcast_in_dim3A_192 : vector<16xf32> to vector<16xf32>
    tpu.vector_store %arg7[%swap3A_193], %swap3A_196 {strides = array<i32>} : memref<640xf32, #tpu.memory_space<vmem>>, vector<16xf32>,
    %broadcast_in_dim3A_197 = arith.constant 0.000000e+00 : f32
    %broadcast_in_dim3A_198 = vector.broadcast %broadcast_in_dim3A_197 : f32 to vector<16xf32>
    %swap3A_199 = arith.constant 528 : index
    %swap3A_200 = tpu.vector_load %arg7[%swap3A_199] {strides = array<i32>} : memref<640xf32, #tpu.memory_space<vmem>>, vector<16xf32>,
    %swap3A_201 = vector.shape_cast %swap3A_200 : vector<16xf32> to vector<16xf32>
    %swap3A_202 = vector.shape_cast %broadcast_in_dim3A_198 : vector<16xf32> to vector<16xf32>
    tpu.vector_store %arg7[%swap3A_199], %swap3A_202 {strides = array<i32>} : memref<640xf32, #tpu.memory_space<vmem>>, vector<16xf32>,
    %broadcast_in_dim3A_203 = arith.constant 0.000000e+00 : f32
    %broadcast_in_dim3A_204 = vector.broadcast %broadcast_in_dim3A_203 : f32 to vector<16xf32>
    %swap3A_205 = arith.constant 544 : index
    %swap3A_206 = tpu.vector_load %arg7[%swap3A_205] {strides = array<i32>} : memref<640xf32, #tpu.memory_space<vmem>>, vector<16xf32>,
    %swap3A_207 = vector.shape_cast %swap3A_206 : vector<16xf32> to vector<16xf32>
    %swap3A_208 = vector.shape_cast %broadcast_in_dim3A_204 : vector<16xf32> to vector<16xf32>
    tpu.vector_store %arg7[%swap3A_205], %swap3A_208 {strides = array<i32>} : memref<640xf32, #tpu.memory_space<vmem>>, vector<16xf32>,
    %broadcast_in_dim3A_209 = arith.constant 0.000000e+00 : f32
    %broadcast_in_dim3A_210 = vector.broadcast %broadcast_in_dim3A_209 : f32 to vector<16xf32>
    %swap3A_211 = arith.constant 560 : index
    %swap3A_212 = tpu.vector_load %arg7[%swap3A_211] {strides = array<i32>} : memref<640xf32, #tpu.memory_space<vmem>>, vector<16xf32>,
    %swap3A_213 = vector.shape_cast %swap3A_212 : vector<16xf32> to vector<16xf32>
    %swap3A_214 = vector.shape_cast %broadcast_in_dim3A_210 : vector<16xf32> to vector<16xf32>
    tpu.vector_store %arg7[%swap3A_211], %swap3A_214 {strides = array<i32>} : memref<640xf32, #tpu.memory_space<vmem>>, vector<16xf32>,
    %broadcast_in_dim3A_215 = arith.constant 0.000000e+00 : f32
    %broadcast_in_dim3A_216 = vector.broadcast %broadcast_in_dim3A_215 : f32 to vector<16xf32>
    %swap3A_217 = arith.constant 576 : index
    %swap3A_218 = tpu.vector_load %arg7[%swap3A_217] {strides = array<i32>} : memref<640xf32, #tpu.memory_space<vmem>>, vector<16xf32>,
    %swap3A_219 = vector.shape_cast %swap3A_218 : vector<16xf32> to vector<16xf32>
    %swap3A_220 = vector.shape_cast %broadcast_in_dim3A_216 : vector<16xf32> to vector<16xf32>
    tpu.vector_store %arg7[%swap3A_217], %swap3A_220 {strides = array<i32>} : memref<640xf32, #tpu.memory_space<vmem>>, vector<16xf32>,
    %broadcast_in_dim3A_221 = arith.constant 0.000000e+00 : f32
    %broadcast_in_dim3A_222 = vector.broadcast %broadcast_in_dim3A_221 : f32 to vector<16xf32>
    %swap3A_223 = arith.constant 592 : index
    %swap3A_224 = tpu.vector_load %arg7[%swap3A_223] {strides = array<i32>} : memref<640xf32, #tpu.memory_space<vmem>>, vector<16xf32>,
    %swap3A_225 = vector.shape_cast %swap3A_224 : vector<16xf32> to vector<16xf32>
    %swap3A_226 = vector.shape_cast %broadcast_in_dim3A_222 : vector<16xf32> to vector<16xf32>
    tpu.vector_store %arg7[%swap3A_223], %swap3A_226 {strides = array<i32>} : memref<640xf32, #tpu.memory_space<vmem>>, vector<16xf32>,
    %broadcast_in_dim3A_227 = arith.constant 0.000000e+00 : f32
    %broadcast_in_dim3A_228 = vector.broadcast %broadcast_in_dim3A_227 : f32 to vector<16xf32>
    %swap3A_229 = arith.constant 608 : index
    %swap3A_230 = tpu.vector_load %arg7[%swap3A_229] {strides = array<i32>} : memref<640xf32, #tpu.memory_space<vmem>>, vector<16xf32>,
    %swap3A_231 = vector.shape_cast %swap3A_230 : vector<16xf32> to vector<16xf32>
    %swap3A_232 = vector.shape_cast %broadcast_in_dim3A_228 : vector<16xf32> to vector<16xf32>
    tpu.vector_store %arg7[%swap3A_229], %swap3A_232 {strides = array<i32>} : memref<640xf32, #tpu.memory_space<vmem>>, vector<16xf32>,
    %broadcast_in_dim3A_233 = arith.constant 0.000000e+00 : f32
    %broadcast_in_dim3A_234 = vector.broadcast %broadcast_in_dim3A_233 : f32 to vector<16xf32>
    %swap3A_235 = arith.constant 624 : index
    %swap3A_236 = tpu.vector_load %arg7[%swap3A_235] {strides = array<i32>} : memref<640xf32, #tpu.memory_space<vmem>>, vector<16xf32>,
    %swap3A_237 = vector.shape_cast %swap3A_236 : vector<16xf32> to vector<16xf32>
    %swap3A_238 = vector.shape_cast %broadcast_in_dim3A_234 : vector<16xf32> to vector<16xf32>
    tpu.vector_store %arg7[%swap3A_235], %swap3A_238 {strides = array<i32>} : memref<640xf32, #tpu.memory_space<vmem>>, vector<16xf32>,
    %broadcast_in_dim3A_239 = arith.constant 1.000000e+00 : f32
    %broadcast_in_dim3A_240 = vector.broadcast %broadcast_in_dim3A_239 : f32 to vector<16xf32>
    %swap3A_241 = arith.constant 0 : index
    %swap3A_242 = tpu.vector_load %arg6[%swap3A_241] {strides = array<i32>} : memref<128xf32, #tpu.memory_space<vmem>>, vector<16xf32>,
    %swap3A_243 = vector.shape_cast %swap3A_242 : vector<16xf32> to vector<16xf32>
    %swap3A_244 = vector.shape_cast %broadcast_in_dim3A_240 : vector<16xf32> to vector<16xf32>
    tpu.vector_store %arg6[%swap3A_241], %swap3A_244 {strides = array<i32>} : memref<128xf32, #tpu.memory_space<vmem>>, vector<16xf32>,
    %broadcast_in_dim3A_245 = arith.constant 1.000000e+00 : f32
    %broadcast_in_dim3A_246 = vector.broadcast %broadcast_in_dim3A_245 : f32 to vector<16xf32>
    %swap3A_247 = arith.constant 16 : index
    %swap3A_248 = tpu.vector_load %arg6[%swap3A_247] {strides = array<i32>} : memref<128xf32, #tpu.memory_space<vmem>>, vector<16xf32>,
    %swap3A_249 = vector.shape_cast %swap3A_248 : vector<16xf32> to vector<16xf32>
    %swap3A_250 = vector.shape_cast %broadcast_in_dim3A_246 : vector<16xf32> to vector<16xf32>
    tpu.vector_store %arg6[%swap3A_247], %swap3A_250 {strides = array<i32>} : memref<128xf32, #tpu.memory_space<vmem>>, vector<16xf32>,
    %broadcast_in_dim3A_251 = arith.constant 1.000000e+00 : f32
    %broadcast_in_dim3A_252 = vector.broadcast %broadcast_in_dim3A_251 : f32 to vector<16xf32>
    %swap3A_253 = arith.constant 32 : index
    %swap3A_254 = tpu.vector_load %arg6[%swap3A_253] {strides = array<i32>} : memref<128xf32, #tpu.memory_space<vmem>>, vector<16xf32>,
    %swap3A_255 = vector.shape_cast %swap3A_254 : vector<16xf32> to vector<16xf32>
    %swap3A_256 = vector.shape_cast %broadcast_in_dim3A_252 : vector<16xf32> to vector<16xf32>
    tpu.vector_store %arg6[%swap3A_253], %swap3A_256 {strides = array<i32>} : memref<128xf32, #tpu.memory_space<vmem>>, vector<16xf32>,
    %broadcast_in_dim3A_257 = arith.constant 1.000000e+00 : f32
    %broadcast_in_dim3A_258 = vector.broadcast %broadcast_in_dim3A_257 : f32 to vector<16xf32>
    %swap3A_259 = arith.constant 48 : index
    %swap3A_260 = tpu.vector_load %arg6[%swap3A_259] {strides = array<i32>} : memref<128xf32, #tpu.memory_space<vmem>>, vector<16xf32>,
    %swap3A_261 = vector.shape_cast %swap3A_260 : vector<16xf32> to vector<16xf32>
    %swap3A_262 = vector.shape_cast %broadcast_in_dim3A_258 : vector<16xf32> to vector<16xf32>
    tpu.vector_store %arg6[%swap3A_259], %swap3A_262 {strides = array<i32>} : memref<128xf32, #tpu.memory_space<vmem>>, vector<16xf32>,
    %broadcast_in_dim3A_263 = arith.constant 1.000000e+00 : f32
    %broadcast_in_dim3A_264 = vector.broadcast %broadcast_in_dim3A_263 : f32 to vector<16xf32>
    %swap3A_265 = arith.constant 64 : index
    %swap3A_266 = tpu.vector_load %arg6[%swap3A_265] {strides = array<i32>} : memref<128xf32, #tpu.memory_space<vmem>>, vector<16xf32>,
    %swap3A_267 = vector.shape_cast %swap3A_266 : vector<16xf32> to vector<16xf32>
    %swap3A_268 = vector.shape_cast %broadcast_in_dim3A_264 : vector<16xf32> to vector<16xf32>
    tpu.vector_store %arg6[%swap3A_265], %swap3A_268 {strides = array<i32>} : memref<128xf32, #tpu.memory_space<vmem>>, vector<16xf32>,
    %broadcast_in_dim3A_269 = arith.constant 1.000000e+00 : f32
    %broadcast_in_dim3A_270 = vector.broadcast %broadcast_in_dim3A_269 : f32 to vector<16xf32>
    %swap3A_271 = arith.constant 80 : index
    %swap3A_272 = tpu.vector_load %arg6[%swap3A_271] {strides = array<i32>} : memref<128xf32, #tpu.memory_space<vmem>>, vector<16xf32>,
    %swap3A_273 = vector.shape_cast %swap3A_272 : vector<16xf32> to vector<16xf32>
    %swap3A_274 = vector.shape_cast %broadcast_in_dim3A_270 : vector<16xf32> to vector<16xf32>
    tpu.vector_store %arg6[%swap3A_271], %swap3A_274 {strides = array<i32>} : memref<128xf32, #tpu.memory_space<vmem>>, vector<16xf32>,
    %broadcast_in_dim3A_275 = arith.constant 1.000000e+00 : f32
    %broadcast_in_dim3A_276 = vector.broadcast %broadcast_in_dim3A_275 : f32 to vector<16xf32>
    %swap3A_277 = arith.constant 96 : index
    %swap3A_278 = tpu.vector_load %arg6[%swap3A_277] {strides = array<i32>} : memref<128xf32, #tpu.memory_space<vmem>>, vector<16xf32>,
    %swap3A_279 = vector.shape_cast %swap3A_278 : vector<16xf32> to vector<16xf32>
    %swap3A_280 = vector.shape_cast %broadcast_in_dim3A_276 : vector<16xf32> to vector<16xf32>
    tpu.vector_store %arg6[%swap3A_277], %swap3A_280 {strides = array<i32>} : memref<128xf32, #tpu.memory_space<vmem>>, vector<16xf32>,
    %broadcast_in_dim3A_281 = arith.constant 1.000000e+00 : f32
    %broadcast_in_dim3A_282 = vector.broadcast %broadcast_in_dim3A_281 : f32 to vector<16xf32>
    %swap3A_283 = arith.constant 112 : index
    %swap3A_284 = tpu.vector_load %arg6[%swap3A_283] {strides = array<i32>} : memref<128xf32, #tpu.memory_space<vmem>>, vector<16xf32>,
    %swap3A_285 = vector.shape_cast %swap3A_284 : vector<16xf32> to vector<16xf32>
    %swap3A_286 = vector.shape_cast %broadcast_in_dim3A_282 : vector<16xf32> to vector<16xf32>
    tpu.vector_store %arg6[%swap3A_283], %swap3A_286 {strides = array<i32>} : memref<128xf32, #tpu.memory_space<vmem>>, vector<16xf32>,
    %mul3A_287 = arith.constant 640 : i32
    %mul3A_288 = arith.muli %arg1, %mul3A_287 : i32
    "tpu.region"() ({
      %run_scoped3A = tpu.sem_alloc : memref<!tpu.dma_semaphore, #tpu.memory_space<semaphore_mem>>
      %dma_start3A = tpu.memref_slice %arg4[%mul3A_288] : memref<10240xf32, #tpu.memory_space<vmem_shared>> -> memref<640xf32, #tpu.memory_space<vmem_shared>>
      %dma_start3A_333 = tpu.memref_slice %arg4[%mul3A_288] : memref<10240xf32, #tpu.memory_space<vmem_shared>> -> memref<640xf32, #tpu.memory_space<vmem_shared>>
      tpu.enqueue_dma source(%arg7 : memref<640xf32, #tpu.memory_space<vmem>>) target(%dma_start3A_333 : memref<640xf32, #tpu.memory_space<vmem_shared>>) target_semaphore(%run_scoped3A : memref<!tpu.dma_semaphore, #tpu.memory_space<semaphore_mem>>)
      %dma_wait3A_334 = tpu.memref_slice %arg4[%mul3A_288] : memref<10240xf32, #tpu.memory_space<vmem_shared>> -> memref<640xf32, #tpu.memory_space<vmem_shared>>
      %dma_wait3A_335 = tpu.memref_slice %arg4[%mul3A_288] : memref<10240xf32, #tpu.memory_space<vmem_shared>> -> memref<640xf32, #tpu.memory_space<vmem_shared>>
      tpu.wait_dma2 semaphore(%run_scoped3A : memref<!tpu.dma_semaphore, #tpu.memory_space<semaphore_mem>>) src(%arg7 : memref<640xf32, #tpu.memory_space<vmem>>) dst(%dma_wait3A_335 : memref<640xf32, #tpu.memory_space<vmem_shared>>)
      tpu.yield
    }) : () -> ()
    "tpu.region"() ({
      %run_scoped3A = tpu.sem_alloc : memref<!tpu.dma_semaphore, #tpu.memory_space<semaphore_mem>>
      %dma_start3A = arith.constant 0 : i32
      %dma_start3A_333 = arith.constant 0 : i32
      %dma_start3A_334 = tpu.memref_slice %arg2[%add3A, %dma_start3A, %dma_start3A_333] : memref<32x80x125xi32, #tpu.memory_space<hbm>> -> memref<1x80x125xi32, #tpu.memory_space<hbm>>
      %dma_start3A_335 = tpu.memref_squeeze %dma_start3A_334 : memref<1x80x125xi32, #tpu.memory_space<hbm>> -> memref<80x125xi32, #tpu.memory_space<hbm>>
      %dma_start3A_336 = arith.constant 0 : i32
      %dma_start3A_337 = arith.constant 0 : i32
      %dma_start3A_338 = tpu.memref_slice %arg2[%add3A, %dma_start3A_336, %dma_start3A_337] : memref<32x80x125xi32, #tpu.memory_space<hbm>> -> memref<1x80x125xi32, #tpu.memory_space<hbm>>
      %dma_start3A_339 = tpu.memref_squeeze %dma_start3A_338 : memref<1x80x125xi32, #tpu.memory_space<hbm>> -> memref<80x125xi32, #tpu.memory_space<hbm>>
      tpu.enqueue_dma source(%dma_start3A_339 : memref<80x125xi32, #tpu.memory_space<hbm>>) target(%arg5 : memref<80x125xi32, #tpu.memory_space<vmem>>) target_semaphore(%run_scoped3A : memref<!tpu.dma_semaphore, #tpu.memory_space<semaphore_mem>>)
      %dma_wait3A_340 = arith.constant 0 : i32
      %dma_wait3A_341 = arith.constant 0 : i32
      %dma_wait3A_342 = tpu.memref_slice %arg2[%add3A, %dma_wait3A_340, %dma_wait3A_341] : memref<32x80x125xi32, #tpu.memory_space<hbm>> -> memref<1x80x125xi32, #tpu.memory_space<hbm>>
      %dma_wait3A_343 = tpu.memref_squeeze %dma_wait3A_342 : memref<1x80x125xi32, #tpu.memory_space<hbm>> -> memref<80x125xi32, #tpu.memory_space<hbm>>
      %dma_wait3A_344 = arith.constant 0 : i32
      %dma_wait3A_345 = arith.constant 0 : i32
      %dma_wait3A_346 = tpu.memref_slice %arg2[%add3A, %dma_wait3A_344, %dma_wait3A_345] : memref<32x80x125xi32, #tpu.memory_space<hbm>> -> memref<1x80x125xi32, #tpu.memory_space<hbm>>
      %dma_wait3A_347 = tpu.memref_squeeze %dma_wait3A_346 : memref<1x80x125xi32, #tpu.memory_space<hbm>> -> memref<80x125xi32, #tpu.memory_space<hbm>>
      tpu.wait_dma2 semaphore(%run_scoped3A : memref<!tpu.dma_semaphore, #tpu.memory_space<semaphore_mem>>) src(%dma_wait3A_347 : memref<80x125xi32, #tpu.memory_space<hbm>>) dst(%arg5 : memref<80x125xi32, #tpu.memory_space<vmem>>)
      tpu.yield
    }) : () -> ()
    %barrier3A = arith.constant 0 : index
    tpu.barrier barrier_id(%barrier3A)
    %scan3A = arith.constant 0 : i32
    %scan3A_289 = arith.constant 0 : i32
    %scan3A_290 = arith.constant 20 : i32
    %scan3A_291 = arith.addi %scan3A_289, %scan3A_290 : i32
    %scan3A_292 = arith.constant 1 : i32
    scf.for %scan3A_333 = %scan3A_289 to %scan3A_291 step %scan3A_292  : i32 {
      %mul3A_334 = arith.constant 4 : i32
      %mul3A_335 = arith.muli %mul3A_334, %scan3A_333 : i32
      %add3A_336 = arith.constant 0 : i32
      %add3A_337 = arith.addi %mul3A_335, %add3A_336 : i32
      %ge3A = arith.constant 4 : i32
      %ge3A_338 = arith.cmpi sge, %add3A_337, %ge3A : i32
      %convert_element_type3A = arith.extui %ge3A_338 : i1 to i32
      %cond3A = arith.constant 0 : i32
      %cond3A_339 = arith.cmpi ne, %convert_element_type3A, %cond3A : i32
      scf.if %cond3A_339 {
        %dma_wait3A_394 = arith.constant 0 : i32
        %dma_wait3A_395 = arith.constant 0 : i32
        %dma_wait3A_396 = tpu.memref_slice %arg6[%dma_wait3A_395] : memref<128xf32, #tpu.memory_space<vmem>> -> memref<125xf32, #tpu.memory_space<vmem>>
        %dma_wait3A_397 = arith.constant 0 : i32
        %dma_wait3A_398 = tpu.memref_slice %arg5[%dma_wait3A_394, %dma_wait3A_397] : memref<80x125xi32, #tpu.memory_space<vmem>> -> memref<1x125xi32, #tpu.memory_space<vmem>>
        %dma_wait3A_399 = tpu.memref_squeeze %dma_wait3A_398 : memref<1x125xi32, #tpu.memory_space<vmem>> -> memref<125xi32, #tpu.memory_space<vmem>>
        %dma_wait3A_400 = arith.constant 0 : i32
        %dma_wait3A_401 = tpu.memref_slice %arg4[%dma_wait3A_400] : memref<10240xf32, #tpu.memory_space<vmem_shared>> -> memref<10240xf32, #tpu.memory_space<vmem_shared>>
        tpu.wait_indirect_dma semaphore(%arg8 : memref<!tpu.dma_semaphore, #tpu.memory_space<semaphore_mem>>) src(%dma_wait3A_396 : memref<125xf32, #tpu.memory_space<vmem>>) dst(%dma_wait3A_401 : memref<10240xf32, #tpu.memory_space<vmem_shared>>)
      } else {
      }
      %dma_start3A = arith.constant 0 : i32
      %dma_start3A_340 = tpu.memref_slice %arg6[%dma_start3A] : memref<128xf32, #tpu.memory_space<vmem>> -> memref<125xf32, #tpu.memory_space<vmem>>
      %dma_start3A_341 = arith.constant 0 : i32
      %dma_start3A_342 = tpu.memref_slice %arg5[%add3A_337, %dma_start3A_341] : memref<80x125xi32, #tpu.memory_space<vmem>> -> memref<1x125xi32, #tpu.memory_space<vmem>>
      %dma_start3A_343 = tpu.memref_squeeze %dma_start3A_342 : memref<1x125xi32, #tpu.memory_space<vmem>> -> memref<125xi32, #tpu.memory_space<vmem>>
      %dma_start3A_344 = arith.constant 0 : i32
      %dma_start3A_345 = tpu.memref_slice %arg4[%dma_start3A_344] : memref<10240xf32, #tpu.memory_space<vmem_shared>> -> memref<10240xf32, #tpu.memory_space<vmem_shared>>
      tpu.enqueue_indirect_dma source(%dma_start3A_340 : memref<125xf32, #tpu.memory_space<vmem>>) target(%dma_start3A_345 : memref<10240xf32, #tpu.memory_space<vmem_shared>>) offsets(%dma_start3A_343 : memref<125xi32, #tpu.memory_space<vmem>>) semaphore(%arg8 : memref<!tpu.dma_semaphore, #tpu.memory_space<semaphore_mem>>) {add = true}
      %mul3A_346 = arith.constant 4 : i32
      %mul3A_347 = arith.muli %mul3A_346, %scan3A_333 : i32
      %add3A_348 = arith.constant 1 : i32
      %add3A_349 = arith.addi %mul3A_347, %add3A_348 : i32
      %ge3A_350 = arith.constant 4 : i32
      %ge3A_351 = arith.cmpi sge, %add3A_349, %ge3A_350 : i32
      %convert_element_type3A_352 = arith.extui %ge3A_351 : i1 to i32
      %cond3A_353 = arith.constant 0 : i32
      %cond3A_354 = arith.cmpi ne, %convert_element_type3A_352, %cond3A_353 : i32
      scf.if %cond3A_354 {
        %dma_wait3A_394 = arith.constant 0 : i32
        %dma_wait3A_395 = arith.constant 0 : i32
        %dma_wait3A_396 = tpu.memref_slice %arg6[%dma_wait3A_395] : memref<128xf32, #tpu.memory_space<vmem>> -> memref<125xf32, #tpu.memory_space<vmem>>
        %dma_wait3A_397 = arith.constant 0 : i32
        %dma_wait3A_398 = tpu.memref_slice %arg5[%dma_wait3A_394, %dma_wait3A_397] : memref<80x125xi32, #tpu.memory_space<vmem>> -> memref<1x125xi32, #tpu.memory_space<vmem>>
        %dma_wait3A_399 = tpu.memref_squeeze %dma_wait3A_398 : memref<1x125xi32, #tpu.memory_space<vmem>> -> memref<125xi32, #tpu.memory_space<vmem>>
        %dma_wait3A_400 = arith.constant 0 : i32
        %dma_wait3A_401 = tpu.memref_slice %arg4[%dma_wait3A_400] : memref<10240xf32, #tpu.memory_space<vmem_shared>> -> memref<10240xf32, #tpu.memory_space<vmem_shared>>
        tpu.wait_indirect_dma semaphore(%arg9 : memref<!tpu.dma_semaphore, #tpu.memory_space<semaphore_mem>>) src(%dma_wait3A_396 : memref<125xf32, #tpu.memory_space<vmem>>) dst(%dma_wait3A_401 : memref<10240xf32, #tpu.memory_space<vmem_shared>>)
      } else {
      }
      %dma_start3A_355 = arith.constant 0 : i32
      %dma_start3A_356 = tpu.memref_slice %arg6[%dma_start3A_355] : memref<128xf32, #tpu.memory_space<vmem>> -> memref<125xf32, #tpu.memory_space<vmem>>
      %dma_start3A_357 = arith.constant 0 : i32
      %dma_start3A_358 = tpu.memref_slice %arg5[%add3A_349, %dma_start3A_357] : memref<80x125xi32, #tpu.memory_space<vmem>> -> memref<1x125xi32, #tpu.memory_space<vmem>>
      %dma_start3A_359 = tpu.memref_squeeze %dma_start3A_358 : memref<1x125xi32, #tpu.memory_space<vmem>> -> memref<125xi32, #tpu.memory_space<vmem>>
      %dma_start3A_360 = arith.constant 0 : i32
      %dma_start3A_361 = tpu.memref_slice %arg4[%dma_start3A_360] : memref<10240xf32, #tpu.memory_space<vmem_shared>> -> memref<10240xf32, #tpu.memory_space<vmem_shared>>
      tpu.enqueue_indirect_dma source(%dma_start3A_356 : memref<125xf32, #tpu.memory_space<vmem>>) target(%dma_start3A_361 : memref<10240xf32, #tpu.memory_space<vmem_shared>>) offsets(%dma_start3A_359 : memref<125xi32, #tpu.memory_space<vmem>>) semaphore(%arg9 : memref<!tpu.dma_semaphore, #tpu.memory_space<semaphore_mem>>) {add = true}
      %mul3A_362 = arith.constant 4 : i32
      %mul3A_363 = arith.muli %mul3A_362, %scan3A_333 : i32
      %add3A_364 = arith.constant 2 : i32
      %add3A_365 = arith.addi %mul3A_363, %add3A_364 : i32
      %ge3A_366 = arith.constant 4 : i32
      %ge3A_367 = arith.cmpi sge, %add3A_365, %ge3A_366 : i32
      %convert_element_type3A_368 = arith.extui %ge3A_367 : i1 to i32
      %cond3A_369 = arith.constant 0 : i32
      %cond3A_370 = arith.cmpi ne, %convert_element_type3A_368, %cond3A_369 : i32
      scf.if %cond3A_370 {
        %dma_wait3A_394 = arith.constant 0 : i32
        %dma_wait3A_395 = arith.constant 0 : i32
        %dma_wait3A_396 = tpu.memref_slice %arg6[%dma_wait3A_395] : memref<128xf32, #tpu.memory_space<vmem>> -> memref<125xf32, #tpu.memory_space<vmem>>
        %dma_wait3A_397 = arith.constant 0 : i32
        %dma_wait3A_398 = tpu.memref_slice %arg5[%dma_wait3A_394, %dma_wait3A_397] : memref<80x125xi32, #tpu.memory_space<vmem>> -> memref<1x125xi32, #tpu.memory_space<vmem>>
        %dma_wait3A_399 = tpu.memref_squeeze %dma_wait3A_398 : memref<1x125xi32, #tpu.memory_space<vmem>> -> memref<125xi32, #tpu.memory_space<vmem>>
        %dma_wait3A_400 = arith.constant 0 : i32
        %dma_wait3A_401 = tpu.memref_slice %arg4[%dma_wait3A_400] : memref<10240xf32, #tpu.memory_space<vmem_shared>> -> memref<10240xf32, #tpu.memory_space<vmem_shared>>
        tpu.wait_indirect_dma semaphore(%arg10 : memref<!tpu.dma_semaphore, #tpu.memory_space<semaphore_mem>>) src(%dma_wait3A_396 : memref<125xf32, #tpu.memory_space<vmem>>) dst(%dma_wait3A_401 : memref<10240xf32, #tpu.memory_space<vmem_shared>>)
      } else {
      }
      %dma_start3A_371 = arith.constant 0 : i32
      %dma_start3A_372 = tpu.memref_slice %arg6[%dma_start3A_371] : memref<128xf32, #tpu.memory_space<vmem>> -> memref<125xf32, #tpu.memory_space<vmem>>
      %dma_start3A_373 = arith.constant 0 : i32
      %dma_start3A_374 = tpu.memref_slice %arg5[%add3A_365, %dma_start3A_373] : memref<80x125xi32, #tpu.memory_space<vmem>> -> memref<1x125xi32, #tpu.memory_space<vmem>>
      %dma_start3A_375 = tpu.memref_squeeze %dma_start3A_374 : memref<1x125xi32, #tpu.memory_space<vmem>> -> memref<125xi32, #tpu.memory_space<vmem>>
      %dma_start3A_376 = arith.constant 0 : i32
      %dma_start3A_377 = tpu.memref_slice %arg4[%dma_start3A_376] : memref<10240xf32, #tpu.memory_space<vmem_shared>> -> memref<10240xf32, #tpu.memory_space<vmem_shared>>
      tpu.enqueue_indirect_dma source(%dma_start3A_372 : memref<125xf32, #tpu.memory_space<vmem>>) target(%dma_start3A_377 : memref<10240xf32, #tpu.memory_space<vmem_shared>>) offsets(%dma_start3A_375 : memref<125xi32, #tpu.memory_space<vmem>>) semaphore(%arg10 : memref<!tpu.dma_semaphore, #tpu.memory_space<semaphore_mem>>) {add = true}
      %mul3A_378 = arith.constant 4 : i32
      %mul3A_379 = arith.muli %mul3A_378, %scan3A_333 : i32
      %add3A_380 = arith.constant 3 : i32
      %add3A_381 = arith.addi %mul3A_379, %add3A_380 : i32
      %ge3A_382 = arith.constant 4 : i32
      %ge3A_383 = arith.cmpi sge, %add3A_381, %ge3A_382 : i32
      %convert_element_type3A_384 = arith.extui %ge3A_383 : i1 to i32
      %cond3A_385 = arith.constant 0 : i32
      %cond3A_386 = arith.cmpi ne, %convert_element_type3A_384, %cond3A_385 : i32
      scf.if %cond3A_386 {
        %dma_wait3A_394 = arith.constant 0 : i32
        %dma_wait3A_395 = arith.constant 0 : i32
        %dma_wait3A_396 = tpu.memref_slice %arg6[%dma_wait3A_395] : memref<128xf32, #tpu.memory_space<vmem>> -> memref<125xf32, #tpu.memory_space<vmem>>
        %dma_wait3A_397 = arith.constant 0 : i32
        %dma_wait3A_398 = tpu.memref_slice %arg5[%dma_wait3A_394, %dma_wait3A_397] : memref<80x125xi32, #tpu.memory_space<vmem>> -> memref<1x125xi32, #tpu.memory_space<vmem>>
        %dma_wait3A_399 = tpu.memref_squeeze %dma_wait3A_398 : memref<1x125xi32, #tpu.memory_space<vmem>> -> memref<125xi32, #tpu.memory_space<vmem>>
        %dma_wait3A_400 = arith.constant 0 : i32
        %dma_wait3A_401 = tpu.memref_slice %arg4[%dma_wait3A_400] : memref<10240xf32, #tpu.memory_space<vmem_shared>> -> memref<10240xf32, #tpu.memory_space<vmem_shared>>
        tpu.wait_indirect_dma semaphore(%arg11 : memref<!tpu.dma_semaphore, #tpu.memory_space<semaphore_mem>>) src(%dma_wait3A_396 : memref<125xf32, #tpu.memory_space<vmem>>) dst(%dma_wait3A_401 : memref<10240xf32, #tpu.memory_space<vmem_shared>>)
      } else {
      }
      %dma_start3A_387 = arith.constant 0 : i32
      %dma_start3A_388 = tpu.memref_slice %arg6[%dma_start3A_387] : memref<128xf32, #tpu.memory_space<vmem>> -> memref<125xf32, #tpu.memory_space<vmem>>
      %dma_start3A_389 = arith.constant 0 : i32
      %dma_start3A_390 = tpu.memref_slice %arg5[%add3A_381, %dma_start3A_389] : memref<80x125xi32, #tpu.memory_space<vmem>> -> memref<1x125xi32, #tpu.memory_space<vmem>>
      %dma_start3A_391 = tpu.memref_squeeze %dma_start3A_390 : memref<1x125xi32, #tpu.memory_space<vmem>> -> memref<125xi32, #tpu.memory_space<vmem>>
      %dma_start3A_392 = arith.constant 0 : i32
      %dma_start3A_393 = tpu.memref_slice %arg4[%dma_start3A_392] : memref<10240xf32, #tpu.memory_space<vmem_shared>> -> memref<10240xf32, #tpu.memory_space<vmem_shared>>
      tpu.enqueue_indirect_dma source(%dma_start3A_388 : memref<125xf32, #tpu.memory_space<vmem>>) target(%dma_start3A_393 : memref<10240xf32, #tpu.memory_space<vmem_shared>>) offsets(%dma_start3A_391 : memref<125xi32, #tpu.memory_space<vmem>>) semaphore(%arg11 : memref<!tpu.dma_semaphore, #tpu.memory_space<semaphore_mem>>) {add = true}
    }
    %scan3A_293 = arith.constant 20 : i32
    %dma_wait3A = arith.constant 0 : i32
    %dma_wait3A_294 = arith.constant 0 : i32
    %dma_wait3A_295 = tpu.memref_slice %arg6[%dma_wait3A_294] : memref<128xf32, #tpu.memory_space<vmem>> -> memref<125xf32, #tpu.memory_space<vmem>>
    %dma_wait3A_296 = arith.constant 0 : i32
    %dma_wait3A_297 = tpu.memref_slice %arg5[%dma_wait3A, %dma_wait3A_296] : memref<80x125xi32, #tpu.memory_space<vmem>> -> memref<1x125xi32, #tpu.memory_space<vmem>>
    %dma_wait3A_298 = tpu.memref_squeeze %dma_wait3A_297 : memref<1x125xi32, #tpu.memory_space<vmem>> -> memref<125xi32, #tpu.memory_space<vmem>>
    %dma_wait3A_299 = arith.constant 0 : i32
    %dma_wait3A_300 = tpu.memref_slice %arg4[%dma_wait3A_299] : memref<10240xf32, #tpu.memory_space<vmem_shared>> -> memref<10240xf32, #tpu.memory_space<vmem_shared>>
    tpu.wait_indirect_dma semaphore(%arg8 : memref<!tpu.dma_semaphore, #tpu.memory_space<semaphore_mem>>) src(%dma_wait3A_295 : memref<125xf32, #tpu.memory_space<vmem>>) dst(%dma_wait3A_300 : memref<10240xf32, #tpu.memory_space<vmem_shared>>)
    %dma_wait3A_301 = arith.constant 0 : i32
    %dma_wait3A_302 = arith.constant 0 : i32
    %dma_wait3A_303 = tpu.memref_slice %arg6[%dma_wait3A_302] : memref<128xf32, #tpu.memory_space<vmem>> -> memref<125xf32, #tpu.memory_space<vmem>>
    %dma_wait3A_304 = arith.constant 0 : i32
    %dma_wait3A_305 = tpu.memref_slice %arg5[%dma_wait3A_301, %dma_wait3A_304] : memref<80x125xi32, #tpu.memory_space<vmem>> -> memref<1x125xi32, #tpu.memory_space<vmem>>
    %dma_wait3A_306 = tpu.memref_squeeze %dma_wait3A_305 : memref<1x125xi32, #tpu.memory_space<vmem>> -> memref<125xi32, #tpu.memory_space<vmem>>
    %dma_wait3A_307 = arith.constant 0 : i32
    %dma_wait3A_308 = tpu.memref_slice %arg4[%dma_wait3A_307] : memref<10240xf32, #tpu.memory_space<vmem_shared>> -> memref<10240xf32, #tpu.memory_space<vmem_shared>>
    tpu.wait_indirect_dma semaphore(%arg9 : memref<!tpu.dma_semaphore, #tpu.memory_space<semaphore_mem>>) src(%dma_wait3A_303 : memref<125xf32, #tpu.memory_space<vmem>>) dst(%dma_wait3A_308 : memref<10240xf32, #tpu.memory_space<vmem_shared>>)
    %dma_wait3A_309 = arith.constant 0 : i32
    %dma_wait3A_310 = arith.constant 0 : i32
    %dma_wait3A_311 = tpu.memref_slice %arg6[%dma_wait3A_310] : memref<128xf32, #tpu.memory_space<vmem>> -> memref<125xf32, #tpu.memory_space<vmem>>
    %dma_wait3A_312 = arith.constant 0 : i32
    %dma_wait3A_313 = tpu.memref_slice %arg5[%dma_wait3A_309, %dma_wait3A_312] : memref<80x125xi32, #tpu.memory_space<vmem>> -> memref<1x125xi32, #tpu.memory_space<vmem>>
    %dma_wait3A_314 = tpu.memref_squeeze %dma_wait3A_313 : memref<1x125xi32, #tpu.memory_space<vmem>> -> memref<125xi32, #tpu.memory_space<vmem>>
    %dma_wait3A_315 = arith.constant 0 : i32
    %dma_wait3A_316 = tpu.memref_slice %arg4[%dma_wait3A_315] : memref<10240xf32, #tpu.memory_space<vmem_shared>> -> memref<10240xf32, #tpu.memory_space<vmem_shared>>
    tpu.wait_indirect_dma semaphore(%arg10 : memref<!tpu.dma_semaphore, #tpu.memory_space<semaphore_mem>>) src(%dma_wait3A_311 : memref<125xf32, #tpu.memory_space<vmem>>) dst(%dma_wait3A_316 : memref<10240xf32, #tpu.memory_space<vmem_shared>>)
    %dma_wait3A_317 = arith.constant 0 : i32
    %dma_wait3A_318 = arith.constant 0 : i32
    %dma_wait3A_319 = tpu.memref_slice %arg6[%dma_wait3A_318] : memref<128xf32, #tpu.memory_space<vmem>> -> memref<125xf32, #tpu.memory_space<vmem>>
    %dma_wait3A_320 = arith.constant 0 : i32
    %dma_wait3A_321 = tpu.memref_slice %arg5[%dma_wait3A_317, %dma_wait3A_320] : memref<80x125xi32, #tpu.memory_space<vmem>> -> memref<1x125xi32, #tpu.memory_space<vmem>>
    %dma_wait3A_322 = tpu.memref_squeeze %dma_wait3A_321 : memref<1x125xi32, #tpu.memory_space<vmem>> -> memref<125xi32, #tpu.memory_space<vmem>>
    %dma_wait3A_323 = arith.constant 0 : i32
    %dma_wait3A_324 = tpu.memref_slice %arg4[%dma_wait3A_323] : memref<10240xf32, #tpu.memory_space<vmem_shared>> -> memref<10240xf32, #tpu.memory_space<vmem_shared>>
    tpu.wait_indirect_dma semaphore(%arg11 : memref<!tpu.dma_semaphore, #tpu.memory_space<semaphore_mem>>) src(%dma_wait3A_319 : memref<125xf32, #tpu.memory_space<vmem>>) dst(%dma_wait3A_324 : memref<10240xf32, #tpu.memory_space<vmem_shared>>)
    %barrier3A_325 = arith.constant 0 : index
    tpu.barrier barrier_id(%barrier3A_325)
    %mul3A_326 = arith.constant 640 : i32
    %mul3A_327 = arith.muli %arg1, %mul3A_326 : i32
    %mul3A_328 = arith.constant 10240 : i32
    %mul3A_329 = arith.muli %arg0, %mul3A_328 : i32
    %mul3A_330 = arith.constant 640 : i32
    %mul3A_331 = arith.muli %arg1, %mul3A_330 : i32
    %add3A_332 = arith.addi %mul3A_329, %mul3A_331 : i32
    "tpu.region"() ({
      %run_scoped3A = tpu.sem_alloc : memref<!tpu.dma_semaphore, #tpu.memory_space<semaphore_mem>>
      %dma_start3A = tpu.memref_slice %arg3[%add3A_332] : memref<20480xf32, #tpu.memory_space<hbm>> -> memref<640xf32, #tpu.memory_space<hbm>>
      %dma_start3A_333 = tpu.memref_slice %arg4[%mul3A_327] : memref<10240xf32, #tpu.memory_space<vmem_shared>> -> memref<640xf32, #tpu.memory_space<vmem_shared>>
      tpu.enqueue_dma source(%dma_start3A_333 : memref<640xf32, #tpu.memory_space<vmem_shared>>) target(%dma_start3A : memref<640xf32, #tpu.memory_space<hbm>>) target_semaphore(%run_scoped3A : memref<!tpu.dma_semaphore, #tpu.memory_space<semaphore_mem>>)
      %dma_wait3A_334 = tpu.memref_slice %arg3[%add3A_332] : memref<20480xf32, #tpu.memory_space<hbm>> -> memref<640xf32, #tpu.memory_space<hbm>>
      %dma_wait3A_335 = tpu.memref_slice %arg4[%mul3A_327] : memref<10240xf32, #tpu.memory_space<vmem_shared>> -> memref<640xf32, #tpu.memory_space<vmem_shared>>
      tpu.wait_dma2 semaphore(%run_scoped3A : memref<!tpu.dma_semaphore, #tpu.memory_space<semaphore_mem>>) src(%dma_wait3A_335 : memref<640xf32, #tpu.memory_space<vmem_shared>>) dst(%dma_wait3A_334 : memref<640xf32, #tpu.memory_space<hbm>>)
      tpu.yield
    }) : () -> ()
    return
  }
}

#map = affine_map<(d0, d1) -> (0, 0)>
#map1 = affine_map<(d0, d1) -> (0, 0, 0)>
module attributes {stable_mosaic.version = 14 : i64} {
  func.func @scat(%arg0: i32, %arg1: i32, %arg2: memref<10240x128xbf16, #tpu.memory_space<hbm>>, %arg3: memref<32x80x125xi32, #tpu.memory_space<hbm>>, %arg4: memref<32x80x125xi32, #tpu.memory_space<hbm>>, %arg5: memref<20480x128xbf16, #tpu.memory_space<hbm>>, %arg6: memref<10240x128xbf16, #tpu.memory_space<vmem_shared>>, %arg7: memref<8x125xi32, #tpu.memory_space<vmem>>, %arg8: memref<8x125xi32, #tpu.memory_space<vmem>>, %arg9: memref<80x125xi32, #tpu.memory_space<vmem>>, %arg10: memref<125x128xbf16, #tpu.memory_space<vmem>>, %arg11: memref<125x128xbf16, #tpu.memory_space<vmem>>, %arg12: memref<125x128xbf16, #tpu.memory_space<vmem>>, %arg13: memref<125x128xbf16, #tpu.memory_space<vmem>>, %arg14: memref<125x128xbf16, #tpu.memory_space<vmem>>, %arg15: memref<125x128xbf16, #tpu.memory_space<vmem>>, %arg16: memref<125x128xbf16, #tpu.memory_space<vmem>>, %arg17: memref<125x128xbf16, #tpu.memory_space<vmem>>, %arg18: memref<!tpu.dma_semaphore, #tpu.memory_space<semaphore_mem>>, %arg19: memref<!tpu.dma_semaphore, #tpu.memory_space<semaphore_mem>>, %arg20: memref<!tpu.dma_semaphore, #tpu.memory_space<semaphore_mem>>, %arg21: memref<!tpu.dma_semaphore, #tpu.memory_space<semaphore_mem>>, %arg22: memref<!tpu.dma_semaphore, #tpu.memory_space<semaphore_mem>>, %arg23: memref<!tpu.dma_semaphore, #tpu.memory_space<semaphore_mem>>, %arg24: memref<!tpu.dma_semaphore, #tpu.memory_space<semaphore_mem>>, %arg25: memref<!tpu.dma_semaphore, #tpu.memory_space<semaphore_mem>>, %arg26: memref<!tpu.dma_semaphore, #tpu.memory_space<semaphore_mem>>, %arg27: memref<!tpu.dma_semaphore, #tpu.memory_space<semaphore_mem>>, %arg28: memref<!tpu.dma_semaphore, #tpu.memory_space<semaphore_mem>>, %arg29: memref<!tpu.dma_semaphore, #tpu.memory_space<semaphore_mem>>, %arg30: memref<!tpu.dma_semaphore, #tpu.memory_space<semaphore_mem>>, %arg31: memref<!tpu.dma_semaphore, #tpu.memory_space<semaphore_mem>>, %arg32: memref<!tpu.dma_semaphore, #tpu.memory_space<semaphore_mem>>, %arg33: memref<!tpu.dma_semaphore, #tpu.memory_space<semaphore_mem>>, %arg34: memref<!tpu.dma_semaphore, #tpu.memory_space<semaphore_mem>>, %arg35: memref<!tpu.dma_semaphore, #tpu.memory_space<semaphore_mem>>) attributes {dimension_semantics = [#tpu.dimension_semantics<core_parallel>, #tpu.dimension_semantics<subcore_parallel>], iteration_bounds = array<i64: 2, 16>, scalar_prefetch = 0 : i64, scratch_operands = 30 : i64, tpu.core_type = #tpu.core_type<sc_vector_subcore>, window_params = [{transform_indices = #map}, {transform_indices = #map1}, {transform_indices = #map1}, {transform_indices = #map}]} {
    %mul3A = arith.constant 16 : i32
    %mul3A_0 = arith.muli %arg0, %mul3A : i32
    %add3A = arith.addi %mul3A_0, %arg1 : i32
    "tpu.region"() ({
      %run_scoped3A = tpu.sem_alloc : memref<!tpu.dma_semaphore, #tpu.memory_space<semaphore_mem>>
      %dma_start3A_96 = arith.constant 0 : i32
      %dma_start3A_97 = arith.constant 0 : i32
      %dma_start3A_98 = tpu.memref_slice %arg4[%add3A, %dma_start3A_96, %dma_start3A_97] : memref<32x80x125xi32, #tpu.memory_space<hbm>> -> memref<1x80x125xi32, #tpu.memory_space<hbm>>
      %dma_start3A_99 = tpu.memref_squeeze %dma_start3A_98 : memref<1x80x125xi32, #tpu.memory_space<hbm>> -> memref<80x125xi32, #tpu.memory_space<hbm>>
      %dma_start3A_100 = arith.constant 0 : i32
      %dma_start3A_101 = arith.constant 0 : i32
      %dma_start3A_102 = tpu.memref_slice %arg4[%add3A, %dma_start3A_100, %dma_start3A_101] : memref<32x80x125xi32, #tpu.memory_space<hbm>> -> memref<1x80x125xi32, #tpu.memory_space<hbm>>
      %dma_start3A_103 = tpu.memref_squeeze %dma_start3A_102 : memref<1x80x125xi32, #tpu.memory_space<hbm>> -> memref<80x125xi32, #tpu.memory_space<hbm>>
      tpu.enqueue_dma source(%dma_start3A_103 : memref<80x125xi32, #tpu.memory_space<hbm>>) target(%arg9 : memref<80x125xi32, #tpu.memory_space<vmem>>) target_semaphore(%run_scoped3A : memref<!tpu.dma_semaphore, #tpu.memory_space<semaphore_mem>>)
      %dma_wait3A_104 = arith.constant 0 : i32
      %dma_wait3A_105 = arith.constant 0 : i32
      %dma_wait3A_106 = tpu.memref_slice %arg4[%add3A, %dma_wait3A_104, %dma_wait3A_105] : memref<32x80x125xi32, #tpu.memory_space<hbm>> -> memref<1x80x125xi32, #tpu.memory_space<hbm>>
      %dma_wait3A_107 = tpu.memref_squeeze %dma_wait3A_106 : memref<1x80x125xi32, #tpu.memory_space<hbm>> -> memref<80x125xi32, #tpu.memory_space<hbm>>
      %dma_wait3A_108 = arith.constant 0 : i32
      %dma_wait3A_109 = arith.constant 0 : i32
      %dma_wait3A_110 = tpu.memref_slice %arg4[%add3A, %dma_wait3A_108, %dma_wait3A_109] : memref<32x80x125xi32, #tpu.memory_space<hbm>> -> memref<1x80x125xi32, #tpu.memory_space<hbm>>
      %dma_wait3A_111 = tpu.memref_squeeze %dma_wait3A_110 : memref<1x80x125xi32, #tpu.memory_space<hbm>> -> memref<80x125xi32, #tpu.memory_space<hbm>>
      tpu.wait_dma2 semaphore(%run_scoped3A : memref<!tpu.dma_semaphore, #tpu.memory_space<semaphore_mem>>) src(%dma_wait3A_111 : memref<80x125xi32, #tpu.memory_space<hbm>>) dst(%arg9 : memref<80x125xi32, #tpu.memory_space<vmem>>)
      tpu.yield
    }) : () -> ()
    %mul3A_1 = arith.constant 640 : i32
    %mul3A_2 = arith.muli %arg1, %mul3A_1 : i32
    %mul3A_3 = arith.constant 640 : i32
    %mul3A_4 = arith.muli %arg1, %mul3A_3 : i32
    "tpu.region"() ({
      %run_scoped3A = tpu.sem_alloc : memref<!tpu.dma_semaphore, #tpu.memory_space<semaphore_mem>>
      %dma_start3A_96 = arith.constant 0 : i32
      %dma_start3A_97 = tpu.memref_slice %arg6[%mul3A_4, %dma_start3A_96] : memref<10240x128xbf16, #tpu.memory_space<vmem_shared>> -> memref<640x128xbf16, #tpu.memory_space<vmem_shared>>
      %dma_start3A_98 = arith.constant 0 : i32
      %dma_start3A_99 = tpu.memref_slice %arg2[%mul3A_2, %dma_start3A_98] : memref<10240x128xbf16, #tpu.memory_space<hbm>> -> memref<640x128xbf16, #tpu.memory_space<hbm>>
      tpu.enqueue_dma source(%dma_start3A_99 : memref<640x128xbf16, #tpu.memory_space<hbm>>) target(%dma_start3A_97 : memref<640x128xbf16, #tpu.memory_space<vmem_shared>>) target_semaphore(%run_scoped3A : memref<!tpu.dma_semaphore, #tpu.memory_space<semaphore_mem>>)
      %dma_wait3A_100 = arith.constant 0 : i32
      %dma_wait3A_101 = tpu.memref_slice %arg6[%mul3A_4, %dma_wait3A_100] : memref<10240x128xbf16, #tpu.memory_space<vmem_shared>> -> memref<640x128xbf16, #tpu.memory_space<vmem_shared>>
      %dma_wait3A_102 = arith.constant 0 : i32
      %dma_wait3A_103 = tpu.memref_slice %arg2[%mul3A_2, %dma_wait3A_102] : memref<10240x128xbf16, #tpu.memory_space<hbm>> -> memref<640x128xbf16, #tpu.memory_space<hbm>>
      tpu.wait_dma2 semaphore(%run_scoped3A : memref<!tpu.dma_semaphore, #tpu.memory_space<semaphore_mem>>) src(%dma_wait3A_103 : memref<640x128xbf16, #tpu.memory_space<hbm>>) dst(%dma_wait3A_101 : memref<640x128xbf16, #tpu.memory_space<vmem_shared>>)
      tpu.yield
    }) : () -> ()
    %barrier3A = arith.constant 0 : index
    tpu.barrier barrier_id(%barrier3A)
    %dma_start3A = arith.constant 0 : i32
    %dma_start3A_5 = arith.constant 0 : i32
    %dma_start3A_6 = tpu.memref_slice %arg3[%add3A, %dma_start3A, %dma_start3A_5] : memref<32x80x125xi32, #tpu.memory_space<hbm>> -> memref<1x8x125xi32, #tpu.memory_space<hbm>>
    %dma_start3A_7 = tpu.memref_squeeze %dma_start3A_6 : memref<1x8x125xi32, #tpu.memory_space<hbm>> -> memref<8x125xi32, #tpu.memory_space<hbm>>
    %dma_start3A_8 = arith.constant 0 : i32
    %dma_start3A_9 = arith.constant 0 : i32
    %dma_start3A_10 = tpu.memref_slice %arg3[%add3A, %dma_start3A_8, %dma_start3A_9] : memref<32x80x125xi32, #tpu.memory_space<hbm>> -> memref<1x8x125xi32, #tpu.memory_space<hbm>>
    %dma_start3A_11 = tpu.memref_squeeze %dma_start3A_10 : memref<1x8x125xi32, #tpu.memory_space<hbm>> -> memref<8x125xi32, #tpu.memory_space<hbm>>
    tpu.enqueue_dma source(%dma_start3A_11 : memref<8x125xi32, #tpu.memory_space<hbm>>) target(%arg7 : memref<8x125xi32, #tpu.memory_space<vmem>>) target_semaphore(%arg34 : memref<!tpu.dma_semaphore, #tpu.memory_space<semaphore_mem>>)
    %dma_wait3A = arith.constant 0 : i32
    %dma_wait3A_12 = arith.constant 0 : i32
    %dma_wait3A_13 = tpu.memref_slice %arg3[%add3A, %dma_wait3A, %dma_wait3A_12] : memref<32x80x125xi32, #tpu.memory_space<hbm>> -> memref<1x8x125xi32, #tpu.memory_space<hbm>>
    %dma_wait3A_14 = tpu.memref_squeeze %dma_wait3A_13 : memref<1x8x125xi32, #tpu.memory_space<hbm>> -> memref<8x125xi32, #tpu.memory_space<hbm>>
    %dma_wait3A_15 = arith.constant 0 : i32
    %dma_wait3A_16 = arith.constant 0 : i32
    %dma_wait3A_17 = tpu.memref_slice %arg3[%add3A, %dma_wait3A_15, %dma_wait3A_16] : memref<32x80x125xi32, #tpu.memory_space<hbm>> -> memref<1x8x125xi32, #tpu.memory_space<hbm>>
    %dma_wait3A_18 = tpu.memref_squeeze %dma_wait3A_17 : memref<1x8x125xi32, #tpu.memory_space<hbm>> -> memref<8x125xi32, #tpu.memory_space<hbm>>
    tpu.wait_dma2 semaphore(%arg34 : memref<!tpu.dma_semaphore, #tpu.memory_space<semaphore_mem>>) src(%dma_wait3A_18 : memref<8x125xi32, #tpu.memory_space<hbm>>) dst(%arg7 : memref<8x125xi32, #tpu.memory_space<vmem>>)
    %dma_start3A_19 = arith.constant 8 : i32
    %dma_start3A_20 = arith.constant 0 : i32
    %dma_start3A_21 = tpu.memref_slice %arg3[%add3A, %dma_start3A_19, %dma_start3A_20] : memref<32x80x125xi32, #tpu.memory_space<hbm>> -> memref<1x8x125xi32, #tpu.memory_space<hbm>>
    %dma_start3A_22 = tpu.memref_squeeze %dma_start3A_21 : memref<1x8x125xi32, #tpu.memory_space<hbm>> -> memref<8x125xi32, #tpu.memory_space<hbm>>
    %dma_start3A_23 = arith.constant 8 : i32
    %dma_start3A_24 = arith.constant 0 : i32
    %dma_start3A_25 = tpu.memref_slice %arg3[%add3A, %dma_start3A_23, %dma_start3A_24] : memref<32x80x125xi32, #tpu.memory_space<hbm>> -> memref<1x8x125xi32, #tpu.memory_space<hbm>>
    %dma_start3A_26 = tpu.memref_squeeze %dma_start3A_25 : memref<1x8x125xi32, #tpu.memory_space<hbm>> -> memref<8x125xi32, #tpu.memory_space<hbm>>
    tpu.enqueue_dma source(%dma_start3A_26 : memref<8x125xi32, #tpu.memory_space<hbm>>) target(%arg8 : memref<8x125xi32, #tpu.memory_space<vmem>>) target_semaphore(%arg35 : memref<!tpu.dma_semaphore, #tpu.memory_space<semaphore_mem>>)
    %dma_start3A_27 = arith.constant 0 : i32
    %dma_start3A_28 = arith.constant 0 : i32
    %dma_start3A_29 = tpu.memref_slice %arg7[%dma_start3A_27, %dma_start3A_28] : memref<8x125xi32, #tpu.memory_space<vmem>> -> memref<1x125xi32, #tpu.memory_space<vmem>>
    %dma_start3A_30 = tpu.memref_squeeze %dma_start3A_29 : memref<1x125xi32, #tpu.memory_space<vmem>> -> memref<125xi32, #tpu.memory_space<vmem>>
    %dma_start3A_31 = arith.constant 0 : i32
    %dma_start3A_32 = arith.constant 0 : i32
    %dma_start3A_33 = tpu.memref_slice %arg2[%dma_start3A_31, %dma_start3A_32] : memref<10240x128xbf16, #tpu.memory_space<hbm>> -> memref<10240x128xbf16, #tpu.memory_space<hbm>>
    tpu.enqueue_indirect_dma source(%dma_start3A_33 : memref<10240x128xbf16, #tpu.memory_space<hbm>>) target(%arg10 : memref<125x128xbf16, #tpu.memory_space<vmem>>) offsets(%dma_start3A_30 : memref<125xi32, #tpu.memory_space<vmem>>) semaphore(%arg18 : memref<!tpu.dma_semaphore, #tpu.memory_space<semaphore_mem>>)
    %dma_start3A_34 = arith.constant 1 : i32
    %dma_start3A_35 = arith.constant 0 : i32
    %dma_start3A_36 = tpu.memref_slice %arg7[%dma_start3A_34, %dma_start3A_35] : memref<8x125xi32, #tpu.memory_space<vmem>> -> memref<1x125xi32, #tpu.memory_space<vmem>>
    %dma_start3A_37 = tpu.memref_squeeze %dma_start3A_36 : memref<1x125xi32, #tpu.memory_space<vmem>> -> memref<125xi32, #tpu.memory_space<vmem>>
    %dma_start3A_38 = arith.constant 0 : i32
    %dma_start3A_39 = arith.constant 0 : i32
    %dma_start3A_40 = tpu.memref_slice %arg2[%dma_start3A_38, %dma_start3A_39] : memref<10240x128xbf16, #tpu.memory_space<hbm>> -> memref<10240x128xbf16, #tpu.memory_space<hbm>>
    tpu.enqueue_indirect_dma source(%dma_start3A_40 : memref<10240x128xbf16, #tpu.memory_space<hbm>>) target(%arg11 : memref<125x128xbf16, #tpu.memory_space<vmem>>) offsets(%dma_start3A_37 : memref<125xi32, #tpu.memory_space<vmem>>) semaphore(%arg19 : memref<!tpu.dma_semaphore, #tpu.memory_space<semaphore_mem>>)
    %dma_start3A_41 = arith.constant 2 : i32
    %dma_start3A_42 = arith.constant 0 : i32
    %dma_start3A_43 = tpu.memref_slice %arg7[%dma_start3A_41, %dma_start3A_42] : memref<8x125xi32, #tpu.memory_space<vmem>> -> memref<1x125xi32, #tpu.memory_space<vmem>>
    %dma_start3A_44 = tpu.memref_squeeze %dma_start3A_43 : memref<1x125xi32, #tpu.memory_space<vmem>> -> memref<125xi32, #tpu.memory_space<vmem>>
    %dma_start3A_45 = arith.constant 0 : i32
    %dma_start3A_46 = arith.constant 0 : i32
    %dma_start3A_47 = tpu.memref_slice %arg2[%dma_start3A_45, %dma_start3A_46] : memref<10240x128xbf16, #tpu.memory_space<hbm>> -> memref<10240x128xbf16, #tpu.memory_space<hbm>>
    tpu.enqueue_indirect_dma source(%dma_start3A_47 : memref<10240x128xbf16, #tpu.memory_space<hbm>>) target(%arg12 : memref<125x128xbf16, #tpu.memory_space<vmem>>) offsets(%dma_start3A_44 : memref<125xi32, #tpu.memory_space<vmem>>) semaphore(%arg20 : memref<!tpu.dma_semaphore, #tpu.memory_space<semaphore_mem>>)
    %dma_start3A_48 = arith.constant 3 : i32
    %dma_start3A_49 = arith.constant 0 : i32
    %dma_start3A_50 = tpu.memref_slice %arg7[%dma_start3A_48, %dma_start3A_49] : memref<8x125xi32, #tpu.memory_space<vmem>> -> memref<1x125xi32, #tpu.memory_space<vmem>>
    %dma_start3A_51 = tpu.memref_squeeze %dma_start3A_50 : memref<1x125xi32, #tpu.memory_space<vmem>> -> memref<125xi32, #tpu.memory_space<vmem>>
    %dma_start3A_52 = arith.constant 0 : i32
    %dma_start3A_53 = arith.constant 0 : i32
    %dma_start3A_54 = tpu.memref_slice %arg2[%dma_start3A_52, %dma_start3A_53] : memref<10240x128xbf16, #tpu.memory_space<hbm>> -> memref<10240x128xbf16, #tpu.memory_space<hbm>>
    tpu.enqueue_indirect_dma source(%dma_start3A_54 : memref<10240x128xbf16, #tpu.memory_space<hbm>>) target(%arg13 : memref<125x128xbf16, #tpu.memory_space<vmem>>) offsets(%dma_start3A_51 : memref<125xi32, #tpu.memory_space<vmem>>) semaphore(%arg21 : memref<!tpu.dma_semaphore, #tpu.memory_space<semaphore_mem>>)
    %scan3A = arith.constant 0 : i32
    %scan3A_55 = arith.constant 0 : i32
    %scan3A_56 = arith.constant 5 : i32
    %scan3A_57 = arith.addi %scan3A_55, %scan3A_56 : i32
    %scan3A_58 = arith.constant 1 : i32
    scf.for %scan3A_96 = %scan3A_55 to %scan3A_57 step %scan3A_58  : i32 {
      %mul3A_97 = arith.constant 2 : i32
      %mul3A_98 = arith.muli %mul3A_97, %scan3A_96 : i32
      %add3A_99 = arith.constant 1 : i32
      %add3A_100 = arith.addi %mul3A_98, %add3A_99 : i32
      %lt3A = arith.constant 10 : i32
      %lt3A_101 = arith.cmpi slt, %add3A_100, %lt3A : i32
      %mul3A_102 = arith.constant 8 : i32
      %mul3A_103 = arith.muli %mul3A_98, %mul3A_102 : i32
      %add3A_104 = arith.constant 0 : i32
      %add3A_105 = arith.addi %mul3A_103, %add3A_104 : i32
      %dma_wait3A_106 = arith.constant 0 : i32
      %dma_wait3A_107 = arith.constant 0 : i32
      %dma_wait3A_108 = tpu.memref_slice %arg7[%dma_wait3A_106, %dma_wait3A_107] : memref<8x125xi32, #tpu.memory_space<vmem>> -> memref<1x125xi32, #tpu.memory_space<vmem>>
      %dma_wait3A_109 = tpu.memref_squeeze %dma_wait3A_108 : memref<1x125xi32, #tpu.memory_space<vmem>> -> memref<125xi32, #tpu.memory_space<vmem>>
      %dma_wait3A_110 = arith.constant 0 : i32
      %dma_wait3A_111 = arith.constant 0 : i32
      %dma_wait3A_112 = tpu.memref_slice %arg2[%dma_wait3A_110, %dma_wait3A_111] : memref<10240x128xbf16, #tpu.memory_space<hbm>> -> memref<10240x128xbf16, #tpu.memory_space<hbm>>
      tpu.wait_indirect_dma semaphore(%arg18 : memref<!tpu.dma_semaphore, #tpu.memory_space<semaphore_mem>>) src(%dma_wait3A_112 : memref<10240x128xbf16, #tpu.memory_space<hbm>>) dst(%arg10 : memref<125x128xbf16, #tpu.memory_space<vmem>>)
      %dma_start3A_113 = arith.constant 0 : i32
      %dma_start3A_114 = tpu.memref_slice %arg9[%add3A_105, %dma_start3A_113] : memref<80x125xi32, #tpu.memory_space<vmem>> -> memref<1x125xi32, #tpu.memory_space<vmem>>
      %dma_start3A_115 = tpu.memref_squeeze %dma_start3A_114 : memref<1x125xi32, #tpu.memory_space<vmem>> -> memref<125xi32, #tpu.memory_space<vmem>>
      %dma_start3A_116 = arith.constant 0 : i32
      %dma_start3A_117 = arith.constant 0 : i32
      %dma_start3A_118 = tpu.memref_slice %arg6[%dma_start3A_116, %dma_start3A_117] : memref<10240x128xbf16, #tpu.memory_space<vmem_shared>> -> memref<10240x128xbf16, #tpu.memory_space<vmem_shared>>
      tpu.enqueue_indirect_dma source(%arg10 : memref<125x128xbf16, #tpu.memory_space<vmem>>) target(%dma_start3A_118 : memref<10240x128xbf16, #tpu.memory_space<vmem_shared>>) offsets(%dma_start3A_115 : memref<125xi32, #tpu.memory_space<vmem>>) semaphore(%arg26 : memref<!tpu.dma_semaphore, #tpu.memory_space<semaphore_mem>>) {add = true}
      %ge3A = arith.constant 4 : i32
      %ge3A_119 = arith.cmpi sge, %add3A_105, %ge3A : i32
      %convert_element_type3A = arith.extui %ge3A_119 : i1 to i32
      %cond3A = arith.constant 0 : i32
      %cond3A_120 = arith.cmpi ne, %convert_element_type3A, %cond3A : i32
      scf.if %cond3A_120 {
        %dma_wait3A_565 = arith.constant 0 : i32
        %dma_wait3A_566 = arith.constant 0 : i32
        %dma_wait3A_567 = tpu.memref_slice %arg9[%dma_wait3A_565, %dma_wait3A_566] : memref<80x125xi32, #tpu.memory_space<vmem>> -> memref<1x125xi32, #tpu.memory_space<vmem>>
        %dma_wait3A_568 = tpu.memref_squeeze %dma_wait3A_567 : memref<1x125xi32, #tpu.memory_space<vmem>> -> memref<125xi32, #tpu.memory_space<vmem>>
        %dma_wait3A_569 = arith.constant 0 : i32
        %dma_wait3A_570 = arith.constant 0 : i32
        %dma_wait3A_571 = tpu.memref_slice %arg6[%dma_wait3A_569, %dma_wait3A_570] : memref<10240x128xbf16, #tpu.memory_space<vmem_shared>> -> memref<10240x128xbf16, #tpu.memory_space<vmem_shared>>
        tpu.wait_indirect_dma semaphore(%arg30 : memref<!tpu.dma_semaphore, #tpu.memory_space<semaphore_mem>>) src(%arg14 : memref<125x128xbf16, #tpu.memory_space<vmem>>) dst(%dma_wait3A_571 : memref<10240x128xbf16, #tpu.memory_space<vmem_shared>>)
      } else {
      }
      %cond3A_121 = arith.constant 1 : i32
      %dma_start3A_122 = arith.constant 4 : i32
      %dma_start3A_123 = arith.constant 0 : i32
      %dma_start3A_124 = tpu.memref_slice %arg7[%dma_start3A_122, %dma_start3A_123] : memref<8x125xi32, #tpu.memory_space<vmem>> -> memref<1x125xi32, #tpu.memory_space<vmem>>
      %dma_start3A_125 = tpu.memref_squeeze %dma_start3A_124 : memref<1x125xi32, #tpu.memory_space<vmem>> -> memref<125xi32, #tpu.memory_space<vmem>>
      %dma_start3A_126 = arith.constant 0 : i32
      %dma_start3A_127 = arith.constant 0 : i32
      %dma_start3A_128 = tpu.memref_slice %arg2[%dma_start3A_126, %dma_start3A_127] : memref<10240x128xbf16, #tpu.memory_space<hbm>> -> memref<10240x128xbf16, #tpu.memory_space<hbm>>
      tpu.enqueue_indirect_dma source(%dma_start3A_128 : memref<10240x128xbf16, #tpu.memory_space<hbm>>) target(%arg14 : memref<125x128xbf16, #tpu.memory_space<vmem>>) offsets(%dma_start3A_125 : memref<125xi32, #tpu.memory_space<vmem>>) semaphore(%arg22 : memref<!tpu.dma_semaphore, #tpu.memory_space<semaphore_mem>>)
      %mul3A_129 = arith.constant 8 : i32
      %mul3A_130 = arith.muli %mul3A_98, %mul3A_129 : i32
      %add3A_131 = arith.constant 1 : i32
      %add3A_132 = arith.addi %mul3A_130, %add3A_131 : i32
      %dma_wait3A_133 = arith.constant 0 : i32
      %dma_wait3A_134 = arith.constant 0 : i32
      %dma_wait3A_135 = tpu.memref_slice %arg7[%dma_wait3A_133, %dma_wait3A_134] : memref<8x125xi32, #tpu.memory_space<vmem>> -> memref<1x125xi32, #tpu.memory_space<vmem>>
      %dma_wait3A_136 = tpu.memref_squeeze %dma_wait3A_135 : memref<1x125xi32, #tpu.memory_space<vmem>> -> memref<125xi32, #tpu.memory_space<vmem>>
      %dma_wait3A_137 = arith.constant 0 : i32
      %dma_wait3A_138 = arith.constant 0 : i32
      %dma_wait3A_139 = tpu.memref_slice %arg2[%dma_wait3A_137, %dma_wait3A_138] : memref<10240x128xbf16, #tpu.memory_space<hbm>> -> memref<10240x128xbf16, #tpu.memory_space<hbm>>
      tpu.wait_indirect_dma semaphore(%arg19 : memref<!tpu.dma_semaphore, #tpu.memory_space<semaphore_mem>>) src(%dma_wait3A_139 : memref<10240x128xbf16, #tpu.memory_space<hbm>>) dst(%arg11 : memref<125x128xbf16, #tpu.memory_space<vmem>>)
      %dma_start3A_140 = arith.constant 0 : i32
      %dma_start3A_141 = tpu.memref_slice %arg9[%add3A_132, %dma_start3A_140] : memref<80x125xi32, #tpu.memory_space<vmem>> -> memref<1x125xi32, #tpu.memory_space<vmem>>
      %dma_start3A_142 = tpu.memref_squeeze %dma_start3A_141 : memref<1x125xi32, #tpu.memory_space<vmem>> -> memref<125xi32, #tpu.memory_space<vmem>>
      %dma_start3A_143 = arith.constant 0 : i32
      %dma_start3A_144 = arith.constant 0 : i32
      %dma_start3A_145 = tpu.memref_slice %arg6[%dma_start3A_143, %dma_start3A_144] : memref<10240x128xbf16, #tpu.memory_space<vmem_shared>> -> memref<10240x128xbf16, #tpu.memory_space<vmem_shared>>
      tpu.enqueue_indirect_dma source(%arg11 : memref<125x128xbf16, #tpu.memory_space<vmem>>) target(%dma_start3A_145 : memref<10240x128xbf16, #tpu.memory_space<vmem_shared>>) offsets(%dma_start3A_142 : memref<125xi32, #tpu.memory_space<vmem>>) semaphore(%arg27 : memref<!tpu.dma_semaphore, #tpu.memory_space<semaphore_mem>>) {add = true}
      %ge3A_146 = arith.constant 4 : i32
      %ge3A_147 = arith.cmpi sge, %add3A_132, %ge3A_146 : i32
      %convert_element_type3A_148 = arith.extui %ge3A_147 : i1 to i32
      %cond3A_149 = arith.constant 0 : i32
      %cond3A_150 = arith.cmpi ne, %convert_element_type3A_148, %cond3A_149 : i32
      scf.if %cond3A_150 {
        %dma_wait3A_565 = arith.constant 0 : i32
        %dma_wait3A_566 = arith.constant 0 : i32
        %dma_wait3A_567 = tpu.memref_slice %arg9[%dma_wait3A_565, %dma_wait3A_566] : memref<80x125xi32, #tpu.memory_space<vmem>> -> memref<1x125xi32, #tpu.memory_space<vmem>>
        %dma_wait3A_568 = tpu.memref_squeeze %dma_wait3A_567 : memref<1x125xi32, #tpu.memory_space<vmem>> -> memref<125xi32, #tpu.memory_space<vmem>>
        %dma_wait3A_569 = arith.constant 0 : i32
        %dma_wait3A_570 = arith.constant 0 : i32
        %dma_wait3A_571 = tpu.memref_slice %arg6[%dma_wait3A_569, %dma_wait3A_570] : memref<10240x128xbf16, #tpu.memory_space<vmem_shared>> -> memref<10240x128xbf16, #tpu.memory_space<vmem_shared>>
        tpu.wait_indirect_dma semaphore(%arg31 : memref<!tpu.dma_semaphore, #tpu.memory_space<semaphore_mem>>) src(%arg15 : memref<125x128xbf16, #tpu.memory_space<vmem>>) dst(%dma_wait3A_571 : memref<10240x128xbf16, #tpu.memory_space<vmem_shared>>)
      } else {
      }
      %cond3A_151 = arith.constant 1 : i32
      %dma_start3A_152 = arith.constant 5 : i32
      %dma_start3A_153 = arith.constant 0 : i32
      %dma_start3A_154 = tpu.memref_slice %arg7[%dma_start3A_152, %dma_start3A_153] : memref<8x125xi32, #tpu.memory_space<vmem>> -> memref<1x125xi32, #tpu.memory_space<vmem>>
      %dma_start3A_155 = tpu.memref_squeeze %dma_start3A_154 : memref<1x125xi32, #tpu.memory_space<vmem>> -> memref<125xi32, #tpu.memory_space<vmem>>
      %dma_start3A_156 = arith.constant 0 : i32
      %dma_start3A_157 = arith.constant 0 : i32
      %dma_start3A_158 = tpu.memref_slice %arg2[%dma_start3A_156, %dma_start3A_157] : memref<10240x128xbf16, #tpu.memory_space<hbm>> -> memref<10240x128xbf16, #tpu.memory_space<hbm>>
      tpu.enqueue_indirect_dma source(%dma_start3A_158 : memref<10240x128xbf16, #tpu.memory_space<hbm>>) target(%arg15 : memref<125x128xbf16, #tpu.memory_space<vmem>>) offsets(%dma_start3A_155 : memref<125xi32, #tpu.memory_space<vmem>>) semaphore(%arg23 : memref<!tpu.dma_semaphore, #tpu.memory_space<semaphore_mem>>)
      %mul3A_159 = arith.constant 8 : i32
      %mul3A_160 = arith.muli %mul3A_98, %mul3A_159 : i32
      %add3A_161 = arith.constant 2 : i32
      %add3A_162 = arith.addi %mul3A_160, %add3A_161 : i32
      %dma_wait3A_163 = arith.constant 0 : i32
      %dma_wait3A_164 = arith.constant 0 : i32
      %dma_wait3A_165 = tpu.memref_slice %arg7[%dma_wait3A_163, %dma_wait3A_164] : memref<8x125xi32, #tpu.memory_space<vmem>> -> memref<1x125xi32, #tpu.memory_space<vmem>>
      %dma_wait3A_166 = tpu.memref_squeeze %dma_wait3A_165 : memref<1x125xi32, #tpu.memory_space<vmem>> -> memref<125xi32, #tpu.memory_space<vmem>>
      %dma_wait3A_167 = arith.constant 0 : i32
      %dma_wait3A_168 = arith.constant 0 : i32
      %dma_wait3A_169 = tpu.memref_slice %arg2[%dma_wait3A_167, %dma_wait3A_168] : memref<10240x128xbf16, #tpu.memory_space<hbm>> -> memref<10240x128xbf16, #tpu.memory_space<hbm>>
      tpu.wait_indirect_dma semaphore(%arg20 : memref<!tpu.dma_semaphore, #tpu.memory_space<semaphore_mem>>) src(%dma_wait3A_169 : memref<10240x128xbf16, #tpu.memory_space<hbm>>) dst(%arg12 : memref<125x128xbf16, #tpu.memory_space<vmem>>)
      %dma_start3A_170 = arith.constant 0 : i32
      %dma_start3A_171 = tpu.memref_slice %arg9[%add3A_162, %dma_start3A_170] : memref<80x125xi32, #tpu.memory_space<vmem>> -> memref<1x125xi32, #tpu.memory_space<vmem>>
      %dma_start3A_172 = tpu.memref_squeeze %dma_start3A_171 : memref<1x125xi32, #tpu.memory_space<vmem>> -> memref<125xi32, #tpu.memory_space<vmem>>
      %dma_start3A_173 = arith.constant 0 : i32
      %dma_start3A_174 = arith.constant 0 : i32
      %dma_start3A_175 = tpu.memref_slice %arg6[%dma_start3A_173, %dma_start3A_174] : memref<10240x128xbf16, #tpu.memory_space<vmem_shared>> -> memref<10240x128xbf16, #tpu.memory_space<vmem_shared>>
      tpu.enqueue_indirect_dma source(%arg12 : memref<125x128xbf16, #tpu.memory_space<vmem>>) target(%dma_start3A_175 : memref<10240x128xbf16, #tpu.memory_space<vmem_shared>>) offsets(%dma_start3A_172 : memref<125xi32, #tpu.memory_space<vmem>>) semaphore(%arg28 : memref<!tpu.dma_semaphore, #tpu.memory_space<semaphore_mem>>) {add = true}
      %ge3A_176 = arith.constant 4 : i32
      %ge3A_177 = arith.cmpi sge, %add3A_162, %ge3A_176 : i32
      %convert_element_type3A_178 = arith.extui %ge3A_177 : i1 to i32
      %cond3A_179 = arith.constant 0 : i32
      %cond3A_180 = arith.cmpi ne, %convert_element_type3A_178, %cond3A_179 : i32
      scf.if %cond3A_180 {
        %dma_wait3A_565 = arith.constant 0 : i32
        %dma_wait3A_566 = arith.constant 0 : i32
        %dma_wait3A_567 = tpu.memref_slice %arg9[%dma_wait3A_565, %dma_wait3A_566] : memref<80x125xi32, #tpu.memory_space<vmem>> -> memref<1x125xi32, #tpu.memory_space<vmem>>
        %dma_wait3A_568 = tpu.memref_squeeze %dma_wait3A_567 : memref<1x125xi32, #tpu.memory_space<vmem>> -> memref<125xi32, #tpu.memory_space<vmem>>
        %dma_wait3A_569 = arith.constant 0 : i32
        %dma_wait3A_570 = arith.constant 0 : i32
        %dma_wait3A_571 = tpu.memref_slice %arg6[%dma_wait3A_569, %dma_wait3A_570] : memref<10240x128xbf16, #tpu.memory_space<vmem_shared>> -> memref<10240x128xbf16, #tpu.memory_space<vmem_shared>>
        tpu.wait_indirect_dma semaphore(%arg32 : memref<!tpu.dma_semaphore, #tpu.memory_space<semaphore_mem>>) src(%arg16 : memref<125x128xbf16, #tpu.memory_space<vmem>>) dst(%dma_wait3A_571 : memref<10240x128xbf16, #tpu.memory_space<vmem_shared>>)
      } else {
      }
      %cond3A_181 = arith.constant 1 : i32
      %dma_start3A_182 = arith.constant 6 : i32
      %dma_start3A_183 = arith.constant 0 : i32
      %dma_start3A_184 = tpu.memref_slice %arg7[%dma_start3A_182, %dma_start3A_183] : memref<8x125xi32, #tpu.memory_space<vmem>> -> memref<1x125xi32, #tpu.memory_space<vmem>>
      %dma_start3A_185 = tpu.memref_squeeze %dma_start3A_184 : memref<1x125xi32, #tpu.memory_space<vmem>> -> memref<125xi32, #tpu.memory_space<vmem>>
      %dma_start3A_186 = arith.constant 0 : i32
      %dma_start3A_187 = arith.constant 0 : i32
      %dma_start3A_188 = tpu.memref_slice %arg2[%dma_start3A_186, %dma_start3A_187] : memref<10240x128xbf16, #tpu.memory_space<hbm>> -> memref<10240x128xbf16, #tpu.memory_space<hbm>>
      tpu.enqueue_indirect_dma source(%dma_start3A_188 : memref<10240x128xbf16, #tpu.memory_space<hbm>>) target(%arg16 : memref<125x128xbf16, #tpu.memory_space<vmem>>) offsets(%dma_start3A_185 : memref<125xi32, #tpu.memory_space<vmem>>) semaphore(%arg24 : memref<!tpu.dma_semaphore, #tpu.memory_space<semaphore_mem>>)
      %mul3A_189 = arith.constant 8 : i32
      %mul3A_190 = arith.muli %mul3A_98, %mul3A_189 : i32
      %add3A_191 = arith.constant 3 : i32
      %add3A_192 = arith.addi %mul3A_190, %add3A_191 : i32
      %dma_wait3A_193 = arith.constant 0 : i32
      %dma_wait3A_194 = arith.constant 0 : i32
      %dma_wait3A_195 = tpu.memref_slice %arg7[%dma_wait3A_193, %dma_wait3A_194] : memref<8x125xi32, #tpu.memory_space<vmem>> -> memref<1x125xi32, #tpu.memory_space<vmem>>
      %dma_wait3A_196 = tpu.memref_squeeze %dma_wait3A_195 : memref<1x125xi32, #tpu.memory_space<vmem>> -> memref<125xi32, #tpu.memory_space<vmem>>
      %dma_wait3A_197 = arith.constant 0 : i32
      %dma_wait3A_198 = arith.constant 0 : i32
      %dma_wait3A_199 = tpu.memref_slice %arg2[%dma_wait3A_197, %dma_wait3A_198] : memref<10240x128xbf16, #tpu.memory_space<hbm>> -> memref<10240x128xbf16, #tpu.memory_space<hbm>>
      tpu.wait_indirect_dma semaphore(%arg21 : memref<!tpu.dma_semaphore, #tpu.memory_space<semaphore_mem>>) src(%dma_wait3A_199 : memref<10240x128xbf16, #tpu.memory_space<hbm>>) dst(%arg13 : memref<125x128xbf16, #tpu.memory_space<vmem>>)
      %dma_start3A_200 = arith.constant 0 : i32
      %dma_start3A_201 = tpu.memref_slice %arg9[%add3A_192, %dma_start3A_200] : memref<80x125xi32, #tpu.memory_space<vmem>> -> memref<1x125xi32, #tpu.memory_space<vmem>>
      %dma_start3A_202 = tpu.memref_squeeze %dma_start3A_201 : memref<1x125xi32, #tpu.memory_space<vmem>> -> memref<125xi32, #tpu.memory_space<vmem>>
      %dma_start3A_203 = arith.constant 0 : i32
      %dma_start3A_204 = arith.constant 0 : i32
      %dma_start3A_205 = tpu.memref_slice %arg6[%dma_start3A_203, %dma_start3A_204] : memref<10240x128xbf16, #tpu.memory_space<vmem_shared>> -> memref<10240x128xbf16, #tpu.memory_space<vmem_shared>>
      tpu.enqueue_indirect_dma source(%arg13 : memref<125x128xbf16, #tpu.memory_space<vmem>>) target(%dma_start3A_205 : memref<10240x128xbf16, #tpu.memory_space<vmem_shared>>) offsets(%dma_start3A_202 : memref<125xi32, #tpu.memory_space<vmem>>) semaphore(%arg29 : memref<!tpu.dma_semaphore, #tpu.memory_space<semaphore_mem>>) {add = true}
      %ge3A_206 = arith.constant 4 : i32
      %ge3A_207 = arith.cmpi sge, %add3A_192, %ge3A_206 : i32
      %convert_element_type3A_208 = arith.extui %ge3A_207 : i1 to i32
      %cond3A_209 = arith.constant 0 : i32
      %cond3A_210 = arith.cmpi ne, %convert_element_type3A_208, %cond3A_209 : i32
      scf.if %cond3A_210 {
        %dma_wait3A_565 = arith.constant 0 : i32
        %dma_wait3A_566 = arith.constant 0 : i32
        %dma_wait3A_567 = tpu.memref_slice %arg9[%dma_wait3A_565, %dma_wait3A_566] : memref<80x125xi32, #tpu.memory_space<vmem>> -> memref<1x125xi32, #tpu.memory_space<vmem>>
        %dma_wait3A_568 = tpu.memref_squeeze %dma_wait3A_567 : memref<1x125xi32, #tpu.memory_space<vmem>> -> memref<125xi32, #tpu.memory_space<vmem>>
        %dma_wait3A_569 = arith.constant 0 : i32
        %dma_wait3A_570 = arith.constant 0 : i32
        %dma_wait3A_571 = tpu.memref_slice %arg6[%dma_wait3A_569, %dma_wait3A_570] : memref<10240x128xbf16, #tpu.memory_space<vmem_shared>> -> memref<10240x128xbf16, #tpu.memory_space<vmem_shared>>
        tpu.wait_indirect_dma semaphore(%arg33 : memref<!tpu.dma_semaphore, #tpu.memory_space<semaphore_mem>>) src(%arg17 : memref<125x128xbf16, #tpu.memory_space<vmem>>) dst(%dma_wait3A_571 : memref<10240x128xbf16, #tpu.memory_space<vmem_shared>>)
      } else {
      }
      %cond3A_211 = arith.constant 1 : i32
      %dma_start3A_212 = arith.constant 7 : i32
      %dma_start3A_213 = arith.constant 0 : i32
      %dma_start3A_214 = tpu.memref_slice %arg7[%dma_start3A_212, %dma_start3A_213] : memref<8x125xi32, #tpu.memory_space<vmem>> -> memref<1x125xi32, #tpu.memory_space<vmem>>
      %dma_start3A_215 = tpu.memref_squeeze %dma_start3A_214 : memref<1x125xi32, #tpu.memory_space<vmem>> -> memref<125xi32, #tpu.memory_space<vmem>>
      %dma_start3A_216 = arith.constant 0 : i32
      %dma_start3A_217 = arith.constant 0 : i32
      %dma_start3A_218 = tpu.memref_slice %arg2[%dma_start3A_216, %dma_start3A_217] : memref<10240x128xbf16, #tpu.memory_space<hbm>> -> memref<10240x128xbf16, #tpu.memory_space<hbm>>
      tpu.enqueue_indirect_dma source(%dma_start3A_218 : memref<10240x128xbf16, #tpu.memory_space<hbm>>) target(%arg17 : memref<125x128xbf16, #tpu.memory_space<vmem>>) offsets(%dma_start3A_215 : memref<125xi32, #tpu.memory_space<vmem>>) semaphore(%arg25 : memref<!tpu.dma_semaphore, #tpu.memory_space<semaphore_mem>>)
      %convert_element_type3A_219 = arith.extui %lt3A_101 : i1 to i32
      %cond3A_220 = arith.constant 0 : i32
      %cond3A_221 = arith.cmpi ne, %convert_element_type3A_219, %cond3A_220 : i32
      scf.if %cond3A_221 {
        %dma_wait3A_565 = arith.constant 0 : i32
        %dma_wait3A_566 = arith.constant 0 : i32
        %dma_wait3A_567 = tpu.memref_slice %arg3[%add3A, %dma_wait3A_565, %dma_wait3A_566] : memref<32x80x125xi32, #tpu.memory_space<hbm>> -> memref<1x8x125xi32, #tpu.memory_space<hbm>>
        %dma_wait3A_568 = tpu.memref_squeeze %dma_wait3A_567 : memref<1x8x125xi32, #tpu.memory_space<hbm>> -> memref<8x125xi32, #tpu.memory_space<hbm>>
        %dma_wait3A_569 = arith.constant 0 : i32
        %dma_wait3A_570 = arith.constant 0 : i32
        %dma_wait3A_571 = tpu.memref_slice %arg3[%add3A, %dma_wait3A_569, %dma_wait3A_570] : memref<32x80x125xi32, #tpu.memory_space<hbm>> -> memref<1x8x125xi32, #tpu.memory_space<hbm>>
        %dma_wait3A_572 = tpu.memref_squeeze %dma_wait3A_571 : memref<1x8x125xi32, #tpu.memory_space<hbm>> -> memref<8x125xi32, #tpu.memory_space<hbm>>
        tpu.wait_dma2 semaphore(%arg35 : memref<!tpu.dma_semaphore, #tpu.memory_space<semaphore_mem>>) src(%dma_wait3A_572 : memref<8x125xi32, #tpu.memory_space<hbm>>) dst(%arg8 : memref<8x125xi32, #tpu.memory_space<vmem>>)
      } else {
      }
      %mul3A_222 = arith.constant 8 : i32
      %mul3A_223 = arith.muli %mul3A_98, %mul3A_222 : i32
      %add3A_224 = arith.constant 4 : i32
      %add3A_225 = arith.addi %mul3A_223, %add3A_224 : i32
      %dma_wait3A_226 = arith.constant 0 : i32
      %dma_wait3A_227 = arith.constant 0 : i32
      %dma_wait3A_228 = tpu.memref_slice %arg7[%dma_wait3A_226, %dma_wait3A_227] : memref<8x125xi32, #tpu.memory_space<vmem>> -> memref<1x125xi32, #tpu.memory_space<vmem>>
      %dma_wait3A_229 = tpu.memref_squeeze %dma_wait3A_228 : memref<1x125xi32, #tpu.memory_space<vmem>> -> memref<125xi32, #tpu.memory_space<vmem>>
      %dma_wait3A_230 = arith.constant 0 : i32
      %dma_wait3A_231 = arith.constant 0 : i32
      %dma_wait3A_232 = tpu.memref_slice %arg2[%dma_wait3A_230, %dma_wait3A_231] : memref<10240x128xbf16, #tpu.memory_space<hbm>> -> memref<10240x128xbf16, #tpu.memory_space<hbm>>
      tpu.wait_indirect_dma semaphore(%arg22 : memref<!tpu.dma_semaphore, #tpu.memory_space<semaphore_mem>>) src(%dma_wait3A_232 : memref<10240x128xbf16, #tpu.memory_space<hbm>>) dst(%arg14 : memref<125x128xbf16, #tpu.memory_space<vmem>>)
      %dma_start3A_233 = arith.constant 0 : i32
      %dma_start3A_234 = tpu.memref_slice %arg9[%add3A_225, %dma_start3A_233] : memref<80x125xi32, #tpu.memory_space<vmem>> -> memref<1x125xi32, #tpu.memory_space<vmem>>
      %dma_start3A_235 = tpu.memref_squeeze %dma_start3A_234 : memref<1x125xi32, #tpu.memory_space<vmem>> -> memref<125xi32, #tpu.memory_space<vmem>>
      %dma_start3A_236 = arith.constant 0 : i32
      %dma_start3A_237 = arith.constant 0 : i32
      %dma_start3A_238 = tpu.memref_slice %arg6[%dma_start3A_236, %dma_start3A_237] : memref<10240x128xbf16, #tpu.memory_space<vmem_shared>> -> memref<10240x128xbf16, #tpu.memory_space<vmem_shared>>
      tpu.enqueue_indirect_dma source(%arg14 : memref<125x128xbf16, #tpu.memory_space<vmem>>) target(%dma_start3A_238 : memref<10240x128xbf16, #tpu.memory_space<vmem_shared>>) offsets(%dma_start3A_235 : memref<125xi32, #tpu.memory_space<vmem>>) semaphore(%arg30 : memref<!tpu.dma_semaphore, #tpu.memory_space<semaphore_mem>>) {add = true}
      %ge3A_239 = arith.constant 4 : i32
      %ge3A_240 = arith.cmpi sge, %add3A_225, %ge3A_239 : i32
      %convert_element_type3A_241 = arith.extui %ge3A_240 : i1 to i32
      %cond3A_242 = arith.constant 0 : i32
      %cond3A_243 = arith.cmpi ne, %convert_element_type3A_241, %cond3A_242 : i32
      scf.if %cond3A_243 {
        %dma_wait3A_565 = arith.constant 0 : i32
        %dma_wait3A_566 = arith.constant 0 : i32
        %dma_wait3A_567 = tpu.memref_slice %arg9[%dma_wait3A_565, %dma_wait3A_566] : memref<80x125xi32, #tpu.memory_space<vmem>> -> memref<1x125xi32, #tpu.memory_space<vmem>>
        %dma_wait3A_568 = tpu.memref_squeeze %dma_wait3A_567 : memref<1x125xi32, #tpu.memory_space<vmem>> -> memref<125xi32, #tpu.memory_space<vmem>>
        %dma_wait3A_569 = arith.constant 0 : i32
        %dma_wait3A_570 = arith.constant 0 : i32
        %dma_wait3A_571 = tpu.memref_slice %arg6[%dma_wait3A_569, %dma_wait3A_570] : memref<10240x128xbf16, #tpu.memory_space<vmem_shared>> -> memref<10240x128xbf16, #tpu.memory_space<vmem_shared>>
        tpu.wait_indirect_dma semaphore(%arg26 : memref<!tpu.dma_semaphore, #tpu.memory_space<semaphore_mem>>) src(%arg10 : memref<125x128xbf16, #tpu.memory_space<vmem>>) dst(%dma_wait3A_571 : memref<10240x128xbf16, #tpu.memory_space<vmem_shared>>)
      } else {
      }
      %convert_element_type3A_244 = arith.extui %lt3A_101 : i1 to i32
      %cond3A_245 = arith.constant 0 : i32
      %cond3A_246 = arith.cmpi ne, %convert_element_type3A_244, %cond3A_245 : i32
      scf.if %cond3A_246 {
        %dma_start3A_565 = arith.constant 0 : i32
        %dma_start3A_566 = arith.constant 0 : i32
        %dma_start3A_567 = tpu.memref_slice %arg8[%dma_start3A_565, %dma_start3A_566] : memref<8x125xi32, #tpu.memory_space<vmem>> -> memref<1x125xi32, #tpu.memory_space<vmem>>
        %dma_start3A_568 = tpu.memref_squeeze %dma_start3A_567 : memref<1x125xi32, #tpu.memory_space<vmem>> -> memref<125xi32, #tpu.memory_space<vmem>>
        %dma_start3A_569 = arith.constant 0 : i32
        %dma_start3A_570 = arith.constant 0 : i32
        %dma_start3A_571 = tpu.memref_slice %arg2[%dma_start3A_569, %dma_start3A_570] : memref<10240x128xbf16, #tpu.memory_space<hbm>> -> memref<10240x128xbf16, #tpu.memory_space<hbm>>
        tpu.enqueue_indirect_dma source(%dma_start3A_571 : memref<10240x128xbf16, #tpu.memory_space<hbm>>) target(%arg10 : memref<125x128xbf16, #tpu.memory_space<vmem>>) offsets(%dma_start3A_568 : memref<125xi32, #tpu.memory_space<vmem>>) semaphore(%arg18 : memref<!tpu.dma_semaphore, #tpu.memory_space<semaphore_mem>>)
      } else {
      }
      %mul3A_247 = arith.constant 8 : i32
      %mul3A_248 = arith.muli %mul3A_98, %mul3A_247 : i32
      %add3A_249 = arith.constant 5 : i32
      %add3A_250 = arith.addi %mul3A_248, %add3A_249 : i32
      %dma_wait3A_251 = arith.constant 0 : i32
      %dma_wait3A_252 = arith.constant 0 : i32
      %dma_wait3A_253 = tpu.memref_slice %arg7[%dma_wait3A_251, %dma_wait3A_252] : memref<8x125xi32, #tpu.memory_space<vmem>> -> memref<1x125xi32, #tpu.memory_space<vmem>>
      %dma_wait3A_254 = tpu.memref_squeeze %dma_wait3A_253 : memref<1x125xi32, #tpu.memory_space<vmem>> -> memref<125xi32, #tpu.memory_space<vmem>>
      %dma_wait3A_255 = arith.constant 0 : i32
      %dma_wait3A_256 = arith.constant 0 : i32
      %dma_wait3A_257 = tpu.memref_slice %arg2[%dma_wait3A_255, %dma_wait3A_256] : memref<10240x128xbf16, #tpu.memory_space<hbm>> -> memref<10240x128xbf16, #tpu.memory_space<hbm>>
      tpu.wait_indirect_dma semaphore(%arg23 : memref<!tpu.dma_semaphore, #tpu.memory_space<semaphore_mem>>) src(%dma_wait3A_257 : memref<10240x128xbf16, #tpu.memory_space<hbm>>) dst(%arg15 : memref<125x128xbf16, #tpu.memory_space<vmem>>)
      %dma_start3A_258 = arith.constant 0 : i32
      %dma_start3A_259 = tpu.memref_slice %arg9[%add3A_250, %dma_start3A_258] : memref<80x125xi32, #tpu.memory_space<vmem>> -> memref<1x125xi32, #tpu.memory_space<vmem>>
      %dma_start3A_260 = tpu.memref_squeeze %dma_start3A_259 : memref<1x125xi32, #tpu.memory_space<vmem>> -> memref<125xi32, #tpu.memory_space<vmem>>
      %dma_start3A_261 = arith.constant 0 : i32
      %dma_start3A_262 = arith.constant 0 : i32
      %dma_start3A_263 = tpu.memref_slice %arg6[%dma_start3A_261, %dma_start3A_262] : memref<10240x128xbf16, #tpu.memory_space<vmem_shared>> -> memref<10240x128xbf16, #tpu.memory_space<vmem_shared>>
      tpu.enqueue_indirect_dma source(%arg15 : memref<125x128xbf16, #tpu.memory_space<vmem>>) target(%dma_start3A_263 : memref<10240x128xbf16, #tpu.memory_space<vmem_shared>>) offsets(%dma_start3A_260 : memref<125xi32, #tpu.memory_space<vmem>>) semaphore(%arg31 : memref<!tpu.dma_semaphore, #tpu.memory_space<semaphore_mem>>) {add = true}
      %ge3A_264 = arith.constant 4 : i32
      %ge3A_265 = arith.cmpi sge, %add3A_250, %ge3A_264 : i32
      %convert_element_type3A_266 = arith.extui %ge3A_265 : i1 to i32
      %cond3A_267 = arith.constant 0 : i32
      %cond3A_268 = arith.cmpi ne, %convert_element_type3A_266, %cond3A_267 : i32
      scf.if %cond3A_268 {
        %dma_wait3A_565 = arith.constant 0 : i32
        %dma_wait3A_566 = arith.constant 0 : i32
        %dma_wait3A_567 = tpu.memref_slice %arg9[%dma_wait3A_565, %dma_wait3A_566] : memref<80x125xi32, #tpu.memory_space<vmem>> -> memref<1x125xi32, #tpu.memory_space<vmem>>
        %dma_wait3A_568 = tpu.memref_squeeze %dma_wait3A_567 : memref<1x125xi32, #tpu.memory_space<vmem>> -> memref<125xi32, #tpu.memory_space<vmem>>
        %dma_wait3A_569 = arith.constant 0 : i32
        %dma_wait3A_570 = arith.constant 0 : i32
        %dma_wait3A_571 = tpu.memref_slice %arg6[%dma_wait3A_569, %dma_wait3A_570] : memref<10240x128xbf16, #tpu.memory_space<vmem_shared>> -> memref<10240x128xbf16, #tpu.memory_space<vmem_shared>>
        tpu.wait_indirect_dma semaphore(%arg27 : memref<!tpu.dma_semaphore, #tpu.memory_space<semaphore_mem>>) src(%arg11 : memref<125x128xbf16, #tpu.memory_space<vmem>>) dst(%dma_wait3A_571 : memref<10240x128xbf16, #tpu.memory_space<vmem_shared>>)
      } else {
      }
      %convert_element_type3A_269 = arith.extui %lt3A_101 : i1 to i32
      %cond3A_270 = arith.constant 0 : i32
      %cond3A_271 = arith.cmpi ne, %convert_element_type3A_269, %cond3A_270 : i32
      scf.if %cond3A_271 {
        %dma_start3A_565 = arith.constant 1 : i32
        %dma_start3A_566 = arith.constant 0 : i32
        %dma_start3A_567 = tpu.memref_slice %arg8[%dma_start3A_565, %dma_start3A_566] : memref<8x125xi32, #tpu.memory_space<vmem>> -> memref<1x125xi32, #tpu.memory_space<vmem>>
        %dma_start3A_568 = tpu.memref_squeeze %dma_start3A_567 : memref<1x125xi32, #tpu.memory_space<vmem>> -> memref<125xi32, #tpu.memory_space<vmem>>
        %dma_start3A_569 = arith.constant 0 : i32
        %dma_start3A_570 = arith.constant 0 : i32
        %dma_start3A_571 = tpu.memref_slice %arg2[%dma_start3A_569, %dma_start3A_570] : memref<10240x128xbf16, #tpu.memory_space<hbm>> -> memref<10240x128xbf16, #tpu.memory_space<hbm>>
        tpu.enqueue_indirect_dma source(%dma_start3A_571 : memref<10240x128xbf16, #tpu.memory_space<hbm>>) target(%arg11 : memref<125x128xbf16, #tpu.memory_space<vmem>>) offsets(%dma_start3A_568 : memref<125xi32, #tpu.memory_space<vmem>>) semaphore(%arg19 : memref<!tpu.dma_semaphore, #tpu.memory_space<semaphore_mem>>)
      } else {
      }
      %mul3A_272 = arith.constant 8 : i32
      %mul3A_273 = arith.muli %mul3A_98, %mul3A_272 : i32
      %add3A_274 = arith.constant 6 : i32
      %add3A_275 = arith.addi %mul3A_273, %add3A_274 : i32
      %dma_wait3A_276 = arith.constant 0 : i32
      %dma_wait3A_277 = arith.constant 0 : i32
      %dma_wait3A_278 = tpu.memref_slice %arg7[%dma_wait3A_276, %dma_wait3A_277] : memref<8x125xi32, #tpu.memory_space<vmem>> -> memref<1x125xi32, #tpu.memory_space<vmem>>
      %dma_wait3A_279 = tpu.memref_squeeze %dma_wait3A_278 : memref<1x125xi32, #tpu.memory_space<vmem>> -> memref<125xi32, #tpu.memory_space<vmem>>
      %dma_wait3A_280 = arith.constant 0 : i32
      %dma_wait3A_281 = arith.constant 0 : i32
      %dma_wait3A_282 = tpu.memref_slice %arg2[%dma_wait3A_280, %dma_wait3A_281] : memref<10240x128xbf16, #tpu.memory_space<hbm>> -> memref<10240x128xbf16, #tpu.memory_space<hbm>>
      tpu.wait_indirect_dma semaphore(%arg24 : memref<!tpu.dma_semaphore, #tpu.memory_space<semaphore_mem>>) src(%dma_wait3A_282 : memref<10240x128xbf16, #tpu.memory_space<hbm>>) dst(%arg16 : memref<125x128xbf16, #tpu.memory_space<vmem>>)
      %dma_start3A_283 = arith.constant 0 : i32
      %dma_start3A_284 = tpu.memref_slice %arg9[%add3A_275, %dma_start3A_283] : memref<80x125xi32, #tpu.memory_space<vmem>> -> memref<1x125xi32, #tpu.memory_space<vmem>>
      %dma_start3A_285 = tpu.memref_squeeze %dma_start3A_284 : memref<1x125xi32, #tpu.memory_space<vmem>> -> memref<125xi32, #tpu.memory_space<vmem>>
      %dma_start3A_286 = arith.constant 0 : i32
      %dma_start3A_287 = arith.constant 0 : i32
      %dma_start3A_288 = tpu.memref_slice %arg6[%dma_start3A_286, %dma_start3A_287] : memref<10240x128xbf16, #tpu.memory_space<vmem_shared>> -> memref<10240x128xbf16, #tpu.memory_space<vmem_shared>>
      tpu.enqueue_indirect_dma source(%arg16 : memref<125x128xbf16, #tpu.memory_space<vmem>>) target(%dma_start3A_288 : memref<10240x128xbf16, #tpu.memory_space<vmem_shared>>) offsets(%dma_start3A_285 : memref<125xi32, #tpu.memory_space<vmem>>) semaphore(%arg32 : memref<!tpu.dma_semaphore, #tpu.memory_space<semaphore_mem>>) {add = true}
      %ge3A_289 = arith.constant 4 : i32
      %ge3A_290 = arith.cmpi sge, %add3A_275, %ge3A_289 : i32
      %convert_element_type3A_291 = arith.extui %ge3A_290 : i1 to i32
      %cond3A_292 = arith.constant 0 : i32
      %cond3A_293 = arith.cmpi ne, %convert_element_type3A_291, %cond3A_292 : i32
      scf.if %cond3A_293 {
        %dma_wait3A_565 = arith.constant 0 : i32
        %dma_wait3A_566 = arith.constant 0 : i32
        %dma_wait3A_567 = tpu.memref_slice %arg9[%dma_wait3A_565, %dma_wait3A_566] : memref<80x125xi32, #tpu.memory_space<vmem>> -> memref<1x125xi32, #tpu.memory_space<vmem>>
        %dma_wait3A_568 = tpu.memref_squeeze %dma_wait3A_567 : memref<1x125xi32, #tpu.memory_space<vmem>> -> memref<125xi32, #tpu.memory_space<vmem>>
        %dma_wait3A_569 = arith.constant 0 : i32
        %dma_wait3A_570 = arith.constant 0 : i32
        %dma_wait3A_571 = tpu.memref_slice %arg6[%dma_wait3A_569, %dma_wait3A_570] : memref<10240x128xbf16, #tpu.memory_space<vmem_shared>> -> memref<10240x128xbf16, #tpu.memory_space<vmem_shared>>
        tpu.wait_indirect_dma semaphore(%arg28 : memref<!tpu.dma_semaphore, #tpu.memory_space<semaphore_mem>>) src(%arg12 : memref<125x128xbf16, #tpu.memory_space<vmem>>) dst(%dma_wait3A_571 : memref<10240x128xbf16, #tpu.memory_space<vmem_shared>>)
      } else {
      }
      %convert_element_type3A_294 = arith.extui %lt3A_101 : i1 to i32
      %cond3A_295 = arith.constant 0 : i32
      %cond3A_296 = arith.cmpi ne, %convert_element_type3A_294, %cond3A_295 : i32
      scf.if %cond3A_296 {
        %dma_start3A_565 = arith.constant 2 : i32
        %dma_start3A_566 = arith.constant 0 : i32
        %dma_start3A_567 = tpu.memref_slice %arg8[%dma_start3A_565, %dma_start3A_566] : memref<8x125xi32, #tpu.memory_space<vmem>> -> memref<1x125xi32, #tpu.memory_space<vmem>>
        %dma_start3A_568 = tpu.memref_squeeze %dma_start3A_567 : memref<1x125xi32, #tpu.memory_space<vmem>> -> memref<125xi32, #tpu.memory_space<vmem>>
        %dma_start3A_569 = arith.constant 0 : i32
        %dma_start3A_570 = arith.constant 0 : i32
        %dma_start3A_571 = tpu.memref_slice %arg2[%dma_start3A_569, %dma_start3A_570] : memref<10240x128xbf16, #tpu.memory_space<hbm>> -> memref<10240x128xbf16, #tpu.memory_space<hbm>>
        tpu.enqueue_indirect_dma source(%dma_start3A_571 : memref<10240x128xbf16, #tpu.memory_space<hbm>>) target(%arg12 : memref<125x128xbf16, #tpu.memory_space<vmem>>) offsets(%dma_start3A_568 : memref<125xi32, #tpu.memory_space<vmem>>) semaphore(%arg20 : memref<!tpu.dma_semaphore, #tpu.memory_space<semaphore_mem>>)
      } else {
      }
      %mul3A_297 = arith.constant 8 : i32
      %mul3A_298 = arith.muli %mul3A_98, %mul3A_297 : i32
      %add3A_299 = arith.constant 7 : i32
      %add3A_300 = arith.addi %mul3A_298, %add3A_299 : i32
      %dma_wait3A_301 = arith.constant 0 : i32
      %dma_wait3A_302 = arith.constant 0 : i32
      %dma_wait3A_303 = tpu.memref_slice %arg7[%dma_wait3A_301, %dma_wait3A_302] : memref<8x125xi32, #tpu.memory_space<vmem>> -> memref<1x125xi32, #tpu.memory_space<vmem>>
      %dma_wait3A_304 = tpu.memref_squeeze %dma_wait3A_303 : memref<1x125xi32, #tpu.memory_space<vmem>> -> memref<125xi32, #tpu.memory_space<vmem>>
      %dma_wait3A_305 = arith.constant 0 : i32
      %dma_wait3A_306 = arith.constant 0 : i32
      %dma_wait3A_307 = tpu.memref_slice %arg2[%dma_wait3A_305, %dma_wait3A_306] : memref<10240x128xbf16, #tpu.memory_space<hbm>> -> memref<10240x128xbf16, #tpu.memory_space<hbm>>
      tpu.wait_indirect_dma semaphore(%arg25 : memref<!tpu.dma_semaphore, #tpu.memory_space<semaphore_mem>>) src(%dma_wait3A_307 : memref<10240x128xbf16, #tpu.memory_space<hbm>>) dst(%arg17 : memref<125x128xbf16, #tpu.memory_space<vmem>>)
      %dma_start3A_308 = arith.constant 0 : i32
      %dma_start3A_309 = tpu.memref_slice %arg9[%add3A_300, %dma_start3A_308] : memref<80x125xi32, #tpu.memory_space<vmem>> -> memref<1x125xi32, #tpu.memory_space<vmem>>
      %dma_start3A_310 = tpu.memref_squeeze %dma_start3A_309 : memref<1x125xi32, #tpu.memory_space<vmem>> -> memref<125xi32, #tpu.memory_space<vmem>>
      %dma_start3A_311 = arith.constant 0 : i32
      %dma_start3A_312 = arith.constant 0 : i32
      %dma_start3A_313 = tpu.memref_slice %arg6[%dma_start3A_311, %dma_start3A_312] : memref<10240x128xbf16, #tpu.memory_space<vmem_shared>> -> memref<10240x128xbf16, #tpu.memory_space<vmem_shared>>
      tpu.enqueue_indirect_dma source(%arg17 : memref<125x128xbf16, #tpu.memory_space<vmem>>) target(%dma_start3A_313 : memref<10240x128xbf16, #tpu.memory_space<vmem_shared>>) offsets(%dma_start3A_310 : memref<125xi32, #tpu.memory_space<vmem>>) semaphore(%arg33 : memref<!tpu.dma_semaphore, #tpu.memory_space<semaphore_mem>>) {add = true}
      %ge3A_314 = arith.constant 4 : i32
      %ge3A_315 = arith.cmpi sge, %add3A_300, %ge3A_314 : i32
      %convert_element_type3A_316 = arith.extui %ge3A_315 : i1 to i32
      %cond3A_317 = arith.constant 0 : i32
      %cond3A_318 = arith.cmpi ne, %convert_element_type3A_316, %cond3A_317 : i32
      scf.if %cond3A_318 {
        %dma_wait3A_565 = arith.constant 0 : i32
        %dma_wait3A_566 = arith.constant 0 : i32
        %dma_wait3A_567 = tpu.memref_slice %arg9[%dma_wait3A_565, %dma_wait3A_566] : memref<80x125xi32, #tpu.memory_space<vmem>> -> memref<1x125xi32, #tpu.memory_space<vmem>>
        %dma_wait3A_568 = tpu.memref_squeeze %dma_wait3A_567 : memref<1x125xi32, #tpu.memory_space<vmem>> -> memref<125xi32, #tpu.memory_space<vmem>>
        %dma_wait3A_569 = arith.constant 0 : i32
        %dma_wait3A_570 = arith.constant 0 : i32
        %dma_wait3A_571 = tpu.memref_slice %arg6[%dma_wait3A_569, %dma_wait3A_570] : memref<10240x128xbf16, #tpu.memory_space<vmem_shared>> -> memref<10240x128xbf16, #tpu.memory_space<vmem_shared>>
        tpu.wait_indirect_dma semaphore(%arg29 : memref<!tpu.dma_semaphore, #tpu.memory_space<semaphore_mem>>) src(%arg13 : memref<125x128xbf16, #tpu.memory_space<vmem>>) dst(%dma_wait3A_571 : memref<10240x128xbf16, #tpu.memory_space<vmem_shared>>)
      } else {
      }
      %convert_element_type3A_319 = arith.extui %lt3A_101 : i1 to i32
      %cond3A_320 = arith.constant 0 : i32
      %cond3A_321 = arith.cmpi ne, %convert_element_type3A_319, %cond3A_320 : i32
      scf.if %cond3A_321 {
        %dma_start3A_565 = arith.constant 3 : i32
        %dma_start3A_566 = arith.constant 0 : i32
        %dma_start3A_567 = tpu.memref_slice %arg8[%dma_start3A_565, %dma_start3A_566] : memref<8x125xi32, #tpu.memory_space<vmem>> -> memref<1x125xi32, #tpu.memory_space<vmem>>
        %dma_start3A_568 = tpu.memref_squeeze %dma_start3A_567 : memref<1x125xi32, #tpu.memory_space<vmem>> -> memref<125xi32, #tpu.memory_space<vmem>>
        %dma_start3A_569 = arith.constant 0 : i32
        %dma_start3A_570 = arith.constant 0 : i32
        %dma_start3A_571 = tpu.memref_slice %arg2[%dma_start3A_569, %dma_start3A_570] : memref<10240x128xbf16, #tpu.memory_space<hbm>> -> memref<10240x128xbf16, #tpu.memory_space<hbm>>
        tpu.enqueue_indirect_dma source(%dma_start3A_571 : memref<10240x128xbf16, #tpu.memory_space<hbm>>) target(%arg13 : memref<125x128xbf16, #tpu.memory_space<vmem>>) offsets(%dma_start3A_568 : memref<125xi32, #tpu.memory_space<vmem>>) semaphore(%arg21 : memref<!tpu.dma_semaphore, #tpu.memory_space<semaphore_mem>>)
      } else {
      }
      %add3A_322 = arith.constant 2 : i32
      %add3A_323 = arith.addi %mul3A_98, %add3A_322 : i32
      %lt3A_324 = arith.constant 10 : i32
      %lt3A_325 = arith.cmpi slt, %add3A_323, %lt3A_324 : i32
      %convert_element_type3A_326 = arith.extui %lt3A_325 : i1 to i32
      %cond3A_327 = arith.constant 0 : i32
      %cond3A_328 = arith.cmpi ne, %convert_element_type3A_326, %cond3A_327 : i32
      scf.if %cond3A_328 {
        %add3A_565 = arith.constant 2 : i32
        %add3A_566 = arith.addi %mul3A_98, %add3A_565 : i32
        %mul3A_567 = arith.constant 8 : i32
        %mul3A_568 = arith.muli %add3A_566, %mul3A_567 : i32
        %dma_start3A_569 = arith.constant 0 : i32
        %dma_start3A_570 = tpu.memref_slice %arg3[%add3A, %mul3A_568, %dma_start3A_569] : memref<32x80x125xi32, #tpu.memory_space<hbm>> -> memref<1x8x125xi32, #tpu.memory_space<hbm>>
        %dma_start3A_571 = tpu.memref_squeeze %dma_start3A_570 : memref<1x8x125xi32, #tpu.memory_space<hbm>> -> memref<8x125xi32, #tpu.memory_space<hbm>>
        %dma_start3A_572 = arith.constant 0 : i32
        %dma_start3A_573 = tpu.memref_slice %arg3[%add3A, %mul3A_568, %dma_start3A_572] : memref<32x80x125xi32, #tpu.memory_space<hbm>> -> memref<1x8x125xi32, #tpu.memory_space<hbm>>
        %dma_start3A_574 = tpu.memref_squeeze %dma_start3A_573 : memref<1x8x125xi32, #tpu.memory_space<hbm>> -> memref<8x125xi32, #tpu.memory_space<hbm>>
        tpu.enqueue_dma source(%dma_start3A_574 : memref<8x125xi32, #tpu.memory_space<hbm>>) target(%arg7 : memref<8x125xi32, #tpu.memory_space<vmem>>) target_semaphore(%arg34 : memref<!tpu.dma_semaphore, #tpu.memory_space<semaphore_mem>>)
      } else {
      }
      %add3A_329 = arith.constant 1 : i32
      %add3A_330 = arith.addi %mul3A_98, %add3A_329 : i32
      %add3A_331 = arith.constant 2 : i32
      %add3A_332 = arith.addi %mul3A_98, %add3A_331 : i32
      %lt3A_333 = arith.constant 10 : i32
      %lt3A_334 = arith.cmpi slt, %add3A_332, %lt3A_333 : i32
      %mul3A_335 = arith.constant 8 : i32
      %mul3A_336 = arith.muli %add3A_330, %mul3A_335 : i32
      %add3A_337 = arith.constant 0 : i32
      %add3A_338 = arith.addi %mul3A_336, %add3A_337 : i32
      %dma_wait3A_339 = arith.constant 0 : i32
      %dma_wait3A_340 = arith.constant 0 : i32
      %dma_wait3A_341 = tpu.memref_slice %arg7[%dma_wait3A_339, %dma_wait3A_340] : memref<8x125xi32, #tpu.memory_space<vmem>> -> memref<1x125xi32, #tpu.memory_space<vmem>>
      %dma_wait3A_342 = tpu.memref_squeeze %dma_wait3A_341 : memref<1x125xi32, #tpu.memory_space<vmem>> -> memref<125xi32, #tpu.memory_space<vmem>>
      %dma_wait3A_343 = arith.constant 0 : i32
      %dma_wait3A_344 = arith.constant 0 : i32
      %dma_wait3A_345 = tpu.memref_slice %arg2[%dma_wait3A_343, %dma_wait3A_344] : memref<10240x128xbf16, #tpu.memory_space<hbm>> -> memref<10240x128xbf16, #tpu.memory_space<hbm>>
      tpu.wait_indirect_dma semaphore(%arg18 : memref<!tpu.dma_semaphore, #tpu.memory_space<semaphore_mem>>) src(%dma_wait3A_345 : memref<10240x128xbf16, #tpu.memory_space<hbm>>) dst(%arg10 : memref<125x128xbf16, #tpu.memory_space<vmem>>)
      %dma_start3A_346 = arith.constant 0 : i32
      %dma_start3A_347 = tpu.memref_slice %arg9[%add3A_338, %dma_start3A_346] : memref<80x125xi32, #tpu.memory_space<vmem>> -> memref<1x125xi32, #tpu.memory_space<vmem>>
      %dma_start3A_348 = tpu.memref_squeeze %dma_start3A_347 : memref<1x125xi32, #tpu.memory_space<vmem>> -> memref<125xi32, #tpu.memory_space<vmem>>
      %dma_start3A_349 = arith.constant 0 : i32
      %dma_start3A_350 = arith.constant 0 : i32
      %dma_start3A_351 = tpu.memref_slice %arg6[%dma_start3A_349, %dma_start3A_350] : memref<10240x128xbf16, #tpu.memory_space<vmem_shared>> -> memref<10240x128xbf16, #tpu.memory_space<vmem_shared>>
      tpu.enqueue_indirect_dma source(%arg10 : memref<125x128xbf16, #tpu.memory_space<vmem>>) target(%dma_start3A_351 : memref<10240x128xbf16, #tpu.memory_space<vmem_shared>>) offsets(%dma_start3A_348 : memref<125xi32, #tpu.memory_space<vmem>>) semaphore(%arg26 : memref<!tpu.dma_semaphore, #tpu.memory_space<semaphore_mem>>) {add = true}
      %ge3A_352 = arith.constant 4 : i32
      %ge3A_353 = arith.cmpi sge, %add3A_338, %ge3A_352 : i32
      %convert_element_type3A_354 = arith.extui %ge3A_353 : i1 to i32
      %cond3A_355 = arith.constant 0 : i32
      %cond3A_356 = arith.cmpi ne, %convert_element_type3A_354, %cond3A_355 : i32
      scf.if %cond3A_356 {
        %dma_wait3A_565 = arith.constant 0 : i32
        %dma_wait3A_566 = arith.constant 0 : i32
        %dma_wait3A_567 = tpu.memref_slice %arg9[%dma_wait3A_565, %dma_wait3A_566] : memref<80x125xi32, #tpu.memory_space<vmem>> -> memref<1x125xi32, #tpu.memory_space<vmem>>
        %dma_wait3A_568 = tpu.memref_squeeze %dma_wait3A_567 : memref<1x125xi32, #tpu.memory_space<vmem>> -> memref<125xi32, #tpu.memory_space<vmem>>
        %dma_wait3A_569 = arith.constant 0 : i32
        %dma_wait3A_570 = arith.constant 0 : i32
        %dma_wait3A_571 = tpu.memref_slice %arg6[%dma_wait3A_569, %dma_wait3A_570] : memref<10240x128xbf16, #tpu.memory_space<vmem_shared>> -> memref<10240x128xbf16, #tpu.memory_space<vmem_shared>>
        tpu.wait_indirect_dma semaphore(%arg30 : memref<!tpu.dma_semaphore, #tpu.memory_space<semaphore_mem>>) src(%arg14 : memref<125x128xbf16, #tpu.memory_space<vmem>>) dst(%dma_wait3A_571 : memref<10240x128xbf16, #tpu.memory_space<vmem_shared>>)
      } else {
      }
      %cond3A_357 = arith.constant 1 : i32
      %dma_start3A_358 = arith.constant 4 : i32
      %dma_start3A_359 = arith.constant 0 : i32
      %dma_start3A_360 = tpu.memref_slice %arg8[%dma_start3A_358, %dma_start3A_359] : memref<8x125xi32, #tpu.memory_space<vmem>> -> memref<1x125xi32, #tpu.memory_space<vmem>>
      %dma_start3A_361 = tpu.memref_squeeze %dma_start3A_360 : memref<1x125xi32, #tpu.memory_space<vmem>> -> memref<125xi32, #tpu.memory_space<vmem>>
      %dma_start3A_362 = arith.constant 0 : i32
      %dma_start3A_363 = arith.constant 0 : i32
      %dma_start3A_364 = tpu.memref_slice %arg2[%dma_start3A_362, %dma_start3A_363] : memref<10240x128xbf16, #tpu.memory_space<hbm>> -> memref<10240x128xbf16, #tpu.memory_space<hbm>>
      tpu.enqueue_indirect_dma source(%dma_start3A_364 : memref<10240x128xbf16, #tpu.memory_space<hbm>>) target(%arg14 : memref<125x128xbf16, #tpu.memory_space<vmem>>) offsets(%dma_start3A_361 : memref<125xi32, #tpu.memory_space<vmem>>) semaphore(%arg22 : memref<!tpu.dma_semaphore, #tpu.memory_space<semaphore_mem>>)
      %mul3A_365 = arith.constant 8 : i32
      %mul3A_366 = arith.muli %add3A_330, %mul3A_365 : i32
      %add3A_367 = arith.constant 1 : i32
      %add3A_368 = arith.addi %mul3A_366, %add3A_367 : i32
      %dma_wait3A_369 = arith.constant 0 : i32
      %dma_wait3A_370 = arith.constant 0 : i32
      %dma_wait3A_371 = tpu.memref_slice %arg7[%dma_wait3A_369, %dma_wait3A_370] : memref<8x125xi32, #tpu.memory_space<vmem>> -> memref<1x125xi32, #tpu.memory_space<vmem>>
      %dma_wait3A_372 = tpu.memref_squeeze %dma_wait3A_371 : memref<1x125xi32, #tpu.memory_space<vmem>> -> memref<125xi32, #tpu.memory_space<vmem>>
      %dma_wait3A_373 = arith.constant 0 : i32
      %dma_wait3A_374 = arith.constant 0 : i32
      %dma_wait3A_375 = tpu.memref_slice %arg2[%dma_wait3A_373, %dma_wait3A_374] : memref<10240x128xbf16, #tpu.memory_space<hbm>> -> memref<10240x128xbf16, #tpu.memory_space<hbm>>
      tpu.wait_indirect_dma semaphore(%arg19 : memref<!tpu.dma_semaphore, #tpu.memory_space<semaphore_mem>>) src(%dma_wait3A_375 : memref<10240x128xbf16, #tpu.memory_space<hbm>>) dst(%arg11 : memref<125x128xbf16, #tpu.memory_space<vmem>>)
      %dma_start3A_376 = arith.constant 0 : i32
      %dma_start3A_377 = tpu.memref_slice %arg9[%add3A_368, %dma_start3A_376] : memref<80x125xi32, #tpu.memory_space<vmem>> -> memref<1x125xi32, #tpu.memory_space<vmem>>
      %dma_start3A_378 = tpu.memref_squeeze %dma_start3A_377 : memref<1x125xi32, #tpu.memory_space<vmem>> -> memref<125xi32, #tpu.memory_space<vmem>>
      %dma_start3A_379 = arith.constant 0 : i32
      %dma_start3A_380 = arith.constant 0 : i32
      %dma_start3A_381 = tpu.memref_slice %arg6[%dma_start3A_379, %dma_start3A_380] : memref<10240x128xbf16, #tpu.memory_space<vmem_shared>> -> memref<10240x128xbf16, #tpu.memory_space<vmem_shared>>
      tpu.enqueue_indirect_dma source(%arg11 : memref<125x128xbf16, #tpu.memory_space<vmem>>) target(%dma_start3A_381 : memref<10240x128xbf16, #tpu.memory_space<vmem_shared>>) offsets(%dma_start3A_378 : memref<125xi32, #tpu.memory_space<vmem>>) semaphore(%arg27 : memref<!tpu.dma_semaphore, #tpu.memory_space<semaphore_mem>>) {add = true}
      %ge3A_382 = arith.constant 4 : i32
      %ge3A_383 = arith.cmpi sge, %add3A_368, %ge3A_382 : i32
      %convert_element_type3A_384 = arith.extui %ge3A_383 : i1 to i32
      %cond3A_385 = arith.constant 0 : i32
      %cond3A_386 = arith.cmpi ne, %convert_element_type3A_384, %cond3A_385 : i32
      scf.if %cond3A_386 {
        %dma_wait3A_565 = arith.constant 0 : i32
        %dma_wait3A_566 = arith.constant 0 : i32
        %dma_wait3A_567 = tpu.memref_slice %arg9[%dma_wait3A_565, %dma_wait3A_566] : memref<80x125xi32, #tpu.memory_space<vmem>> -> memref<1x125xi32, #tpu.memory_space<vmem>>
        %dma_wait3A_568 = tpu.memref_squeeze %dma_wait3A_567 : memref<1x125xi32, #tpu.memory_space<vmem>> -> memref<125xi32, #tpu.memory_space<vmem>>
        %dma_wait3A_569 = arith.constant 0 : i32
        %dma_wait3A_570 = arith.constant 0 : i32
        %dma_wait3A_571 = tpu.memref_slice %arg6[%dma_wait3A_569, %dma_wait3A_570] : memref<10240x128xbf16, #tpu.memory_space<vmem_shared>> -> memref<10240x128xbf16, #tpu.memory_space<vmem_shared>>
        tpu.wait_indirect_dma semaphore(%arg31 : memref<!tpu.dma_semaphore, #tpu.memory_space<semaphore_mem>>) src(%arg15 : memref<125x128xbf16, #tpu.memory_space<vmem>>) dst(%dma_wait3A_571 : memref<10240x128xbf16, #tpu.memory_space<vmem_shared>>)
      } else {
      }
      %cond3A_387 = arith.constant 1 : i32
      %dma_start3A_388 = arith.constant 5 : i32
      %dma_start3A_389 = arith.constant 0 : i32
      %dma_start3A_390 = tpu.memref_slice %arg8[%dma_start3A_388, %dma_start3A_389] : memref<8x125xi32, #tpu.memory_space<vmem>> -> memref<1x125xi32, #tpu.memory_space<vmem>>
      %dma_start3A_391 = tpu.memref_squeeze %dma_start3A_390 : memref<1x125xi32, #tpu.memory_space<vmem>> -> memref<125xi32, #tpu.memory_space<vmem>>
      %dma_start3A_392 = arith.constant 0 : i32
      %dma_start3A_393 = arith.constant 0 : i32
      %dma_start3A_394 = tpu.memref_slice %arg2[%dma_start3A_392, %dma_start3A_393] : memref<10240x128xbf16, #tpu.memory_space<hbm>> -> memref<10240x128xbf16, #tpu.memory_space<hbm>>
      tpu.enqueue_indirect_dma source(%dma_start3A_394 : memref<10240x128xbf16, #tpu.memory_space<hbm>>) target(%arg15 : memref<125x128xbf16, #tpu.memory_space<vmem>>) offsets(%dma_start3A_391 : memref<125xi32, #tpu.memory_space<vmem>>) semaphore(%arg23 : memref<!tpu.dma_semaphore, #tpu.memory_space<semaphore_mem>>)
      %mul3A_395 = arith.constant 8 : i32
      %mul3A_396 = arith.muli %add3A_330, %mul3A_395 : i32
      %add3A_397 = arith.constant 2 : i32
      %add3A_398 = arith.addi %mul3A_396, %add3A_397 : i32
      %dma_wait3A_399 = arith.constant 0 : i32
      %dma_wait3A_400 = arith.constant 0 : i32
      %dma_wait3A_401 = tpu.memref_slice %arg7[%dma_wait3A_399, %dma_wait3A_400] : memref<8x125xi32, #tpu.memory_space<vmem>> -> memref<1x125xi32, #tpu.memory_space<vmem>>
      %dma_wait3A_402 = tpu.memref_squeeze %dma_wait3A_401 : memref<1x125xi32, #tpu.memory_space<vmem>> -> memref<125xi32, #tpu.memory_space<vmem>>
      %dma_wait3A_403 = arith.constant 0 : i32
      %dma_wait3A_404 = arith.constant 0 : i32
      %dma_wait3A_405 = tpu.memref_slice %arg2[%dma_wait3A_403, %dma_wait3A_404] : memref<10240x128xbf16, #tpu.memory_space<hbm>> -> memref<10240x128xbf16, #tpu.memory_space<hbm>>
      tpu.wait_indirect_dma semaphore(%arg20 : memref<!tpu.dma_semaphore, #tpu.memory_space<semaphore_mem>>) src(%dma_wait3A_405 : memref<10240x128xbf16, #tpu.memory_space<hbm>>) dst(%arg12 : memref<125x128xbf16, #tpu.memory_space<vmem>>)
      %dma_start3A_406 = arith.constant 0 : i32
      %dma_start3A_407 = tpu.memref_slice %arg9[%add3A_398, %dma_start3A_406] : memref<80x125xi32, #tpu.memory_space<vmem>> -> memref<1x125xi32, #tpu.memory_space<vmem>>
      %dma_start3A_408 = tpu.memref_squeeze %dma_start3A_407 : memref<1x125xi32, #tpu.memory_space<vmem>> -> memref<125xi32, #tpu.memory_space<vmem>>
      %dma_start3A_409 = arith.constant 0 : i32
      %dma_start3A_410 = arith.constant 0 : i32
      %dma_start3A_411 = tpu.memref_slice %arg6[%dma_start3A_409, %dma_start3A_410] : memref<10240x128xbf16, #tpu.memory_space<vmem_shared>> -> memref<10240x128xbf16, #tpu.memory_space<vmem_shared>>
      tpu.enqueue_indirect_dma source(%arg12 : memref<125x128xbf16, #tpu.memory_space<vmem>>) target(%dma_start3A_411 : memref<10240x128xbf16, #tpu.memory_space<vmem_shared>>) offsets(%dma_start3A_408 : memref<125xi32, #tpu.memory_space<vmem>>) semaphore(%arg28 : memref<!tpu.dma_semaphore, #tpu.memory_space<semaphore_mem>>) {add = true}
      %ge3A_412 = arith.constant 4 : i32
      %ge3A_413 = arith.cmpi sge, %add3A_398, %ge3A_412 : i32
      %convert_element_type3A_414 = arith.extui %ge3A_413 : i1 to i32
      %cond3A_415 = arith.constant 0 : i32
      %cond3A_416 = arith.cmpi ne, %convert_element_type3A_414, %cond3A_415 : i32
      scf.if %cond3A_416 {
        %dma_wait3A_565 = arith.constant 0 : i32
        %dma_wait3A_566 = arith.constant 0 : i32
        %dma_wait3A_567 = tpu.memref_slice %arg9[%dma_wait3A_565, %dma_wait3A_566] : memref<80x125xi32, #tpu.memory_space<vmem>> -> memref<1x125xi32, #tpu.memory_space<vmem>>
        %dma_wait3A_568 = tpu.memref_squeeze %dma_wait3A_567 : memref<1x125xi32, #tpu.memory_space<vmem>> -> memref<125xi32, #tpu.memory_space<vmem>>
        %dma_wait3A_569 = arith.constant 0 : i32
        %dma_wait3A_570 = arith.constant 0 : i32
        %dma_wait3A_571 = tpu.memref_slice %arg6[%dma_wait3A_569, %dma_wait3A_570] : memref<10240x128xbf16, #tpu.memory_space<vmem_shared>> -> memref<10240x128xbf16, #tpu.memory_space<vmem_shared>>
        tpu.wait_indirect_dma semaphore(%arg32 : memref<!tpu.dma_semaphore, #tpu.memory_space<semaphore_mem>>) src(%arg16 : memref<125x128xbf16, #tpu.memory_space<vmem>>) dst(%dma_wait3A_571 : memref<10240x128xbf16, #tpu.memory_space<vmem_shared>>)
      } else {
      }
      %cond3A_417 = arith.constant 1 : i32
      %dma_start3A_418 = arith.constant 6 : i32
      %dma_start3A_419 = arith.constant 0 : i32
      %dma_start3A_420 = tpu.memref_slice %arg8[%dma_start3A_418, %dma_start3A_419] : memref<8x125xi32, #tpu.memory_space<vmem>> -> memref<1x125xi32, #tpu.memory_space<vmem>>
      %dma_start3A_421 = tpu.memref_squeeze %dma_start3A_420 : memref<1x125xi32, #tpu.memory_space<vmem>> -> memref<125xi32, #tpu.memory_space<vmem>>
      %dma_start3A_422 = arith.constant 0 : i32
      %dma_start3A_423 = arith.constant 0 : i32
      %dma_start3A_424 = tpu.memref_slice %arg2[%dma_start3A_422, %dma_start3A_423] : memref<10240x128xbf16, #tpu.memory_space<hbm>> -> memref<10240x128xbf16, #tpu.memory_space<hbm>>
      tpu.enqueue_indirect_dma source(%dma_start3A_424 : memref<10240x128xbf16, #tpu.memory_space<hbm>>) target(%arg16 : memref<125x128xbf16, #tpu.memory_space<vmem>>) offsets(%dma_start3A_421 : memref<125xi32, #tpu.memory_space<vmem>>) semaphore(%arg24 : memref<!tpu.dma_semaphore, #tpu.memory_space<semaphore_mem>>)
      %mul3A_425 = arith.constant 8 : i32
      %mul3A_426 = arith.muli %add3A_330, %mul3A_425 : i32
      %add3A_427 = arith.constant 3 : i32
      %add3A_428 = arith.addi %mul3A_426, %add3A_427 : i32
      %dma_wait3A_429 = arith.constant 0 : i32
      %dma_wait3A_430 = arith.constant 0 : i32
      %dma_wait3A_431 = tpu.memref_slice %arg7[%dma_wait3A_429, %dma_wait3A_430] : memref<8x125xi32, #tpu.memory_space<vmem>> -> memref<1x125xi32, #tpu.memory_space<vmem>>
      %dma_wait3A_432 = tpu.memref_squeeze %dma_wait3A_431 : memref<1x125xi32, #tpu.memory_space<vmem>> -> memref<125xi32, #tpu.memory_space<vmem>>
      %dma_wait3A_433 = arith.constant 0 : i32
      %dma_wait3A_434 = arith.constant 0 : i32
      %dma_wait3A_435 = tpu.memref_slice %arg2[%dma_wait3A_433, %dma_wait3A_434] : memref<10240x128xbf16, #tpu.memory_space<hbm>> -> memref<10240x128xbf16, #tpu.memory_space<hbm>>
      tpu.wait_indirect_dma semaphore(%arg21 : memref<!tpu.dma_semaphore, #tpu.memory_space<semaphore_mem>>) src(%dma_wait3A_435 : memref<10240x128xbf16, #tpu.memory_space<hbm>>) dst(%arg13 : memref<125x128xbf16, #tpu.memory_space<vmem>>)
      %dma_start3A_436 = arith.constant 0 : i32
      %dma_start3A_437 = tpu.memref_slice %arg9[%add3A_428, %dma_start3A_436] : memref<80x125xi32, #tpu.memory_space<vmem>> -> memref<1x125xi32, #tpu.memory_space<vmem>>
      %dma_start3A_438 = tpu.memref_squeeze %dma_start3A_437 : memref<1x125xi32, #tpu.memory_space<vmem>> -> memref<125xi32, #tpu.memory_space<vmem>>
      %dma_start3A_439 = arith.constant 0 : i32
      %dma_start3A_440 = arith.constant 0 : i32
      %dma_start3A_441 = tpu.memref_slice %arg6[%dma_start3A_439, %dma_start3A_440] : memref<10240x128xbf16, #tpu.memory_space<vmem_shared>> -> memref<10240x128xbf16, #tpu.memory_space<vmem_shared>>
      tpu.enqueue_indirect_dma source(%arg13 : memref<125x128xbf16, #tpu.memory_space<vmem>>) target(%dma_start3A_441 : memref<10240x128xbf16, #tpu.memory_space<vmem_shared>>) offsets(%dma_start3A_438 : memref<125xi32, #tpu.memory_space<vmem>>) semaphore(%arg29 : memref<!tpu.dma_semaphore, #tpu.memory_space<semaphore_mem>>) {add = true}
      %ge3A_442 = arith.constant 4 : i32
      %ge3A_443 = arith.cmpi sge, %add3A_428, %ge3A_442 : i32
      %convert_element_type3A_444 = arith.extui %ge3A_443 : i1 to i32
      %cond3A_445 = arith.constant 0 : i32
      %cond3A_446 = arith.cmpi ne, %convert_element_type3A_444, %cond3A_445 : i32
      scf.if %cond3A_446 {
        %dma_wait3A_565 = arith.constant 0 : i32
        %dma_wait3A_566 = arith.constant 0 : i32
        %dma_wait3A_567 = tpu.memref_slice %arg9[%dma_wait3A_565, %dma_wait3A_566] : memref<80x125xi32, #tpu.memory_space<vmem>> -> memref<1x125xi32, #tpu.memory_space<vmem>>
        %dma_wait3A_568 = tpu.memref_squeeze %dma_wait3A_567 : memref<1x125xi32, #tpu.memory_space<vmem>> -> memref<125xi32, #tpu.memory_space<vmem>>
        %dma_wait3A_569 = arith.constant 0 : i32
        %dma_wait3A_570 = arith.constant 0 : i32
        %dma_wait3A_571 = tpu.memref_slice %arg6[%dma_wait3A_569, %dma_wait3A_570] : memref<10240x128xbf16, #tpu.memory_space<vmem_shared>> -> memref<10240x128xbf16, #tpu.memory_space<vmem_shared>>
        tpu.wait_indirect_dma semaphore(%arg33 : memref<!tpu.dma_semaphore, #tpu.memory_space<semaphore_mem>>) src(%arg17 : memref<125x128xbf16, #tpu.memory_space<vmem>>) dst(%dma_wait3A_571 : memref<10240x128xbf16, #tpu.memory_space<vmem_shared>>)
      } else {
      }
      %cond3A_447 = arith.constant 1 : i32
      %dma_start3A_448 = arith.constant 7 : i32
      %dma_start3A_449 = arith.constant 0 : i32
      %dma_start3A_450 = tpu.memref_slice %arg8[%dma_start3A_448, %dma_start3A_449] : memref<8x125xi32, #tpu.memory_space<vmem>> -> memref<1x125xi32, #tpu.memory_space<vmem>>
      %dma_start3A_451 = tpu.memref_squeeze %dma_start3A_450 : memref<1x125xi32, #tpu.memory_space<vmem>> -> memref<125xi32, #tpu.memory_space<vmem>>
      %dma_start3A_452 = arith.constant 0 : i32
      %dma_start3A_453 = arith.constant 0 : i32
      %dma_start3A_454 = tpu.memref_slice %arg2[%dma_start3A_452, %dma_start3A_453] : memref<10240x128xbf16, #tpu.memory_space<hbm>> -> memref<10240x128xbf16, #tpu.memory_space<hbm>>
      tpu.enqueue_indirect_dma source(%dma_start3A_454 : memref<10240x128xbf16, #tpu.memory_space<hbm>>) target(%arg17 : memref<125x128xbf16, #tpu.memory_space<vmem>>) offsets(%dma_start3A_451 : memref<125xi32, #tpu.memory_space<vmem>>) semaphore(%arg25 : memref<!tpu.dma_semaphore, #tpu.memory_space<semaphore_mem>>)
      %convert_element_type3A_455 = arith.extui %lt3A_334 : i1 to i32
      %cond3A_456 = arith.constant 0 : i32
      %cond3A_457 = arith.cmpi ne, %convert_element_type3A_455, %cond3A_456 : i32
      scf.if %cond3A_457 {
        %dma_wait3A_565 = arith.constant 0 : i32
        %dma_wait3A_566 = arith.constant 0 : i32
        %dma_wait3A_567 = tpu.memref_slice %arg3[%add3A, %dma_wait3A_565, %dma_wait3A_566] : memref<32x80x125xi32, #tpu.memory_space<hbm>> -> memref<1x8x125xi32, #tpu.memory_space<hbm>>
        %dma_wait3A_568 = tpu.memref_squeeze %dma_wait3A_567 : memref<1x8x125xi32, #tpu.memory_space<hbm>> -> memref<8x125xi32, #tpu.memory_space<hbm>>
        %dma_wait3A_569 = arith.constant 0 : i32
        %dma_wait3A_570 = arith.constant 0 : i32
        %dma_wait3A_571 = tpu.memref_slice %arg3[%add3A, %dma_wait3A_569, %dma_wait3A_570] : memref<32x80x125xi32, #tpu.memory_space<hbm>> -> memref<1x8x125xi32, #tpu.memory_space<hbm>>
        %dma_wait3A_572 = tpu.memref_squeeze %dma_wait3A_571 : memref<1x8x125xi32, #tpu.memory_space<hbm>> -> memref<8x125xi32, #tpu.memory_space<hbm>>
        tpu.wait_dma2 semaphore(%arg34 : memref<!tpu.dma_semaphore, #tpu.memory_space<semaphore_mem>>) src(%dma_wait3A_572 : memref<8x125xi32, #tpu.memory_space<hbm>>) dst(%arg7 : memref<8x125xi32, #tpu.memory_space<vmem>>)
      } else {
      }
      %mul3A_458 = arith.constant 8 : i32
      %mul3A_459 = arith.muli %add3A_330, %mul3A_458 : i32
      %add3A_460 = arith.constant 4 : i32
      %add3A_461 = arith.addi %mul3A_459, %add3A_460 : i32
      %dma_wait3A_462 = arith.constant 0 : i32
      %dma_wait3A_463 = arith.constant 0 : i32
      %dma_wait3A_464 = tpu.memref_slice %arg7[%dma_wait3A_462, %dma_wait3A_463] : memref<8x125xi32, #tpu.memory_space<vmem>> -> memref<1x125xi32, #tpu.memory_space<vmem>>
      %dma_wait3A_465 = tpu.memref_squeeze %dma_wait3A_464 : memref<1x125xi32, #tpu.memory_space<vmem>> -> memref<125xi32, #tpu.memory_space<vmem>>
      %dma_wait3A_466 = arith.constant 0 : i32
      %dma_wait3A_467 = arith.constant 0 : i32
      %dma_wait3A_468 = tpu.memref_slice %arg2[%dma_wait3A_466, %dma_wait3A_467] : memref<10240x128xbf16, #tpu.memory_space<hbm>> -> memref<10240x128xbf16, #tpu.memory_space<hbm>>
      tpu.wait_indirect_dma semaphore(%arg22 : memref<!tpu.dma_semaphore, #tpu.memory_space<semaphore_mem>>) src(%dma_wait3A_468 : memref<10240x128xbf16, #tpu.memory_space<hbm>>) dst(%arg14 : memref<125x128xbf16, #tpu.memory_space<vmem>>)
      %dma_start3A_469 = arith.constant 0 : i32
      %dma_start3A_470 = tpu.memref_slice %arg9[%add3A_461, %dma_start3A_469] : memref<80x125xi32, #tpu.memory_space<vmem>> -> memref<1x125xi32, #tpu.memory_space<vmem>>
      %dma_start3A_471 = tpu.memref_squeeze %dma_start3A_470 : memref<1x125xi32, #tpu.memory_space<vmem>> -> memref<125xi32, #tpu.memory_space<vmem>>
      %dma_start3A_472 = arith.constant 0 : i32
      %dma_start3A_473 = arith.constant 0 : i32
      %dma_start3A_474 = tpu.memref_slice %arg6[%dma_start3A_472, %dma_start3A_473] : memref<10240x128xbf16, #tpu.memory_space<vmem_shared>> -> memref<10240x128xbf16, #tpu.memory_space<vmem_shared>>
      tpu.enqueue_indirect_dma source(%arg14 : memref<125x128xbf16, #tpu.memory_space<vmem>>) target(%dma_start3A_474 : memref<10240x128xbf16, #tpu.memory_space<vmem_shared>>) offsets(%dma_start3A_471 : memref<125xi32, #tpu.memory_space<vmem>>) semaphore(%arg30 : memref<!tpu.dma_semaphore, #tpu.memory_space<semaphore_mem>>) {add = true}
      %ge3A_475 = arith.constant 4 : i32
      %ge3A_476 = arith.cmpi sge, %add3A_461, %ge3A_475 : i32
      %convert_element_type3A_477 = arith.extui %ge3A_476 : i1 to i32
      %cond3A_478 = arith.constant 0 : i32
      %cond3A_479 = arith.cmpi ne, %convert_element_type3A_477, %cond3A_478 : i32
      scf.if %cond3A_479 {
        %dma_wait3A_565 = arith.constant 0 : i32
        %dma_wait3A_566 = arith.constant 0 : i32
        %dma_wait3A_567 = tpu.memref_slice %arg9[%dma_wait3A_565, %dma_wait3A_566] : memref<80x125xi32, #tpu.memory_space<vmem>> -> memref<1x125xi32, #tpu.memory_space<vmem>>
        %dma_wait3A_568 = tpu.memref_squeeze %dma_wait3A_567 : memref<1x125xi32, #tpu.memory_space<vmem>> -> memref<125xi32, #tpu.memory_space<vmem>>
        %dma_wait3A_569 = arith.constant 0 : i32
        %dma_wait3A_570 = arith.constant 0 : i32
        %dma_wait3A_571 = tpu.memref_slice %arg6[%dma_wait3A_569, %dma_wait3A_570] : memref<10240x128xbf16, #tpu.memory_space<vmem_shared>> -> memref<10240x128xbf16, #tpu.memory_space<vmem_shared>>
        tpu.wait_indirect_dma semaphore(%arg26 : memref<!tpu.dma_semaphore, #tpu.memory_space<semaphore_mem>>) src(%arg10 : memref<125x128xbf16, #tpu.memory_space<vmem>>) dst(%dma_wait3A_571 : memref<10240x128xbf16, #tpu.memory_space<vmem_shared>>)
      } else {
      }
      %convert_element_type3A_480 = arith.extui %lt3A_334 : i1 to i32
      %cond3A_481 = arith.constant 0 : i32
      %cond3A_482 = arith.cmpi ne, %convert_element_type3A_480, %cond3A_481 : i32
      scf.if %cond3A_482 {
        %dma_start3A_565 = arith.constant 0 : i32
        %dma_start3A_566 = arith.constant 0 : i32
        %dma_start3A_567 = tpu.memref_slice %arg7[%dma_start3A_565, %dma_start3A_566] : memref<8x125xi32, #tpu.memory_space<vmem>> -> memref<1x125xi32, #tpu.memory_space<vmem>>
        %dma_start3A_568 = tpu.memref_squeeze %dma_start3A_567 : memref<1x125xi32, #tpu.memory_space<vmem>> -> memref<125xi32, #tpu.memory_space<vmem>>
        %dma_start3A_569 = arith.constant 0 : i32
        %dma_start3A_570 = arith.constant 0 : i32
        %dma_start3A_571 = tpu.memref_slice %arg2[%dma_start3A_569, %dma_start3A_570] : memref<10240x128xbf16, #tpu.memory_space<hbm>> -> memref<10240x128xbf16, #tpu.memory_space<hbm>>
        tpu.enqueue_indirect_dma source(%dma_start3A_571 : memref<10240x128xbf16, #tpu.memory_space<hbm>>) target(%arg10 : memref<125x128xbf16, #tpu.memory_space<vmem>>) offsets(%dma_start3A_568 : memref<125xi32, #tpu.memory_space<vmem>>) semaphore(%arg18 : memref<!tpu.dma_semaphore, #tpu.memory_space<semaphore_mem>>)
      } else {
      }
      %mul3A_483 = arith.constant 8 : i32
      %mul3A_484 = arith.muli %add3A_330, %mul3A_483 : i32
      %add3A_485 = arith.constant 5 : i32
      %add3A_486 = arith.addi %mul3A_484, %add3A_485 : i32
      %dma_wait3A_487 = arith.constant 0 : i32
      %dma_wait3A_488 = arith.constant 0 : i32
      %dma_wait3A_489 = tpu.memref_slice %arg7[%dma_wait3A_487, %dma_wait3A_488] : memref<8x125xi32, #tpu.memory_space<vmem>> -> memref<1x125xi32, #tpu.memory_space<vmem>>
      %dma_wait3A_490 = tpu.memref_squeeze %dma_wait3A_489 : memref<1x125xi32, #tpu.memory_space<vmem>> -> memref<125xi32, #tpu.memory_space<vmem>>
      %dma_wait3A_491 = arith.constant 0 : i32
      %dma_wait3A_492 = arith.constant 0 : i32
      %dma_wait3A_493 = tpu.memref_slice %arg2[%dma_wait3A_491, %dma_wait3A_492] : memref<10240x128xbf16, #tpu.memory_space<hbm>> -> memref<10240x128xbf16, #tpu.memory_space<hbm>>
      tpu.wait_indirect_dma semaphore(%arg23 : memref<!tpu.dma_semaphore, #tpu.memory_space<semaphore_mem>>) src(%dma_wait3A_493 : memref<10240x128xbf16, #tpu.memory_space<hbm>>) dst(%arg15 : memref<125x128xbf16, #tpu.memory_space<vmem>>)
      %dma_start3A_494 = arith.constant 0 : i32
      %dma_start3A_495 = tpu.memref_slice %arg9[%add3A_486, %dma_start3A_494] : memref<80x125xi32, #tpu.memory_space<vmem>> -> memref<1x125xi32, #tpu.memory_space<vmem>>
      %dma_start3A_496 = tpu.memref_squeeze %dma_start3A_495 : memref<1x125xi32, #tpu.memory_space<vmem>> -> memref<125xi32, #tpu.memory_space<vmem>>
      %dma_start3A_497 = arith.constant 0 : i32
      %dma_start3A_498 = arith.constant 0 : i32
      %dma_start3A_499 = tpu.memref_slice %arg6[%dma_start3A_497, %dma_start3A_498] : memref<10240x128xbf16, #tpu.memory_space<vmem_shared>> -> memref<10240x128xbf16, #tpu.memory_space<vmem_shared>>
      tpu.enqueue_indirect_dma source(%arg15 : memref<125x128xbf16, #tpu.memory_space<vmem>>) target(%dma_start3A_499 : memref<10240x128xbf16, #tpu.memory_space<vmem_shared>>) offsets(%dma_start3A_496 : memref<125xi32, #tpu.memory_space<vmem>>) semaphore(%arg31 : memref<!tpu.dma_semaphore, #tpu.memory_space<semaphore_mem>>) {add = true}
      %ge3A_500 = arith.constant 4 : i32
      %ge3A_501 = arith.cmpi sge, %add3A_486, %ge3A_500 : i32
      %convert_element_type3A_502 = arith.extui %ge3A_501 : i1 to i32
      %cond3A_503 = arith.constant 0 : i32
      %cond3A_504 = arith.cmpi ne, %convert_element_type3A_502, %cond3A_503 : i32
      scf.if %cond3A_504 {
        %dma_wait3A_565 = arith.constant 0 : i32
        %dma_wait3A_566 = arith.constant 0 : i32
        %dma_wait3A_567 = tpu.memref_slice %arg9[%dma_wait3A_565, %dma_wait3A_566] : memref<80x125xi32, #tpu.memory_space<vmem>> -> memref<1x125xi32, #tpu.memory_space<vmem>>
        %dma_wait3A_568 = tpu.memref_squeeze %dma_wait3A_567 : memref<1x125xi32, #tpu.memory_space<vmem>> -> memref<125xi32, #tpu.memory_space<vmem>>
        %dma_wait3A_569 = arith.constant 0 : i32
        %dma_wait3A_570 = arith.constant 0 : i32
        %dma_wait3A_571 = tpu.memref_slice %arg6[%dma_wait3A_569, %dma_wait3A_570] : memref<10240x128xbf16, #tpu.memory_space<vmem_shared>> -> memref<10240x128xbf16, #tpu.memory_space<vmem_shared>>
        tpu.wait_indirect_dma semaphore(%arg27 : memref<!tpu.dma_semaphore, #tpu.memory_space<semaphore_mem>>) src(%arg11 : memref<125x128xbf16, #tpu.memory_space<vmem>>) dst(%dma_wait3A_571 : memref<10240x128xbf16, #tpu.memory_space<vmem_shared>>)
      } else {
      }
      %convert_element_type3A_505 = arith.extui %lt3A_334 : i1 to i32
      %cond3A_506 = arith.constant 0 : i32
      %cond3A_507 = arith.cmpi ne, %convert_element_type3A_505, %cond3A_506 : i32
      scf.if %cond3A_507 {
        %dma_start3A_565 = arith.constant 1 : i32
        %dma_start3A_566 = arith.constant 0 : i32
        %dma_start3A_567 = tpu.memref_slice %arg7[%dma_start3A_565, %dma_start3A_566] : memref<8x125xi32, #tpu.memory_space<vmem>> -> memref<1x125xi32, #tpu.memory_space<vmem>>
        %dma_start3A_568 = tpu.memref_squeeze %dma_start3A_567 : memref<1x125xi32, #tpu.memory_space<vmem>> -> memref<125xi32, #tpu.memory_space<vmem>>
        %dma_start3A_569 = arith.constant 0 : i32
        %dma_start3A_570 = arith.constant 0 : i32
        %dma_start3A_571 = tpu.memref_slice %arg2[%dma_start3A_569, %dma_start3A_570] : memref<10240x128xbf16, #tpu.memory_space<hbm>> -> memref<10240x128xbf16, #tpu.memory_space<hbm>>
        tpu.enqueue_indirect_dma source(%dma_start3A_571 : memref<10240x128xbf16, #tpu.memory_space<hbm>>) target(%arg11 : memref<125x128xbf16, #tpu.memory_space<vmem>>) offsets(%dma_start3A_568 : memref<125xi32, #tpu.memory_space<vmem>>) semaphore(%arg19 : memref<!tpu.dma_semaphore, #tpu.memory_space<semaphore_mem>>)
      } else {
      }
      %mul3A_508 = arith.constant 8 : i32
      %mul3A_509 = arith.muli %add3A_330, %mul3A_508 : i32
      %add3A_510 = arith.constant 6 : i32
      %add3A_511 = arith.addi %mul3A_509, %add3A_510 : i32
      %dma_wait3A_512 = arith.constant 0 : i32
      %dma_wait3A_513 = arith.constant 0 : i32
      %dma_wait3A_514 = tpu.memref_slice %arg7[%dma_wait3A_512, %dma_wait3A_513] : memref<8x125xi32, #tpu.memory_space<vmem>> -> memref<1x125xi32, #tpu.memory_space<vmem>>
      %dma_wait3A_515 = tpu.memref_squeeze %dma_wait3A_514 : memref<1x125xi32, #tpu.memory_space<vmem>> -> memref<125xi32, #tpu.memory_space<vmem>>
      %dma_wait3A_516 = arith.constant 0 : i32
      %dma_wait3A_517 = arith.constant 0 : i32
      %dma_wait3A_518 = tpu.memref_slice %arg2[%dma_wait3A_516, %dma_wait3A_517] : memref<10240x128xbf16, #tpu.memory_space<hbm>> -> memref<10240x128xbf16, #tpu.memory_space<hbm>>
      tpu.wait_indirect_dma semaphore(%arg24 : memref<!tpu.dma_semaphore, #tpu.memory_space<semaphore_mem>>) src(%dma_wait3A_518 : memref<10240x128xbf16, #tpu.memory_space<hbm>>) dst(%arg16 : memref<125x128xbf16, #tpu.memory_space<vmem>>)
      %dma_start3A_519 = arith.constant 0 : i32
      %dma_start3A_520 = tpu.memref_slice %arg9[%add3A_511, %dma_start3A_519] : memref<80x125xi32, #tpu.memory_space<vmem>> -> memref<1x125xi32, #tpu.memory_space<vmem>>
      %dma_start3A_521 = tpu.memref_squeeze %dma_start3A_520 : memref<1x125xi32, #tpu.memory_space<vmem>> -> memref<125xi32, #tpu.memory_space<vmem>>
      %dma_start3A_522 = arith.constant 0 : i32
      %dma_start3A_523 = arith.constant 0 : i32
      %dma_start3A_524 = tpu.memref_slice %arg6[%dma_start3A_522, %dma_start3A_523] : memref<10240x128xbf16, #tpu.memory_space<vmem_shared>> -> memref<10240x128xbf16, #tpu.memory_space<vmem_shared>>
      tpu.enqueue_indirect_dma source(%arg16 : memref<125x128xbf16, #tpu.memory_space<vmem>>) target(%dma_start3A_524 : memref<10240x128xbf16, #tpu.memory_space<vmem_shared>>) offsets(%dma_start3A_521 : memref<125xi32, #tpu.memory_space<vmem>>) semaphore(%arg32 : memref<!tpu.dma_semaphore, #tpu.memory_space<semaphore_mem>>) {add = true}
      %ge3A_525 = arith.constant 4 : i32
      %ge3A_526 = arith.cmpi sge, %add3A_511, %ge3A_525 : i32
      %convert_element_type3A_527 = arith.extui %ge3A_526 : i1 to i32
      %cond3A_528 = arith.constant 0 : i32
      %cond3A_529 = arith.cmpi ne, %convert_element_type3A_527, %cond3A_528 : i32
      scf.if %cond3A_529 {
        %dma_wait3A_565 = arith.constant 0 : i32
        %dma_wait3A_566 = arith.constant 0 : i32
        %dma_wait3A_567 = tpu.memref_slice %arg9[%dma_wait3A_565, %dma_wait3A_566] : memref<80x125xi32, #tpu.memory_space<vmem>> -> memref<1x125xi32, #tpu.memory_space<vmem>>
        %dma_wait3A_568 = tpu.memref_squeeze %dma_wait3A_567 : memref<1x125xi32, #tpu.memory_space<vmem>> -> memref<125xi32, #tpu.memory_space<vmem>>
        %dma_wait3A_569 = arith.constant 0 : i32
        %dma_wait3A_570 = arith.constant 0 : i32
        %dma_wait3A_571 = tpu.memref_slice %arg6[%dma_wait3A_569, %dma_wait3A_570] : memref<10240x128xbf16, #tpu.memory_space<vmem_shared>> -> memref<10240x128xbf16, #tpu.memory_space<vmem_shared>>
        tpu.wait_indirect_dma semaphore(%arg28 : memref<!tpu.dma_semaphore, #tpu.memory_space<semaphore_mem>>) src(%arg12 : memref<125x128xbf16, #tpu.memory_space<vmem>>) dst(%dma_wait3A_571 : memref<10240x128xbf16, #tpu.memory_space<vmem_shared>>)
      } else {
      }
      %convert_element_type3A_530 = arith.extui %lt3A_334 : i1 to i32
      %cond3A_531 = arith.constant 0 : i32
      %cond3A_532 = arith.cmpi ne, %convert_element_type3A_530, %cond3A_531 : i32
      scf.if %cond3A_532 {
        %dma_start3A_565 = arith.constant 2 : i32
        %dma_start3A_566 = arith.constant 0 : i32
        %dma_start3A_567 = tpu.memref_slice %arg7[%dma_start3A_565, %dma_start3A_566] : memref<8x125xi32, #tpu.memory_space<vmem>> -> memref<1x125xi32, #tpu.memory_space<vmem>>
        %dma_start3A_568 = tpu.memref_squeeze %dma_start3A_567 : memref<1x125xi32, #tpu.memory_space<vmem>> -> memref<125xi32, #tpu.memory_space<vmem>>
        %dma_start3A_569 = arith.constant 0 : i32
        %dma_start3A_570 = arith.constant 0 : i32
        %dma_start3A_571 = tpu.memref_slice %arg2[%dma_start3A_569, %dma_start3A_570] : memref<10240x128xbf16, #tpu.memory_space<hbm>> -> memref<10240x128xbf16, #tpu.memory_space<hbm>>
        tpu.enqueue_indirect_dma source(%dma_start3A_571 : memref<10240x128xbf16, #tpu.memory_space<hbm>>) target(%arg12 : memref<125x128xbf16, #tpu.memory_space<vmem>>) offsets(%dma_start3A_568 : memref<125xi32, #tpu.memory_space<vmem>>) semaphore(%arg20 : memref<!tpu.dma_semaphore, #tpu.memory_space<semaphore_mem>>)
      } else {
      }
      %mul3A_533 = arith.constant 8 : i32
      %mul3A_534 = arith.muli %add3A_330, %mul3A_533 : i32
      %add3A_535 = arith.constant 7 : i32
      %add3A_536 = arith.addi %mul3A_534, %add3A_535 : i32
      %dma_wait3A_537 = arith.constant 0 : i32
      %dma_wait3A_538 = arith.constant 0 : i32
      %dma_wait3A_539 = tpu.memref_slice %arg7[%dma_wait3A_537, %dma_wait3A_538] : memref<8x125xi32, #tpu.memory_space<vmem>> -> memref<1x125xi32, #tpu.memory_space<vmem>>
      %dma_wait3A_540 = tpu.memref_squeeze %dma_wait3A_539 : memref<1x125xi32, #tpu.memory_space<vmem>> -> memref<125xi32, #tpu.memory_space<vmem>>
      %dma_wait3A_541 = arith.constant 0 : i32
      %dma_wait3A_542 = arith.constant 0 : i32
      %dma_wait3A_543 = tpu.memref_slice %arg2[%dma_wait3A_541, %dma_wait3A_542] : memref<10240x128xbf16, #tpu.memory_space<hbm>> -> memref<10240x128xbf16, #tpu.memory_space<hbm>>
      tpu.wait_indirect_dma semaphore(%arg25 : memref<!tpu.dma_semaphore, #tpu.memory_space<semaphore_mem>>) src(%dma_wait3A_543 : memref<10240x128xbf16, #tpu.memory_space<hbm>>) dst(%arg17 : memref<125x128xbf16, #tpu.memory_space<vmem>>)
      %dma_start3A_544 = arith.constant 0 : i32
      %dma_start3A_545 = tpu.memref_slice %arg9[%add3A_536, %dma_start3A_544] : memref<80x125xi32, #tpu.memory_space<vmem>> -> memref<1x125xi32, #tpu.memory_space<vmem>>
      %dma_start3A_546 = tpu.memref_squeeze %dma_start3A_545 : memref<1x125xi32, #tpu.memory_space<vmem>> -> memref<125xi32, #tpu.memory_space<vmem>>
      %dma_start3A_547 = arith.constant 0 : i32
      %dma_start3A_548 = arith.constant 0 : i32
      %dma_start3A_549 = tpu.memref_slice %arg6[%dma_start3A_547, %dma_start3A_548] : memref<10240x128xbf16, #tpu.memory_space<vmem_shared>> -> memref<10240x128xbf16, #tpu.memory_space<vmem_shared>>
      tpu.enqueue_indirect_dma source(%arg17 : memref<125x128xbf16, #tpu.memory_space<vmem>>) target(%dma_start3A_549 : memref<10240x128xbf16, #tpu.memory_space<vmem_shared>>) offsets(%dma_start3A_546 : memref<125xi32, #tpu.memory_space<vmem>>) semaphore(%arg33 : memref<!tpu.dma_semaphore, #tpu.memory_space<semaphore_mem>>) {add = true}
      %ge3A_550 = arith.constant 4 : i32
      %ge3A_551 = arith.cmpi sge, %add3A_536, %ge3A_550 : i32
      %convert_element_type3A_552 = arith.extui %ge3A_551 : i1 to i32
      %cond3A_553 = arith.constant 0 : i32
      %cond3A_554 = arith.cmpi ne, %convert_element_type3A_552, %cond3A_553 : i32
      scf.if %cond3A_554 {
        %dma_wait3A_565 = arith.constant 0 : i32
        %dma_wait3A_566 = arith.constant 0 : i32
        %dma_wait3A_567 = tpu.memref_slice %arg9[%dma_wait3A_565, %dma_wait3A_566] : memref<80x125xi32, #tpu.memory_space<vmem>> -> memref<1x125xi32, #tpu.memory_space<vmem>>
        %dma_wait3A_568 = tpu.memref_squeeze %dma_wait3A_567 : memref<1x125xi32, #tpu.memory_space<vmem>> -> memref<125xi32, #tpu.memory_space<vmem>>
        %dma_wait3A_569 = arith.constant 0 : i32
        %dma_wait3A_570 = arith.constant 0 : i32
        %dma_wait3A_571 = tpu.memref_slice %arg6[%dma_wait3A_569, %dma_wait3A_570] : memref<10240x128xbf16, #tpu.memory_space<vmem_shared>> -> memref<10240x128xbf16, #tpu.memory_space<vmem_shared>>
        tpu.wait_indirect_dma semaphore(%arg29 : memref<!tpu.dma_semaphore, #tpu.memory_space<semaphore_mem>>) src(%arg13 : memref<125x128xbf16, #tpu.memory_space<vmem>>) dst(%dma_wait3A_571 : memref<10240x128xbf16, #tpu.memory_space<vmem_shared>>)
      } else {
      }
      %convert_element_type3A_555 = arith.extui %lt3A_334 : i1 to i32
      %cond3A_556 = arith.constant 0 : i32
      %cond3A_557 = arith.cmpi ne, %convert_element_type3A_555, %cond3A_556 : i32
      scf.if %cond3A_557 {
        %dma_start3A_565 = arith.constant 3 : i32
        %dma_start3A_566 = arith.constant 0 : i32
        %dma_start3A_567 = tpu.memref_slice %arg7[%dma_start3A_565, %dma_start3A_566] : memref<8x125xi32, #tpu.memory_space<vmem>> -> memref<1x125xi32, #tpu.memory_space<vmem>>
        %dma_start3A_568 = tpu.memref_squeeze %dma_start3A_567 : memref<1x125xi32, #tpu.memory_space<vmem>> -> memref<125xi32, #tpu.memory_space<vmem>>
        %dma_start3A_569 = arith.constant 0 : i32
        %dma_start3A_570 = arith.constant 0 : i32
        %dma_start3A_571 = tpu.memref_slice %arg2[%dma_start3A_569, %dma_start3A_570] : memref<10240x128xbf16, #tpu.memory_space<hbm>> -> memref<10240x128xbf16, #tpu.memory_space<hbm>>
        tpu.enqueue_indirect_dma source(%dma_start3A_571 : memref<10240x128xbf16, #tpu.memory_space<hbm>>) target(%arg13 : memref<125x128xbf16, #tpu.memory_space<vmem>>) offsets(%dma_start3A_568 : memref<125xi32, #tpu.memory_space<vmem>>) semaphore(%arg21 : memref<!tpu.dma_semaphore, #tpu.memory_space<semaphore_mem>>)
      } else {
      }
      %add3A_558 = arith.constant 3 : i32
      %add3A_559 = arith.addi %mul3A_98, %add3A_558 : i32
      %lt3A_560 = arith.constant 10 : i32
      %lt3A_561 = arith.cmpi slt, %add3A_559, %lt3A_560 : i32
      %convert_element_type3A_562 = arith.extui %lt3A_561 : i1 to i32
      %cond3A_563 = arith.constant 0 : i32
      %cond3A_564 = arith.cmpi ne, %convert_element_type3A_562, %cond3A_563 : i32
      scf.if %cond3A_564 {
        %add3A_565 = arith.constant 3 : i32
        %add3A_566 = arith.addi %mul3A_98, %add3A_565 : i32
        %mul3A_567 = arith.constant 8 : i32
        %mul3A_568 = arith.muli %add3A_566, %mul3A_567 : i32
        %dma_start3A_569 = arith.constant 0 : i32
        %dma_start3A_570 = tpu.memref_slice %arg3[%add3A, %mul3A_568, %dma_start3A_569] : memref<32x80x125xi32, #tpu.memory_space<hbm>> -> memref<1x8x125xi32, #tpu.memory_space<hbm>>
        %dma_start3A_571 = tpu.memref_squeeze %dma_start3A_570 : memref<1x8x125xi32, #tpu.memory_space<hbm>> -> memref<8x125xi32, #tpu.memory_space<hbm>>
        %dma_start3A_572 = arith.constant 0 : i32
        %dma_start3A_573 = tpu.memref_slice %arg3[%add3A, %mul3A_568, %dma_start3A_572] : memref<32x80x125xi32, #tpu.memory_space<hbm>> -> memref<1x8x125xi32, #tpu.memory_space<hbm>>
        %dma_start3A_574 = tpu.memref_squeeze %dma_start3A_573 : memref<1x8x125xi32, #tpu.memory_space<hbm>> -> memref<8x125xi32, #tpu.memory_space<hbm>>
        tpu.enqueue_dma source(%dma_start3A_574 : memref<8x125xi32, #tpu.memory_space<hbm>>) target(%arg8 : memref<8x125xi32, #tpu.memory_space<vmem>>) target_semaphore(%arg35 : memref<!tpu.dma_semaphore, #tpu.memory_space<semaphore_mem>>)
      } else {
      }
    }
    %scan3A_59 = arith.constant 5 : i32
    %dma_wait3A_60 = arith.constant 0 : i32
    %dma_wait3A_61 = arith.constant 0 : i32
    %dma_wait3A_62 = tpu.memref_slice %arg9[%dma_wait3A_60, %dma_wait3A_61] : memref<80x125xi32, #tpu.memory_space<vmem>> -> memref<1x125xi32, #tpu.memory_space<vmem>>
    %dma_wait3A_63 = tpu.memref_squeeze %dma_wait3A_62 : memref<1x125xi32, #tpu.memory_space<vmem>> -> memref<125xi32, #tpu.memory_space<vmem>>
    %dma_wait3A_64 = arith.constant 0 : i32
    %dma_wait3A_65 = arith.constant 0 : i32
    %dma_wait3A_66 = tpu.memref_slice %arg6[%dma_wait3A_64, %dma_wait3A_65] : memref<10240x128xbf16, #tpu.memory_space<vmem_shared>> -> memref<10240x128xbf16, #tpu.memory_space<vmem_shared>>
    tpu.wait_indirect_dma semaphore(%arg30 : memref<!tpu.dma_semaphore, #tpu.memory_space<semaphore_mem>>) src(%arg14 : memref<125x128xbf16, #tpu.memory_space<vmem>>) dst(%dma_wait3A_66 : memref<10240x128xbf16, #tpu.memory_space<vmem_shared>>)
    %dma_wait3A_67 = arith.constant 0 : i32
    %dma_wait3A_68 = arith.constant 0 : i32
    %dma_wait3A_69 = tpu.memref_slice %arg9[%dma_wait3A_67, %dma_wait3A_68] : memref<80x125xi32, #tpu.memory_space<vmem>> -> memref<1x125xi32, #tpu.memory_space<vmem>>
    %dma_wait3A_70 = tpu.memref_squeeze %dma_wait3A_69 : memref<1x125xi32, #tpu.memory_space<vmem>> -> memref<125xi32, #tpu.memory_space<vmem>>
    %dma_wait3A_71 = arith.constant 0 : i32
    %dma_wait3A_72 = arith.constant 0 : i32
    %dma_wait3A_73 = tpu.memref_slice %arg6[%dma_wait3A_71, %dma_wait3A_72] : memref<10240x128xbf16, #tpu.memory_space<vmem_shared>> -> memref<10240x128xbf16, #tpu.memory_space<vmem_shared>>
    tpu.wait_indirect_dma semaphore(%arg31 : memref<!tpu.dma_semaphore, #tpu.memory_space<semaphore_mem>>) src(%arg15 : memref<125x128xbf16, #tpu.memory_space<vmem>>) dst(%dma_wait3A_73 : memref<10240x128xbf16, #tpu.memory_space<vmem_shared>>)
    %dma_wait3A_74 = arith.constant 0 : i32
    %dma_wait3A_75 = arith.constant 0 : i32
    %dma_wait3A_76 = tpu.memref_slice %arg9[%dma_wait3A_74, %dma_wait3A_75] : memref<80x125xi32, #tpu.memory_space<vmem>> -> memref<1x125xi32, #tpu.memory_space<vmem>>
    %dma_wait3A_77 = tpu.memref_squeeze %dma_wait3A_76 : memref<1x125xi32, #tpu.memory_space<vmem>> -> memref<125xi32, #tpu.memory_space<vmem>>
    %dma_wait3A_78 = arith.constant 0 : i32
    %dma_wait3A_79 = arith.constant 0 : i32
    %dma_wait3A_80 = tpu.memref_slice %arg6[%dma_wait3A_78, %dma_wait3A_79] : memref<10240x128xbf16, #tpu.memory_space<vmem_shared>> -> memref<10240x128xbf16, #tpu.memory_space<vmem_shared>>
    tpu.wait_indirect_dma semaphore(%arg32 : memref<!tpu.dma_semaphore, #tpu.memory_space<semaphore_mem>>) src(%arg16 : memref<125x128xbf16, #tpu.memory_space<vmem>>) dst(%dma_wait3A_80 : memref<10240x128xbf16, #tpu.memory_space<vmem_shared>>)
    %dma_wait3A_81 = arith.constant 0 : i32
    %dma_wait3A_82 = arith.constant 0 : i32
    %dma_wait3A_83 = tpu.memref_slice %arg9[%dma_wait3A_81, %dma_wait3A_82] : memref<80x125xi32, #tpu.memory_space<vmem>> -> memref<1x125xi32, #tpu.memory_space<vmem>>
    %dma_wait3A_84 = tpu.memref_squeeze %dma_wait3A_83 : memref<1x125xi32, #tpu.memory_space<vmem>> -> memref<125xi32, #tpu.memory_space<vmem>>
    %dma_wait3A_85 = arith.constant 0 : i32
    %dma_wait3A_86 = arith.constant 0 : i32
    %dma_wait3A_87 = tpu.memref_slice %arg6[%dma_wait3A_85, %dma_wait3A_86] : memref<10240x128xbf16, #tpu.memory_space<vmem_shared>> -> memref<10240x128xbf16, #tpu.memory_space<vmem_shared>>
    tpu.wait_indirect_dma semaphore(%arg33 : memref<!tpu.dma_semaphore, #tpu.memory_space<semaphore_mem>>) src(%arg17 : memref<125x128xbf16, #tpu.memory_space<vmem>>) dst(%dma_wait3A_87 : memref<10240x128xbf16, #tpu.memory_space<vmem_shared>>)
    %barrier3A_88 = arith.constant 0 : index
    tpu.barrier barrier_id(%barrier3A_88)
    %mul3A_89 = arith.constant 640 : i32
    %mul3A_90 = arith.muli %arg1, %mul3A_89 : i32
    %mul3A_91 = arith.constant 10240 : i32
    %mul3A_92 = arith.muli %arg0, %mul3A_91 : i32
    %mul3A_93 = arith.constant 640 : i32
    %mul3A_94 = arith.muli %arg1, %mul3A_93 : i32
    %add3A_95 = arith.addi %mul3A_92, %mul3A_94 : i32
    "tpu.region"() ({
      %run_scoped3A = tpu.sem_alloc : memref<!tpu.dma_semaphore, #tpu.memory_space<semaphore_mem>>
      %dma_start3A_96 = arith.constant 0 : i32
      %dma_start3A_97 = tpu.memref_slice %arg5[%add3A_95, %dma_start3A_96] : memref<20480x128xbf16, #tpu.memory_space<hbm>> -> memref<640x128xbf16, #tpu.memory_space<hbm>>
      %dma_start3A_98 = arith.constant 0 : i32
      %dma_start3A_99 = tpu.memref_slice %arg6[%mul3A_90, %dma_start3A_98] : memref<10240x128xbf16, #tpu.memory_space<vmem_shared>> -> memref<640x128xbf16, #tpu.memory_space<vmem_shared>>
      tpu.enqueue_dma source(%dma_start3A_99 : memref<640x128xbf16, #tpu.memory_space<vmem_shared>>) target(%dma_start3A_97 : memref<640x128xbf16, #tpu.memory_space<hbm>>) target_semaphore(%run_scoped3A : memref<!tpu.dma_semaphore, #tpu.memory_space<semaphore_mem>>)
      %dma_wait3A_100 = arith.constant 0 : i32
      %dma_wait3A_101 = tpu.memref_slice %arg5[%add3A_95, %dma_wait3A_100] : memref<20480x128xbf16, #tpu.memory_space<hbm>> -> memref<640x128xbf16, #tpu.memory_space<hbm>>
      %dma_wait3A_102 = arith.constant 0 : i32
      %dma_wait3A_103 = tpu.memref_slice %arg6[%mul3A_90, %dma_wait3A_102] : memref<10240x128xbf16, #tpu.memory_space<vmem_shared>> -> memref<640x128xbf16, #tpu.memory_space<vmem_shared>>
      tpu.wait_dma2 semaphore(%run_scoped3A : memref<!tpu.dma_semaphore, #tpu.memory_space<semaphore_mem>>) src(%dma_wait3A_103 : memref<640x128xbf16, #tpu.memory_space<vmem_shared>>) dst(%dma_wait3A_101 : memref<640x128xbf16, #tpu.memory_space<hbm>>)
      tpu.yield
    }) : () -> ()
    return
  }
}

module attributes {stable_mosaic.version = 14 : i64} {
  func.func @body(%arg0: i32, %arg1: memref<1000x128xf32, #tpu.memory_space<vmem>>, %arg2: memref<128x128xf32, #tpu.memory_space<vmem>>, %arg3: memref<1000x1xf32, #tpu.memory_space<vmem>>, %arg4: memref<1000x1xf32, #tpu.memory_space<vmem>>, %arg5: memref<1000x128xbf16, #tpu.memory_space<vmem>>, %arg6: memref<1000x1xf32, #tpu.memory_space<vmem>>) attributes {dimension_semantics = [#tpu.dimension_semantics<arbitrary>], iteration_bounds = array<i64: 10>, scalar_prefetch = 0 : i64, scratch_operands = 0 : i64, tpu.core_type = #tpu.core_type<tc>, window_params = [{transform_indices = @transform_0, window_bounds = array<i64: 1000, 128>}, {pipeline_mode = #tpu.pipeline_mode<synchronous>, transform_indices = @transform_1, window_bounds = array<i64: 128, 128>}, {transform_indices = @transform_2, window_bounds = array<i64: 1000, 1>}, {transform_indices = @transform_3, window_bounds = array<i64: 1000, 1>}, {transform_indices = @transform_4, window_bounds = array<i64: 1000, 128>}, {transform_indices = @transform_5, window_bounds = array<i64: 1000, 1>}]} {
    %get3A = arith.constant 0 : index
    %get3A_0 = arith.constant 0 : index
    %get3A_1 = vector.load %arg3[%get3A, %get3A_0] : memref<1000x1xf32, #tpu.memory_space<vmem>>, vector<1000x1xf32>
    %get3A_2 = arith.constant 0 : index
    %get3A_3 = arith.constant 0 : index
    %get3A_4 = vector.load %arg4[%get3A_2, %get3A_3] : memref<1000x1xf32, #tpu.memory_space<vmem>>, vector<1000x1xf32>
    %add3A = arith.addf %get3A_1, %get3A_4 : vector<1000x1xf32>
    %add3A_5 = arith.constant 1.000000e+00 : f32
    %add3A_6 = vector.broadcast %add3A_5 : f32 to vector<1000x1xf32>
    %add3A_7 = arith.addf %add3A, %add3A_6 : vector<1000x1xf32>
    %rsqrt3A = math.rsqrt %add3A_7 : vector<1000x1xf32>
    %get3A_8 = arith.constant 0 : index
    %get3A_9 = arith.constant 0 : index
    %get3A_10 = vector.load %arg1[%get3A_8, %get3A_9] : memref<1000x128xf32, #tpu.memory_space<vmem>>, vector<1000x128xf32>
    %get3A_11 = arith.constant 0 : index
    %get3A_12 = arith.constant 0 : index
    %get3A_13 = vector.load %arg2[%get3A_11, %get3A_12] : memref<128x128xf32, #tpu.memory_space<vmem>>, vector<128x128xf32>
    %dot_general3A = arith.constant dense<0.000000e+00> : vector<1000x128xf32>
    %dot_general3A_14 = tpu.matmul %get3A_10, %get3A_13, %dot_general3A {dimension_numbers = #tpu.dot_dimension_numbers<[1], [0], [0], [1], [0, 0, 1, 1], [], []>, transpose_lhs_hint = false} : vector<1000x128xf32>, vector<128x128xf32>, vector<1000x128xf32> -> vector<1000x128xf32>
    %mul3A = vector.broadcast %rsqrt3A : vector<1000x1xf32> to vector<1000x128xf32>
    %mul3A_15 = arith.mulf %dot_general3A_14, %mul3A : vector<1000x128xf32>
    %convert_element_type3A = arith.truncf %mul3A_15 : vector<1000x128xf32> to vector<1000x128xbf16>
    %swap3A = arith.constant 0 : index
    %swap3A_16 = arith.constant 0 : index
    %swap3A_17 = vector.load %arg5[%swap3A, %swap3A_16] : memref<1000x128xbf16, #tpu.memory_space<vmem>>, vector<1000x128xbf16>
    tpu.vector_store %arg5[%swap3A, %swap3A_16], %convert_element_type3A {strides = array<i32>} : memref<1000x128xbf16, #tpu.memory_space<vmem>>, vector<1000x128xbf16>,
    %swap3A_18 = arith.constant 0 : index
    %swap3A_19 = arith.constant 0 : index
    %swap3A_20 = vector.load %arg6[%swap3A_18, %swap3A_19] : memref<1000x1xf32, #tpu.memory_space<vmem>>, vector<1000x1xf32>
    tpu.vector_store %arg6[%swap3A_18, %swap3A_19], %rsqrt3A {strides = array<i32>} : memref<1000x1xf32, #tpu.memory_space<vmem>>, vector<1000x1xf32>,
    return
  }
  func.func @transform_0(%arg0: i32) -> (i32, i32) {
    %c0_i32 = arith.constant 0 : i32
    %c0_i32_0 = arith.constant 0 : i32
    return %arg0, %c0_i32 : i32, i32
  }
  func.func @transform_1(%arg0: i32) -> (i32, i32) {
    %c0_i32 = arith.constant 0 : i32
    %c0_i32_0 = arith.constant 0 : i32
    %c0_i32_1 = arith.constant 0 : i32
    return %c0_i32, %c0_i32_0 : i32, i32
  }
  func.func @transform_2(%arg0: i32) -> (i32, i32) {
    %c0_i32 = arith.constant 0 : i32
    %c0_i32_0 = arith.constant 0 : i32
    return %arg0, %c0_i32 : i32, i32
  }
  func.func @transform_3(%arg0: i32) -> (i32, i32) {
    %c0_i32 = arith.constant 0 : i32
    %c0_i32_0 = arith.constant 0 : i32
    return %arg0, %c0_i32 : i32, i32
  }
  func.func @transform_4(%arg0: i32) -> (i32, i32) {
    %c0_i32 = arith.constant 0 : i32
    %c0_i32_0 = arith.constant 0 : i32
    return %arg0, %c0_i32 : i32, i32
  }
  func.func @transform_5(%arg0: i32) -> (i32, i32) {
    %c0_i32 = arith.constant 0 : i32
    %c0_i32_0 = arith.constant 0 : i32
    return %arg0, %c0_i32 : i32, i32
  }
}

module attributes {stable_mosaic.version = 14 : i64} {
  func.func @body(%arg0: i32, %arg1: memref<2x1000x128xbf16, #tpu.memory_space<vmem>>, %arg2: memref<1000x128xbf16, #tpu.memory_space<vmem>>, %arg3: memref<1000x1xf32, #tpu.memory_space<vmem>>, %arg4: memref<1x128xf32, #tpu.memory_space<vmem>>, %arg5: memref<1000x128xf32, #tpu.memory_space<vmem>>) attributes {dimension_semantics = [#tpu.dimension_semantics<arbitrary>], iteration_bounds = array<i64: 10>, scalar_prefetch = 0 : i64, scratch_operands = 0 : i64, tpu.core_type = #tpu.core_type<tc>, window_params = [{transform_indices = @transform_0, window_bounds = array<i64: 2, 1000, 128>}, {transform_indices = @transform_1, window_bounds = array<i64: 1000, 128>}, {transform_indices = @transform_2, window_bounds = array<i64: 1000, 1>}, {pipeline_mode = #tpu.pipeline_mode<synchronous>, transform_indices = @transform_3, window_bounds = array<i64: 1, 128>}, {transform_indices = @transform_4, window_bounds = array<i64: 1000, 128>}]} {
    %get3A = arith.constant 0 : index
    %get3A_0 = arith.constant 0 : index
    %get3A_1 = arith.constant 0 : index
    %get3A_2 = vector.load %arg1[%get3A, %get3A_0, %get3A_1] : memref<2x1000x128xbf16, #tpu.memory_space<vmem>>, vector<2x1000x128xbf16>
    %convert_element_type3A = arith.extf %get3A_2 : vector<2x1000x128xbf16> to vector<2x1000x128xf32>
    %get3A_3 = arith.constant 0 : index
    %get3A_4 = arith.constant 0 : index
    %get3A_5 = vector.load %arg3[%get3A_3, %get3A_4] : memref<1000x1xf32, #tpu.memory_space<vmem>>, vector<1000x1xf32>
    %slice3A = vector.extract_strided_slice %convert_element_type3A {offsets = [0, 0, 0], sizes = [1, 1000, 128], strides = [1, 1, 1]} : vector<2x1000x128xf32> to vector<1x1000x128xf32>
    %squeeze3A = vector.shape_cast %slice3A : vector<1x1000x128xf32> to vector<1000x128xf32>
    %slice3A_6 = vector.extract_strided_slice %convert_element_type3A {offsets = [1, 0, 0], sizes = [1, 1000, 128], strides = [1, 1, 1]} : vector<2x1000x128xf32> to vector<1x1000x128xf32>
    %squeeze3A_7 = vector.shape_cast %slice3A_6 : vector<1x1000x128xf32> to vector<1000x128xf32>
    %add3A = arith.addf %squeeze3A, %squeeze3A_7 : vector<1000x128xf32>
    %get3A_8 = arith.constant 0 : index
    %get3A_9 = arith.constant 0 : index
    %get3A_10 = vector.load %arg2[%get3A_8, %get3A_9] : memref<1000x128xbf16, #tpu.memory_space<vmem>>, vector<1000x128xbf16>
    %convert_element_type3A_11 = arith.extf %get3A_10 : vector<1000x128xbf16> to vector<1000x128xf32>
    %sub3A = arith.subf %add3A, %convert_element_type3A_11 : vector<1000x128xf32>
    %mul3A = vector.broadcast %get3A_5 : vector<1000x1xf32> to vector<1000x128xf32>
    %mul3A_12 = arith.mulf %mul3A, %sub3A : vector<1000x128xf32>
    %get3A_13 = arith.constant 0 : index
    %get3A_14 = arith.constant 0 : index
    %get3A_15 = vector.load %arg4[%get3A_13, %get3A_14] : memref<1x128xf32, #tpu.memory_space<vmem>>, vector<1x128xf32>
    %add3A_16 = vector.broadcast %get3A_15 : vector<1x128xf32> to vector<1000x128xf32>
    %add3A_17 = arith.addf %mul3A_12, %add3A_16 : vector<1000x128xf32>
    %swap3A = arith.constant 0 : index
    %swap3A_18 = arith.constant 0 : index
    %swap3A_19 = vector.load %arg5[%swap3A, %swap3A_18] : memref<1000x128xf32, #tpu.memory_space<vmem>>, vector<1000x128xf32>
    tpu.vector_store %arg5[%swap3A, %swap3A_18], %add3A_17 {strides = array<i32>} : memref<1000x128xf32, #tpu.memory_space<vmem>>, vector<1000x128xf32>,
    return
  }
  func.func @transform_0(%arg0: i32) -> (i32, i32, i32) {
    %c0_i32 = arith.constant 0 : i32
    %c0_i32_0 = arith.constant 0 : i32
    %c0_i32_1 = arith.constant 0 : i32
    return %c0_i32, %arg0, %c0_i32_0 : i32, i32, i32
  }
  func.func @transform_1(%arg0: i32) -> (i32, i32) {
    %c0_i32 = arith.constant 0 : i32
    %c0_i32_0 = arith.constant 0 : i32
    return %arg0, %c0_i32 : i32, i32
  }
  func.func @transform_2(%arg0: i32) -> (i32, i32) {
    %c0_i32 = arith.constant 0 : i32
    %c0_i32_0 = arith.constant 0 : i32
    return %arg0, %c0_i32 : i32, i32
  }
  func.func @transform_3(%arg0: i32) -> (i32, i32) {
    %c0_i32 = arith.constant 0 : i32
    %c0_i32_0 = arith.constant 0 : i32
    %c0_i32_1 = arith.constant 0 : i32
    return %c0_i32, %c0_i32_0 : i32, i32
  }
  func.func @transform_4(%arg0: i32) -> (i32, i32) {
    %c0_i32 = arith.constant 0 : i32
    %c0_i32_0 = arith.constant 0 : i32
    return %arg0, %c0_i32 : i32, i32
  }
}

</mosaic_0001>

<sc_bundles>
// kernel: kernel.6.cloned.1.call-start
scs
__scs_entry_jumppad:
0x0: {  	(pc) =	sbr.rel $0x88, $3  }
0x1: {  	(tag) =	ssettag $0x0;
	lr =	simm.s32 $0x1  }
0x2: {  	[smem:$0x3F9C] =	sst lr;
	_ =	strace $0xD0000000  }
0x3: {  	_ = 	snop  }
0x4: {  	_ = 	snop  }
0x5: {  	_ = 	snop  }
0x6: {  	_ = 	snop  }
0x7: {  	_ = 	snop  }
__scs_overlays_trampoline_lowered:
0x8: {  	[smem:$0x3FAB] =	sst s0  }
0x9: {  	[smem:$0x3FAC] =	sst s1  }
0xa: {  	[smem:$0x3FAD] =	sst s2  }
0xb: {  	[smem:$0x3FAE] =	sst s3  }
0xc: {  	[smem:$0x3FAF] =	sst s4  }
0xd: {  	[smem:$0x3FB0] =	sst s5  }
0xe: {  	[smem:$0x3FB1] =	sst s6  }
0xf: {  	[smem:$0x3FB2] =	sst s7  }
0x10: {  	[smem:$0x3FB3] =	sst s8  }
0x11: {  	[smem:$0x3FB4] =	sst s9;
	s0 =	simm.s32 @!p0 $0x0  }
0x12: {  	s1 =	sld [smem:$0x3F9A];
	s0 =	simm.s32 @p0 $0x1  }
0x13: {  	[smem:$0x3FB5] =	sst s0;
	s0 =	simm.s32 @!p1 $0x0  }
0x14: {  	s2 =	sld [smem:$0x3F99];
	s0 =	simm.s32 @p1 $0x1  }
0x15: {  	[smem:$0x3FB6] =	sst s0;
	s0 =	simm.s32 @!p2 $0x0  }
0x16: {  	s3 =	sld [smem:$0x3FDB];
	s0 =	simm.s32 @p2 $0x1  }
0x17: {  	s4 =	simm.s32 $0x1BF5;
	[smem:$0x3FB8] =	sst s0  }
0x18: {  	s0 =	sld [smem:$0x3F9B];
	_ =	swait.ge [sflag:s4], $0x0  }
0x19: {  	s7 =	sld [smem:$0x3F9C]  }
0x1a: {  	s8 =	sadd.s32 $0xFFFFE003, lr  }
0x1b: {  	s9 =	sadd.s32 $0xFFFFFEF7, lr;
	s5 =	simm.s32 $0xFFFFFFFF;
	p2 =	slt.u32 s8, $0xFFFFF086  }
0x1c: {  	p1 =	slt.u32 s9, $0xF7A;
	s5 =	simm.s32 @!p2 $0x0  }
0x1d: {  	s5 =	simm.s32 @p1 $0x1;
	p0 =	seq.s32 s7, s2  }
0x1e: {  	s7 =	smul.u32 @!p0 $0xF7A, s2;
	p2 =	seq.s32 @!p0 s5, $0x0  }
0x1f: {  	s9 =	smul.u32 $0xF7A, s1;
	s8 =	simm.s32 @!p0 $0x1BF5;
	p2 =	por !p2, p0  }
0x20: {  	[sflag:s8] =	ssyncset.s32 @!p0 $0xFFFFF086;
	s6 =	sadd.s32 @!p0 s3, s7;
	s7 =	simm.s32 @!p0 $0x108  }
0x21: {  	s3 =	sadd.s32 s3, s9;
	s6 =	sadd.s32 @!p0 $0x88, s6;
	s7 =	simm.s32 @p2 $0x1082  }
0x22: {  	[simem:s7], [sflag:s8] =	dma.local @!p0 [hbm:s6], $0xF7A  }
0x23: {  	s9 =	sor.u32 $0xD0000000, s2;
	s6 =	simm.s32 $0x108;
	_ =	swait.ge @!p0 [sflag:s8], $0x0  }
0x24: {  	s3 =	sadd.s32 $0x88, s3;
	s6 =	simm.s32 @!p1 $0x1082;
	[sflag:s4] =	ssyncset.s32 $0xFFFFF086  }
0x25: {  	[simem:s6], [sflag:s4] =	dma.local [hbm:s3], $0xF7A  }
0x26: {  	[smem:$0x3F9C] =	sst s1;
	(tag) =	ssettag s2;
	_ =	strace s9  }
0x27: {  	s1 =	sld [smem:$0x3FAC]  }
0x28: {  	s2 =	sld [smem:$0x3FAD]  }
0x29: {  	s4 =	sld [smem:$0x3FAF]  }
0x2a: {  	p0 =	seq.s32 s5, $0x0;
	s5 =	sld [smem:$0x3FB0]  }
0x2b: {  	s6 =	sld [smem:$0x3FB1]  }
0x2c: {  	s7 =	sld [smem:$0x3FB2]  }
0x2d: {  	s3 =	simm.s32 $0x108;
	s8 =	sld [smem:$0x3FB3]  }
0x2e: {  	s3 =	simm.s32 @!p0 $0x1082;
	s9 =	sld [smem:$0x3FB4]  }
0x2f: {  	lr =	sadd.s32 s0, s3;
	s0 =	sld [smem:$0x3FAB]  }
0x30: {  	s3 =	sld [smem:$0x3FAE]  }
0x31: {  	[smem:$0x3FB7] =	sst s10  }
0x32: {  	s10 =	sld [smem:$0x3FB5];
	_ =	sdelay $0x3  }
0x33: {  	p0 =	seq.s32 s10, $0x1;
	s10 =	sld [smem:$0x3FB7];
	_ =	sdelay $0x3  }
0x34: {  	[smem:$0x3FB7] =	sst s10  }
0x35: {  	s10 =	sld [smem:$0x3FB6];
	_ =	sdelay $0x3  }
0x36: {  	p1 =	seq.s32 s10, $0x1;
	s10 =	sld [smem:$0x3FB7];
	_ =	sdelay $0x3  }
0x37: {  	[smem:$0x3FB7] =	sst s10  }
0x38: {  	s10 =	sld [smem:$0x3FB8]  }
0x39: {  	_ = 	snop;
	(pc) =	sbr.ind lr, $3  }
0x3a: {  	_ = 	snop  }
0x3b: {  	_ = 	snop  }
0x3c: {  	p2 =	seq.s32 s10, $0x1;
	s10 =	sld [smem:$0x3FB7]  }
0x3d: {  	_ =	shalt  }
0x3e: {  	_ =	shalt  }
0x3f: {  	_ =	shalt  }
0x40: {  	_ =	shalt  }
0x41: {  	_ =	shalt  }
0x42: {  	_ =	shalt  }
0x43: {  	_ =	shalt  }
0x44: {  	_ =	shalt  }
0x45: {  	_ =	shalt  }
0x46: {  	_ =	shalt  }
0x47: {  	_ =	shalt  }
0x48: {  	_ =	shalt  }
0x49: {  	_ =	shalt  }
0x4a: {  	_ =	shalt  }
0x4b: {  	_ =	shalt  }
0x4c: {  	_ =	shalt  }
0x4d: {  	_ =	shalt  }
0x4e: {  	_ =	shalt  }
0x4f: {  	_ =	shalt  }
0x50: {  	_ =	shalt  }
0x51: {  	_ =	shalt  }
0x52: {  	_ =	shalt  }
0x53: {  	_ =	shalt  }
0x54: {  	_ =	shalt  }
0x55: {  	_ =	shalt  }
0x56: {  	_ =	shalt  }
0x57: {  	_ =	shalt  }
0x58: {  	_ =	shalt  }
0x59: {  	_ =	shalt  }
0x5a: {  	_ =	shalt  }
0x5b: {  	_ =	shalt  }
0x5c: {  	_ =	shalt  }
0x5d: {  	_ =	shalt  }
0x5e: {  	_ =	shalt  }
0x5f: {  	_ =	shalt  }
0x60: {  	_ =	shalt  }
0x61: {  	_ =	shalt  }
0x62: {  	_ =	shalt  }
0x63: {  	_ =	shalt  }
0x64: {  	_ =	shalt  }
0x65: {  	_ =	shalt  }
0x66: {  	_ =	shalt  }
0x67: {  	_ =	shalt  }
0x68: {  	_ =	shalt  }
0x69: {  	_ =	shalt  }
0x6a: {  	_ =	shalt  }
0x6b: {  	_ =	shalt  }
0x6c: {  	_ =	shalt  }
0x6d: {  	_ =	shalt  }
0x6e: {  	_ =	shalt  }
0x6f: {  	_ =	shalt  }
0x70: {  	_ =	shalt  }
0x71: {  	_ =	shalt  }
0x72: {  	_ =	shalt  }
0x73: {  	_ =	shalt  }
0x74: {  	_ =	shalt  }
0x75: {  	_ =	shalt  }
0x76: {  	_ =	shalt  }
0x77: {  	_ =	shalt  }
0x78: {  	_ =	shalt  }
0x79: {  	_ =	shalt  }
0x7a: {  	_ =	shalt  }
0x7b: {  	_ =	shalt  }
0x7c: {  	_ =	shalt  }
0x7d: {  	_ =	shalt  }
0x7e: {  	_ =	shalt  }
0x7f: {  	_ =	shalt  }
0x80: {  	_ =	shalt  }
0x81: {  	_ =	shalt  }
0x82: {  	_ =	shalt  }
0x83: {  	_ =	shalt  }
0x84: {  	_ =	shalt  }
0x85: {  	_ =	shalt  }
0x86: {  	_ =	shalt  }
0x87: {  	_ =	shalt  }
.Lfunc_end0:
.L_simem_size_0:
called_computation_lowered:
.L_overlay_start_0:
0x88: {  	s2 =	sld [smem:$0x3FD9]  }
0x89: {  	s3 =	sld [smem:$0x3FFE];
	_ =	sdelay $0x1  }
0x8a: {  	s1 =	srdreg.scid  }
0x8b: {  	s0 =	sand.u32 $0x1, s1  }
0x8c: {  	s15 =	sshll.u32 s0, $0xA;
	s2 =	sadd.s32 s3, s2  }
0x8d: {  	s2 =	sadd.s32 s2, s15  }
0x8e: {  	[smem:$0x3FC3] =	sst s2  }
0x8f: {  	_ = 	snop  }
0x90: {  	s2 =	sld [smem:$0x3FD0];
	_ =	sdelay $0x2  }
0x91: {  	s16 =	simm.s32 $0xA;
	s4 =	simm.s32 $0x10  }
0x92: {  	[smem:s4], [sflag:s16] =	dma.local [hbm:s2], $0x1  }
0x93: {  	_ =	swait.eq [sflag:s16], $0x1  }
0x94: {  	[sflag:s16] =	ssyncset.done $0x0  }
0x95: {  	s17 =	sld [smem:$0x11];
	[sflag:s16] =	ssyncadd.s32 $0xFFFFFFFF  }
0x96: {  	s18 =	sld [smem:$0x12];
	(tm) =	ssettm $0x1  }
0x97: {  	s19 =	sld [smem:$0x3FFB];
	_ =	sdelay $0x3  }
0x98: {  	_ =	strace s19  }
0x99: {  	s4 =	sld [smem:$0x3FFC];
	_ =	sdelay $0x3  }
0x9a: {  	_ =	strace s4  }
0x9b: {  	s4 =	sld [smem:$0x3FFD];
	_ =	sdelay $0x3  }
0x9c: {  	_ =	strace s4  }
0x9d: {  	_ =	strace $0x8FFFFFFF  }
0x9e: {  	s20 =	sld [smem:$0x3FDB];
	_ =	sdelay $0x1  }
0x9f: {  	s5 =	simm.s32 $_scs_section_size  }
0xa0: {  	s6 =	simm.s32 $_size__tile_overlayer_lowered;
	s7 =	simm.s32 $_tile_overlayer_lowered  }
0xa1: {  	s23 =	simm.s32 $0x1BFF;
	s22 =	sshll.u32 s7, $0x1;
	s4 =	sadd.s32 s5, s20  }
0xa2: {  	s8 =	simm.s32 $0x0;
	s21 =	sshll.u32 s6, $0x1;
	s6 =	sadd.s32 s22, s4  }
0xa3: {  	[timem:s8], [sflag:s23] =	dma.local [hbm:s6], s21  }
0xa4: {  	_ =	swait.ge [sflag:s23], s21  }
0xa5: {  	s5 =	ssub.s32 $0x0, s21;
	[sflag:s23] =	ssyncset.done $0x0  }
0xa6: {  	[sflag:s23] =	ssyncadd.s32 s5;
	_ =	sdelay $0x1  }
0xa7: {  	s24 =	simm.s32 $0x1B8B  }
0xa8: {  	_ =	swait.ge [sflag:s24], $0x1  }
0xa9: {  	[sflag:s24] =	ssyncset.done $0x0  }
0xaa: {  	s25 =	simm.s32 $0x1B8E;
	[sflag:s24] =	ssyncadd.s32 $0xFFFFFFFF  }
0xab: {  	s26 =	simm.s32 $execute0_lowered;
	[smem:$0x3FD2] =	sst s25  }
0xac: {  	s5 =	sshll.u32 s26, $0x1;
	_ =	strace $0x80000046;
	[dreg:$0x1] =	wrdreg $0xFFFFFFFF  }
0xad: {  	s28 =	simm.s32 $_size_execute0_lowered;
	s4 =	sadd.s32 s4, s5;
	[dreg:$0x0] =	wrdreg $0x0  }
0xae: {  	s5 =	sshll.u32 s28, $0x1;
	[dreg:$0x2] =	wrdreg s4  }
0xaf: {  	[dreg:$0x3] =	wrdreg s5  }
0xb0: {  	[dreg:$0x4] =	wrdreg $0xC0  }
0xb1: {  	_ =	task [dreg:s8], $0x5FFFF  }
0xb2: {  	[dreg:$0x1] =	wrdreg $0xFFFFFFFF  }
0xb3: {  	[dreg:$0x0] =	wrdreg $0x60  }
0xb4: {  	[dreg:$0x2] =	wrdreg s17  }
0xb5: {  	[dreg:$0x3] =	wrdreg s18  }
0xb6: {  	[dreg:$0x4] =	wrdreg $0x0  }
0xb7: {  	[dreg:$0x5] =	wrdreg $0x9  }
0xb8: {  	_ =	task.clear_ibuf [dreg:s8], $0x6FFFF;
	_ =	strace $0x90000046  }
0xb9: {  	s29 =	simm.s32 $0x9;
	_ =	strace $0x80000048  }
0xba: {  	_ =	swait.ge [sflag:s29], $0x1  }
0xbb: {  	[sflag:s29] =	ssyncadd.s32 $0xFFFFFFFF  }
0xbc: {  	_ =	strace $0x90000048  }
0xbd: {  	_ =	sfence  }
0xbe: {  	s30 =	sld [smem:$0x0];
	_ =	sdelay $0x2  }
0xbf: {  	s31 =	sshll.u32 s1, $0xD;
	s1 =	sshrl.u32 s1, $0x2  }
0xc0: {  	s3 =	sand.u32 $0x4000, s31;
	s1 =	sadd.s32 s1, s30  }
0xc1: {  	s0 =	sor.u32 s3, s0;
	s1 =	sshll.u32 s1, $0x11  }
0xc2: {  	s0 =	sor.u32 s1, s0  }
0xc3: {  	s0 =	sadd.s32 $0x8F2B, s0  }
0xc4: {  	[sflag:s0] =	ssyncadd.remote.s32 $0x1  }
0xc5: {  	_ =	sfence.sel $0xFFFF  }
0xc6: {  	[dreg:$0x0] =	wrdreg $0xFFFFFFFF;
	(pc) =	sbr.abs _section_cstart, $3  }
0xc7: {  	[dreg:$0x1] =	wrdreg $0xFFFFFFFF  }
0xc8: {  	_ =	task.clear_ibuf [dreg:s8], $0x2FFFF;
	_ =	strace $0x9FFFFFFF  }
0xc9: {  	(tm) =	ssettm $0x7FFFFFFF  }
tec
execute0_lowered:
.L_overlay_start_1:
0x0: {  	(tag) =	ssettag $0x1  }
0x1: {  	s5 =	rddreg [dreg:$0x0]  }
0x2: {  	s6 =	rddreg [dreg:$0x1]  }
0x3: {  	s2 =	rddreg [dreg:$0x2];
	s3 =	srdreg.scid  }
0x4: {  	s0 =	rddreg [dreg:$0x3];
	s1 =	stileid.u32;
	s11 =	simm.s32 $0x7D  }
0x5: {  	s12 =	simm.s32 $0x2A80;
	s13 =	simm.s32 $0x300;
	s14 =	simm.s32 $0x380  }
0x6: {  	s15 =	simm.s32 $0x400;
	s16 =	simm.s32 $0x1;
	s17 =	simm.s32 $0x2  }
0x7: {  	s18 =	simm.s32 $0x3;
	s19 =	simm.s32 $0x4;
	s22 =	simm.s32 $0x0  }
0x8: {  	s4 =	sand.u32 $0x1, s3;
	s3 =	simm.s32 $0x0;
	s7 =	smul.u32 $0x280, s1  }
0x9: {  	s20 =	sshll.u32 s1, $0x6;
	s8 =	sshll.u32 s4, $0x4;
	s9 =	ssub.s32 $0x2, s4  }
0xa: {  	s4 =	smul.u32 $0x2800, s4;
	[smem:$0x7FF] =	sst s3;
	s20 =	sor.u32 $0x1C05, s20  }
0xb: {  	s8 =	sor.u32 s1, s8;
	s10 =	sshrl.u32 s9, $0x1;
	_ =	strace $0x80000047  }
0xc: {  	s8 =	smul.u32 $0x500, s8;
	s9 =	ssub.s32 s9, s10;
	s30 =	sadd.s32 s7, s4  }
0xd: {  	s4 =	sadd.s32 s7, s2;
	s10 =	simm.s32 $0x280;
	s31 =	sshrl.u32 s30, $0x3  }
0xe: {  	s7 =	smax.u32 s9, $0x1;
	s9 =	simm.s32 $0x5;
	s21 =	sshrl.u32 s4, $0x3  }
0xf: {  	v0 =	vimm.f32 $0.0e+00;
	v1 =	vimm.f32 $1.000000000e+00;
	s5 =	sadd.s32 s5, s8;
	s6 =	sadd.s32 s6, s31;
	s8 =	simm.s32 $0x2B00  }
.LBB2_1:
0x10: {  	[tilespmem:$0x2B00] =	vst v0  }
0x11: {  	[tilespmem:$0x2B10] =	vst v0  }
0x12: {  	[tilespmem:$0x2B20] =	vst v0  }
0x13: {  	[tilespmem:$0x2B30] =	vst v0  }
0x14: {  	[tilespmem:$0x2B40] =	vst v0  }
0x15: {  	[tilespmem:$0x2B50] =	vst v0  }
0x16: {  	[tilespmem:$0x2B60] =	vst v0  }
0x17: {  	[tilespmem:$0x2B70] =	vst v0  }
0x18: {  	[tilespmem:$0x2B80] =	vst v0  }
0x19: {  	[tilespmem:$0x2B90] =	vst v0  }
0x1a: {  	[tilespmem:$0x2BA0] =	vst v0  }
0x1b: {  	[tilespmem:$0x2BB0] =	vst v0  }
0x1c: {  	[tilespmem:$0x2BC0] =	vst v0  }
0x1d: {  	[tilespmem:$0x2BD0] =	vst v0  }
0x1e: {  	[tilespmem:$0x2BE0] =	vst v0  }
0x1f: {  	[tilespmem:$0x2BF0] =	vst v0  }
0x20: {  	[tilespmem:$0x2C00] =	vst v0  }
0x21: {  	[tilespmem:$0x2C10] =	vst v0  }
0x22: {  	[tilespmem:$0x2C20] =	vst v0  }
0x23: {  	[tilespmem:$0x2C30] =	vst v0  }
0x24: {  	[tilespmem:$0x2C40] =	vst v0  }
0x25: {  	[tilespmem:$0x2C50] =	vst v0  }
0x26: {  	[tilespmem:$0x2C60] =	vst v0  }
0x27: {  	[tilespmem:$0x2C70] =	vst v0  }
0x28: {  	[tilespmem:$0x2C80] =	vst v0  }
0x29: {  	[tilespmem:$0x2C90] =	vst v0  }
0x2a: {  	[tilespmem:$0x2CA0] =	vst v0  }
0x2b: {  	[tilespmem:$0x2CB0] =	vst v0  }
0x2c: {  	[tilespmem:$0x2CC0] =	vst v0  }
0x2d: {  	[tilespmem:$0x2CD0] =	vst v0  }
0x2e: {  	[tilespmem:$0x2CE0] =	vst v0  }
0x2f: {  	[tilespmem:$0x2CF0] =	vst v0  }
0x30: {  	[tilespmem:$0x2D00] =	vst v0  }
0x31: {  	[tilespmem:$0x2D10] =	vst v0  }
0x32: {  	[tilespmem:$0x2D20] =	vst v0  }
0x33: {  	[tilespmem:$0x2D30] =	vst v0  }
0x34: {  	[tilespmem:$0x2D40] =	vst v0  }
0x35: {  	[tilespmem:$0x2D50] =	vst v0  }
0x36: {  	[tilespmem:$0x2D60] =	vst v0  }
0x37: {  	[tilespmem:$0x2D70] =	vst v0  }
0x38: {  	[tilespmem:$0x2A80] =	vst v1  }
0x39: {  	[tilespmem:$0x2A90] =	vst v1  }
0x3a: {  	[tilespmem:$0x2AA0] =	vst v1  }
0x3b: {  	[tilespmem:$0x2AB0] =	vst v1  }
0x3c: {  	[tilespmem:$0x2AC0] =	vst v1  }
0x3d: {  	[tilespmem:$0x2AD0] =	vst v1  }
0x3e: {  	[tilespmem:$0x2AE0] =	vst v1  }
0x3f: {  	[tilespmem:$0x2AF0] =	vst v1  }
0x40: {  	[spmem:s4] =	stream.linear.scatter [tilespmem:s8], [sflag:$0x5], $0x280, $0x38;
	[tilespmem:$0x2D80] =	vst v63  }
0x41: {  	_ =	swait.ge [sflag:s9], $0x280  }
0x42: {  	[sflag:s9] =	ssyncset.done $0x0  }
0x43: {  	[sflag:s9] =	ssyncadd.s32 $0xFFFFFD80  }
0x44: {  	[tilespmem:s10], [sflag:$0x5] =	stream.linear.gather [hbm4b:s5+s3], $0x2800, $0x38;
	[tilespmem:$0x2D80] =	vst v63  }
0x45: {  	_ =	swait.ge [sflag:s9], $0x2800  }
0x46: {  	[sflag:s9] =	ssyncset.done $0x0  }
0x47: {  	[sflag:s9] =	ssyncadd.s32 $0xFFFFD800  }
0x48: {  	[bflag:$0x0] =	sbarrier.arrive $0xFFFF  }
0x49: {  	[spmem:s2] =	stream.indirect.scatter.add.f32 [tilespmem:s12], [sflag:$0x1], $0x1, s10, s11, $0xb8;
	[tilespmem:$0x2D80] =	vst v63  }
0x4a: {  	_ = 	snop  }
0x4b: {  	[spmem:s2] =	stream.indirect.scatter.add.f32 [tilespmem:s12], [sflag:$0x2], $0x1, s13, s11, $0xb8;
	[tilespmem:$0x2D80] =	vst v63  }
0x4c: {  	_ = 	snop  }
0x4d: {  	[spmem:s2] =	stream.indirect.scatter.add.f32 [tilespmem:s12], [sflag:$0x3], $0x1, s14, s11, $0xb8;
	[tilespmem:$0x2D80] =	vst v63  }
0x4e: {  	_ = 	snop  }
0x4f: {  	[spmem:s2] =	stream.indirect.scatter.add.f32 [tilespmem:s12], [sflag:$0x4], $0x1, s15, s11, $0xb8;
	[tilespmem:$0x2D80] =	vst v63  }
0x50: {  	_ =	swait.ge [sflag:s16], $0x7D  }
0x51: {  	[sflag:s16] =	ssyncset.done $0x0  }
0x52: {  	s23 =	simm.s32 $0x480;
	[sflag:s16] =	ssyncadd.s32 $0xFFFFFF83  }
0x53: {  	[spmem:s2] =	stream.indirect.scatter.add.f32 [tilespmem:s12], [sflag:$0x1], $0x1, s23, s11, $0xb8;
	[tilespmem:$0x2D80] =	vst v63  }
0x54: {  	_ =	swait.ge [sflag:s17], $0x7D  }
0x55: {  	[sflag:s17] =	ssyncset.done $0x0  }
0x56: {  	s30 =	simm.s32 $0x500;
	[sflag:s17] =	ssyncadd.s32 $0xFFFFFF83  }
0x57: {  	[spmem:s2] =	stream.indirect.scatter.add.f32 [tilespmem:s12], [sflag:$0x2], $0x1, s30, s11, $0xb8;
	[tilespmem:$0x2D80] =	vst v63  }
0x58: {  	_ =	swait.ge [sflag:s18], $0x7D  }
0x59: {  	[sflag:s18] =	ssyncset.done $0x0  }
0x5a: {  	s31 =	simm.s32 $0x580;
	[sflag:s18] =	ssyncadd.s32 $0xFFFFFF83  }
0x5b: {  	[spmem:s2] =	stream.indirect.scatter.add.f32 [tilespmem:s12], [sflag:$0x3], $0x1, s31, s11, $0xb8;
	[tilespmem:$0x2D80] =	vst v63  }
0x5c: {  	_ =	swait.ge [sflag:s19], $0x7D  }
0x5d: {  	[sflag:s19] =	ssyncset.done $0x0  }
0x5e: {  	s24 =	simm.s32 $0x600;
	s23 =	simm.s32 $0xFFFF7000;
	[sflag:s19] =	ssyncadd.s32 $0xFFFFFF83  }
.LBB2_2:
0x5f: {  	[spmem:s2] =	stream.indirect.scatter.add.f32 [tilespmem:s12], [sflag:$0x4], $0x1, s24, s11, $0xb8;
	[tilespmem:$0x2D80] =	vst v63  }
0x60: {  	s24 =	smov.u32 s23  }
0x61: {  	p0 =	sne.s32 s23, $0xFFFFF800;
	s23 =	sadd.s32 $0x800, s23;
	_ =	swait.ge [sflag:s16], $0x7D  }
0x62: {  	s24 =	sshra.s32 s24, $0x2;
	[sflag:s16] =	ssyncset.done $0x0  }
0x63: {  	s25 =	sadd.s32 $0x2A80, s24;
	[sflag:s16] =	ssyncadd.s32 $0xFFFFFF83  }
0x64: {  	[spmem:s2] =	stream.indirect.scatter.add.f32 [tilespmem:s12], [sflag:$0x1], $0x1, s25, s11, $0xb8;
	[tilespmem:$0x2D80] =	vst v63  }
0x65: {  	_ =	swait.ge [sflag:s17], $0x7D  }
0x66: {  	[sflag:s17] =	ssyncset.done $0x0  }
0x67: {  	s25 =	sadd.s32 $0x2B00, s24;
	[sflag:s17] =	ssyncadd.s32 $0xFFFFFF83  }
0x68: {  	[spmem:s2] =	stream.indirect.scatter.add.f32 [tilespmem:s12], [sflag:$0x2], $0x1, s25, s11, $0xb8;
	[tilespmem:$0x2D80] =	vst v63  }
0x69: {  	_ =	swait.ge [sflag:s18], $0x7D  }
0x6a: {  	[sflag:s18] =	ssyncset.done $0x0  }
.Ltmp0:
0x6b: {  	s25 =	sadd.s32 $0x2B80, s24;
	[sflag:s18] =	ssyncadd.s32 $0xFFFFFF83;
	(pc) =	sbr.rel @p0 .LBB2_2-.Ltmp0, $4  }
0x6c: {  	[spmem:s2] =	stream.indirect.scatter.add.f32 [tilespmem:s12], [sflag:$0x3], $0x1, s25, s11, $0xb8;
	[tilespmem:$0x2D80] =	vst v63  }
0x6d: {  	_ =	swait.ge [sflag:s19], $0x7D  }
0x6e: {  	[sflag:s19] =	ssyncset.done $0x0  }
0x6f: {  	s24 =	sadd.s32 $0x2C00, s24;
	[sflag:s19] =	ssyncadd.s32 $0xFFFFFF83  }
0x70: {  	[spmem:s2] =	stream.indirect.scatter.add.f32 [tilespmem:s12], [sflag:$0x4], $0x1, s24, s11, $0xb8;
	[tilespmem:$0x2D80] =	vst v63  }
0x71: {  	_ =	swait.ge [sflag:s16], $0x7D  }
0x72: {  	[sflag:s16] =	ssyncset.done $0x0  }
0x73: {  	[sflag:s16] =	ssyncadd.s32 $0xFFFFFF83  }
0x74: {  	_ =	swait.ge [sflag:s17], $0x7D  }
0x75: {  	[sflag:s17] =	ssyncset.done $0x0  }
0x76: {  	[sflag:s17] =	ssyncadd.s32 $0xFFFFFF83  }
0x77: {  	_ =	swait.ge [sflag:s18], $0x7D  }
0x78: {  	[sflag:s18] =	ssyncset.done $0x0  }
0x79: {  	[sflag:s18] =	ssyncadd.s32 $0xFFFFFF83  }
0x7a: {  	_ =	swait.ge [sflag:s19], $0x7D  }
0x7b: {  	s22 =	sadd.s32 $0x1, s22;
	[sflag:s19] =	ssyncset.done $0x0  }
0x7c: {  	p0 =	sne.s32 s22, s7;
	[sflag:s19] =	ssyncadd.s32 $0xFFFFFF83  }
.Ltmp1:
0x7d: {  	[bflag:$0x0] =	sbarrier.arrive $0xFFFF;
	(pc) =	sbr.rel @p0 .LBB2_1-.Ltmp1, $4  }
0x7e: {  	[hbm:s6], [sflag:s20] =	dma.local [spmem:s21], $0x50  }
0x7f: {  	_ =	swait.ge [sflag:s9], $0x50  }
0x80: {  	[sflag:s9] =	ssyncset.done $0x0  }
0x81: {  	[sflag:s9] =	ssyncadd.s32 $0xFFFFFFB0  }
0x82: {  	_ =	sfence.sel $0x180000  }
0x83: {  	[bflag:$0x0] =	sbarrier.arrive $0xFFFF  }
0x84: {  	p0 =	sne.s32 s1, $0x0;
	_ =	strace $0x90000047  }
0x85: {  	s0 =	sadd.s32 @!p0 $0x100000, s0;
	[bflag:$0x2] =	sbarrier.arrive $0xFFFF  }
0x86: {  	[sflag:s0] =	ssyncadd.tile.s32 @!p0 $0x1;
	_ =	shalt  }
.Lfunc_end2:
_tile_overlayer_lowered:
.L_overlay_start_2:
0x87: {  	(tag) =	ssettag $0x2  }
0x88: {  	s0 =	rddreg [dreg:$0x0];
	s2 =	stileid.u32  }
0x89: {  	s1 =	rddreg [dreg:$0x1];
	p0 =	sne.s32 s2, $0x0  }
0x8a: {  	s3 =	rddreg [dreg:$0x2];
	[bflag:$0x3] =	sbarrier.arrive $0xFFFF;
	s2 =	simm.s32 @!p0 $0x1C05  }
0x8b: {  	[timem:s3], [sflag:s2] =	dma.local @!p0 [hbm:s0], s1  }
0x8c: {  	s0 =	simm.s32 @!p0 $0x5  }
0x8d: {  	_ =	swait.ge @!p0 [sflag:s0], s1  }
0x8e: {  	s1 =	ssub.s32 @!p0 $0x0, s1;
	[sflag:s0] =	ssyncset.done @!p0 $0x0  }
0x8f: {  	[sflag:s0] =	ssyncadd.s32 @!p0 s1  }
0x90: {  	[bflag:$0x3] =	sbarrier.arrive $0xFFFF  }
0x91: {  	_ =	shalt  }

// kernel: kernel.9.cloned.1.call-start
scs
__scs_entry_jumppad:
0x0: {  	(pc) =	sbr.rel $0x88, $3  }
0x1: {  	(tag) =	ssettag $0x0;
	lr =	simm.s32 $0x1  }
0x2: {  	[smem:$0x3F9C] =	sst lr;
	_ =	strace $0xD0000000  }
0x3: {  	_ = 	snop  }
0x4: {  	_ = 	snop  }
0x5: {  	_ = 	snop  }
0x6: {  	_ = 	snop  }
0x7: {  	_ = 	snop  }
__scs_overlays_trampoline_lowered:
0x8: {  	[smem:$0x3FAB] =	sst s0  }
0x9: {  	[smem:$0x3FAC] =	sst s1  }
0xa: {  	[smem:$0x3FAD] =	sst s2  }
0xb: {  	[smem:$0x3FAE] =	sst s3  }
0xc: {  	[smem:$0x3FAF] =	sst s4  }
0xd: {  	[smem:$0x3FB0] =	sst s5  }
0xe: {  	[smem:$0x3FB1] =	sst s6  }
0xf: {  	[smem:$0x3FB2] =	sst s7  }
0x10: {  	[smem:$0x3FB3] =	sst s8  }
0x11: {  	[smem:$0x3FB4] =	sst s9;
	s0 =	simm.s32 @!p0 $0x0  }
0x12: {  	s1 =	sld [smem:$0x3F9A];
	s0 =	simm.s32 @p0 $0x1  }
0x13: {  	[smem:$0x3FB5] =	sst s0;
	s0 =	simm.s32 @!p1 $0x0  }
0x14: {  	s2 =	sld [smem:$0x3F99];
	s0 =	simm.s32 @p1 $0x1  }
0x15: {  	[smem:$0x3FB6] =	sst s0;
	s0 =	simm.s32 @!p2 $0x0  }
0x16: {  	s3 =	sld [smem:$0x3FDB];
	s0 =	simm.s32 @p2 $0x1  }
0x17: {  	s4 =	simm.s32 $0x1BF5;
	[smem:$0x3FB8] =	sst s0  }
0x18: {  	s0 =	sld [smem:$0x3F9B];
	_ =	swait.ge [sflag:s4], $0x0  }
0x19: {  	s7 =	sld [smem:$0x3F9C]  }
0x1a: {  	s8 =	sadd.s32 $0xFFFFE003, lr  }
0x1b: {  	s9 =	sadd.s32 $0xFFFFFEF7, lr;
	s5 =	simm.s32 $0xFFFFFFFF;
	p2 =	slt.u32 s8, $0xFFFFF086  }
0x1c: {  	p1 =	slt.u32 s9, $0xF7A;
	s5 =	simm.s32 @!p2 $0x0  }
0x1d: {  	s5 =	simm.s32 @p1 $0x1;
	p0 =	seq.s32 s7, s2  }
0x1e: {  	s7 =	smul.u32 @!p0 $0xF7A, s2;
	p2 =	seq.s32 @!p0 s5, $0x0  }
0x1f: {  	s9 =	smul.u32 $0xF7A, s1;
	s8 =	simm.s32 @!p0 $0x1BF5;
	p2 =	por !p2, p0  }
0x20: {  	[sflag:s8] =	ssyncset.s32 @!p0 $0xFFFFF086;
	s6 =	sadd.s32 @!p0 s3, s7;
	s7 =	simm.s32 @!p0 $0x108  }
0x21: {  	s3 =	sadd.s32 s3, s9;
	s6 =	sadd.s32 @!p0 $0x88, s6;
	s7 =	simm.s32 @p2 $0x1082  }
0x22: {  	[simem:s7], [sflag:s8] =	dma.local @!p0 [hbm:s6], $0xF7A  }
0x23: {  	s9 =	sor.u32 $0xD0000000, s2;
	s6 =	simm.s32 $0x108;
	_ =	swait.ge @!p0 [sflag:s8], $0x0  }
0x24: {  	s3 =	sadd.s32 $0x88, s3;
	s6 =	simm.s32 @!p1 $0x1082;
	[sflag:s4] =	ssyncset.s32 $0xFFFFF086  }
0x25: {  	[simem:s6], [sflag:s4] =	dma.local [hbm:s3], $0xF7A  }
0x26: {  	[smem:$0x3F9C] =	sst s1;
	(tag) =	ssettag s2;
	_ =	strace s9  }
0x27: {  	s1 =	sld [smem:$0x3FAC]  }
0x28: {  	s2 =	sld [smem:$0x3FAD]  }
0x29: {  	s4 =	sld [smem:$0x3FAF]  }
0x2a: {  	p0 =	seq.s32 s5, $0x0;
	s5 =	sld [smem:$0x3FB0]  }
0x2b: {  	s6 =	sld [smem:$0x3FB1]  }
0x2c: {  	s7 =	sld [smem:$0x3FB2]  }
0x2d: {  	s3 =	simm.s32 $0x108;
	s8 =	sld [smem:$0x3FB3]  }
0x2e: {  	s3 =	simm.s32 @!p0 $0x1082;
	s9 =	sld [smem:$0x3FB4]  }
0x2f: {  	lr =	sadd.s32 s0, s3;
	s0 =	sld [smem:$0x3FAB]  }
0x30: {  	s3 =	sld [smem:$0x3FAE]  }
0x31: {  	[smem:$0x3FB7] =	sst s10  }
0x32: {  	s10 =	sld [smem:$0x3FB5];
	_ =	sdelay $0x3  }
0x33: {  	p0 =	seq.s32 s10, $0x1;
	s10 =	sld [smem:$0x3FB7];
	_ =	sdelay $0x3  }
0x34: {  	[smem:$0x3FB7] =	sst s10  }
0x35: {  	s10 =	sld [smem:$0x3FB6];
	_ =	sdelay $0x3  }
0x36: {  	p1 =	seq.s32 s10, $0x1;
	s10 =	sld [smem:$0x3FB7];
	_ =	sdelay $0x3  }
0x37: {  	[smem:$0x3FB7] =	sst s10  }
0x38: {  	s10 =	sld [smem:$0x3FB8]  }
0x39: {  	_ = 	snop;
	(pc) =	sbr.ind lr, $3  }
0x3a: {  	_ = 	snop  }
0x3b: {  	_ = 	snop  }
0x3c: {  	p2 =	seq.s32 s10, $0x1;
	s10 =	sld [smem:$0x3FB7]  }
0x3d: {  	_ =	shalt  }
0x3e: {  	_ =	shalt  }
0x3f: {  	_ =	shalt  }
0x40: {  	_ =	shalt  }
0x41: {  	_ =	shalt  }
0x42: {  	_ =	shalt  }
0x43: {  	_ =	shalt  }
0x44: {  	_ =	shalt  }
0x45: {  	_ =	shalt  }
0x46: {  	_ =	shalt  }
0x47: {  	_ =	shalt  }
0x48: {  	_ =	shalt  }
0x49: {  	_ =	shalt  }
0x4a: {  	_ =	shalt  }
0x4b: {  	_ =	shalt  }
0x4c: {  	_ =	shalt  }
0x4d: {  	_ =	shalt  }
0x4e: {  	_ =	shalt  }
0x4f: {  	_ =	shalt  }
0x50: {  	_ =	shalt  }
0x51: {  	_ =	shalt  }
0x52: {  	_ =	shalt  }
0x53: {  	_ =	shalt  }
0x54: {  	_ =	shalt  }
0x55: {  	_ =	shalt  }
0x56: {  	_ =	shalt  }
0x57: {  	_ =	shalt  }
0x58: {  	_ =	shalt  }
0x59: {  	_ =	shalt  }
0x5a: {  	_ =	shalt  }
0x5b: {  	_ =	shalt  }
0x5c: {  	_ =	shalt  }
0x5d: {  	_ =	shalt  }
0x5e: {  	_ =	shalt  }
0x5f: {  	_ =	shalt  }
0x60: {  	_ =	shalt  }
0x61: {  	_ =	shalt  }
0x62: {  	_ =	shalt  }
0x63: {  	_ =	shalt  }
0x64: {  	_ =	shalt  }
0x65: {  	_ =	shalt  }
0x66: {  	_ =	shalt  }
0x67: {  	_ =	shalt  }
0x68: {  	_ =	shalt  }
0x69: {  	_ =	shalt  }
0x6a: {  	_ =	shalt  }
0x6b: {  	_ =	shalt  }
0x6c: {  	_ =	shalt  }
0x6d: {  	_ =	shalt  }
0x6e: {  	_ =	shalt  }
0x6f: {  	_ =	shalt  }
0x70: {  	_ =	shalt  }
0x71: {  	_ =	shalt  }
0x72: {  	_ =	shalt  }
0x73: {  	_ =	shalt  }
0x74: {  	_ =	shalt  }
0x75: {  	_ =	shalt  }
0x76: {  	_ =	shalt  }
0x77: {  	_ =	shalt  }
0x78: {  	_ =	shalt  }
0x79: {  	_ =	shalt  }
0x7a: {  	_ =	shalt  }
0x7b: {  	_ =	shalt  }
0x7c: {  	_ =	shalt  }
0x7d: {  	_ =	shalt  }
0x7e: {  	_ =	shalt  }
0x7f: {  	_ =	shalt  }
0x80: {  	_ =	shalt  }
0x81: {  	_ =	shalt  }
0x82: {  	_ =	shalt  }
0x83: {  	_ =	shalt  }
0x84: {  	_ =	shalt  }
0x85: {  	_ =	shalt  }
0x86: {  	_ =	shalt  }
0x87: {  	_ =	shalt  }
.Lfunc_end0:
.L_simem_size_0:
called_computation.1_lowered:
.L_overlay_start_0:
0x88: {  	s2 =	sld [smem:$0x3FD9]  }
0x89: {  	s3 =	sld [smem:$0x3FFE];
	_ =	sdelay $0x1  }
0x8a: {  	s1 =	srdreg.scid  }
0x8b: {  	s0 =	sand.u32 $0x1, s1  }
0x8c: {  	s14 =	sshll.u32 s0, $0xA;
	s2 =	sadd.s32 s3, s2  }
0x8d: {  	s2 =	sadd.s32 s2, s14  }
0x8e: {  	[smem:$0x3FC3] =	sst s2  }
0x8f: {  	_ = 	snop  }
0x90: {  	s2 =	sld [smem:$0x3FD0];
	_ =	sdelay $0x2  }
0x91: {  	s15 =	simm.s32 $0xA;
	s4 =	simm.s32 $0x10  }
0x92: {  	[smem:s4], [sflag:s15] =	dma.local [hbm:s2], $0x1  }
0x93: {  	_ =	swait.eq [sflag:s15], $0x1  }
0x94: {  	s16 =	sld [smem:$0x10];
	[sflag:s15] =	ssyncset.done $0x0  }
0x95: {  	s17 =	sld [smem:$0x11];
	[sflag:s15] =	ssyncadd.s32 $0xFFFFFFFF  }
0x96: {  	s18 =	sld [smem:$0x12];
	(tm) =	ssettm $0x1  }
0x97: {  	s5 =	sld [smem:$0x3FFB];
	_ =	sdelay $0x3  }
0x98: {  	_ =	strace s5  }
0x99: {  	s5 =	sld [smem:$0x3FFC];
	_ =	sdelay $0x3  }
0x9a: {  	_ =	strace s5  }
0x9b: {  	s5 =	sld [smem:$0x3FFD];
	_ =	sdelay $0x3  }
0x9c: {  	_ =	strace s5  }
0x9d: {  	_ =	strace $0x8FFFFFFF  }
0x9e: {  	s19 =	sld [smem:$0x3FDB];
	_ =	sdelay $0x1  }
0x9f: {  	s6 =	simm.s32 $_scs_section_size  }
0xa0: {  	s7 =	simm.s32 $_size__tile_overlayer_lowered;
	s8 =	simm.s32 $_tile_overlayer_lowered  }
0xa1: {  	s22 =	simm.s32 $0x1BFF;
	s21 =	sshll.u32 s8, $0x1;
	s5 =	sadd.s32 s6, s19  }
0xa2: {  	s9 =	simm.s32 $0x0;
	s20 =	sshll.u32 s7, $0x1;
	s7 =	sadd.s32 s21, s5  }
0xa3: {  	[timem:s9], [sflag:s22] =	dma.local [hbm:s7], s20  }
0xa4: {  	_ =	swait.ge [sflag:s22], s20  }
0xa5: {  	s6 =	ssub.s32 $0x0, s20;
	[sflag:s22] =	ssyncset.done $0x0  }
0xa6: {  	[sflag:s22] =	ssyncadd.s32 s6;
	_ =	sdelay $0x1  }
0xa7: {  	s23 =	simm.s32 $0x1B8B  }
0xa8: {  	_ =	swait.ge [sflag:s23], $0x1  }
0xa9: {  	[sflag:s23] =	ssyncset.done $0x0  }
0xaa: {  	s25 =	simm.s32 $0x1B8E;
	s24 =	sld [smem:$0x3FFE];
	[sflag:s23] =	ssyncadd.s32 $0xFFFFFFFF  }
0xab: {  	s26 =	simm.s32 $execute0_lowered;
	[smem:$0x3FD2] =	sst s25  }
0xac: {  	s7 =	sshll.u32 s26, $0x1;
	_ =	strace $0x80000049;
	[dreg:$0x1] =	wrdreg $0xFFFFFFFF  }
0xad: {  	s28 =	simm.s32 $_size_execute0_lowered;
	s5 =	sadd.s32 s5, s7;
	[dreg:$0x0] =	wrdreg $0x0  }
0xae: {  	s7 =	sshll.u32 s28, $0x1;
	[dreg:$0x2] =	wrdreg s5  }
0xaf: {  	[dreg:$0x3] =	wrdreg s7  }
0xb0: {  	[dreg:$0x4] =	wrdreg $0xC0  }
0xb1: {  	_ =	task [dreg:s9], $0x5FFFF  }
0xb2: {  	[dreg:$0x1] =	wrdreg $0xFFFFFFFF  }
0xb3: {  	[dreg:$0x0] =	wrdreg $0x60  }
0xb4: {  	[dreg:$0x2] =	wrdreg s18  }
0xb5: {  	[dreg:$0x3] =	wrdreg s16  }
0xb6: {  	[dreg:$0x4] =	wrdreg s17  }
0xb7: {  	[dreg:$0x5] =	wrdreg s24  }
0xb8: {  	[dreg:$0x6] =	wrdreg $0x0  }
0xb9: {  	[dreg:$0x7] =	wrdreg $0x9  }
0xba: {  	_ =	task.clear_ibuf [dreg:s9], $0x8FFFF;
	_ =	strace $0x90000049  }
0xbb: {  	s29 =	simm.s32 $0x9;
	_ =	strace $0x8000004B  }
0xbc: {  	_ =	swait.ge [sflag:s29], $0x1  }
0xbd: {  	[sflag:s29] =	ssyncadd.s32 $0xFFFFFFFF  }
0xbe: {  	_ =	strace $0x9000004B  }
0xbf: {  	_ =	sfence  }
0xc0: {  	s30 =	sld [smem:$0x0];
	_ =	sdelay $0x2  }
0xc1: {  	s31 =	sshll.u32 s1, $0xD;
	s1 =	sshrl.u32 s1, $0x2  }
0xc2: {  	s3 =	sand.u32 $0x4000, s31;
	s1 =	sadd.s32 s1, s30  }
0xc3: {  	s0 =	sor.u32 s3, s0;
	s1 =	sshll.u32 s1, $0x11  }
0xc4: {  	s0 =	sor.u32 s1, s0  }
0xc5: {  	s0 =	sadd.s32 $0x8F2B, s0  }
0xc6: {  	[sflag:s0] =	ssyncadd.remote.s32 $0x1  }
0xc7: {  	_ =	sfence.sel $0xFFFF  }
0xc8: {  	[dreg:$0x0] =	wrdreg $0xFFFFFFFF;
	(pc) =	sbr.abs _section_cstart, $3  }
0xc9: {  	[dreg:$0x1] =	wrdreg $0xFFFFFFFF  }
0xca: {  	_ =	task.clear_ibuf [dreg:s9], $0x2FFFF;
	_ =	strace $0x9FFFFFFF  }
0xcb: {  	(tm) =	ssettm $0x7FFFFFFF  }
tec
execute0_lowered:
.L_overlay_start_1:
0x0: {  	(tag) =	ssettag $0x1  }
0x1: {  	s0 =	rddreg [dreg:$0x0]  }
0x2: {  	s10 =	rddreg [dreg:$0x1]  }
0x3: {  	s1 =	rddreg [dreg:$0x2]  }
0x4: {  	s2 =	rddreg [dreg:$0x3]  }
0x5: {  	s3 =	srdreg.scid;
	s4 =	rddreg [dreg:$0x4]  }
0x6: {  	s11 =	stileid.u32;
	s8 =	simm.s32 $0x0;
	s12 =	simm.s32 $0xD000  }
0x7: {  	s13 =	simm.s32 $0xEF40;
	s28 =	simm.s32 $0x10E80;
	s5 =	smul.u32 $0x1400, s11  }
0x8: {  	s30 =	simm.s32 $0x1;
	s31 =	simm.s32 $0xE;
	s14 =	smul.u32 $0x14000, s11  }
0x9: {  	s3 =	sand.u32 $0x1, s3;
	[smem:$0x7FF] =	sst s8;
	s9 =	smul.u32 $0x2800, s11  }
0xa: {  	s29 =	sshll.u32 s11, $0x6;
	s6 =	sshll.u32 s3, $0x4;
	s7 =	smul.u32 $0x14000, s3  }
0xb: {  	_ =	strace $0x8000004A;
	s15 =	ssub.s32 $0x2, s3;
	s3 =	smul.u32 $0x28000, s3  }
0xc: {  	s19 =	sor.u32 $0x1C13, s29;
	s6 =	sor.u32 s11, s6;
	s16 =	sshrl.u32 s15, $0x1  }
0xd: {  	s17 =	sshrl.u32 s14, $0x1;
	s20 =	sshrl.u32 s14, $0x4;
	s14 =	simm.s32 $0x13  }
0xe: {  	s11 =	simm.s32 $0xA;
	[dreg:$0xe] =	wrdreg s19;
	s6 =	smul.u32 $0x2800, s6  }
0xf: {  	s5 =	sadd.s32 s5, s7;
	s18 =	sadd.s32 s17, s4;
	s3 =	sadd.s32 s9, s3  }
0x10: {  	s7 =	sadd.s32 s0, s20;
	s17 =	simm.s32 $0xC;
	s2 =	sadd.s32 s5, s2  }
0x11: {  	s5 =	ssub.s32 s15, s16;
	s22 =	sadd.s32 $0xC00, s3;
	[dreg:$0x8] =	wrdreg s7  }
0x12: {  	s26 =	sadd.s32 $0x800, s3;
	s20 =	sshrl.u32 s18, $0x3;
	s3 =	simm.s32 $0x3  }
0x13: {  	s16 =	simm.s32 $0x8;
	s18 =	simm.s32 $0xF;
	s7 =	simm.s32 $0x0  }
0x14: {  	s15 =	simm.s32 $0x10E80;
	s6 =	sshrl.u32 s6, $0x3;
	[dreg:$0xd] =	wrdreg s26  }
0x15: {  	s2 =	sadd.s32 $0x1A00, s2;
	s24 =	smax.u32 s5, $0x1;
	[dreg:$0xf] =	wrdreg s20  }
0x16: {  	s5 =	simm.s32 $0x10;
	s1 =	sadd.s32 s1, s6;
	[dreg:$0xa] =	wrdreg s2  }
.Ltmp0:
0x17: {  	s21 =	sadd.s32 s10, s6;
	[dreg:$0xb] =	wrdreg s24;
	(pc) =	sbr.rel .LBB2_1-.Ltmp0, $4  }
0x18: {  	s6 =	sshrl.u32 s22, $0x3;
	s2 =	simm.s32 $0x16C40;
	[dreg:$0x6] =	wrdreg s1  }
0x19: {  	[dreg:$0x7] =	wrdreg s21;
	s23 =	sadd.s32 $0x80, s21;
	s25 =	sadd.s32 s6, s10  }
0x1a: {  	s21 =	simm.s32 $0x7D;
	s1 =	simm.s32 $0x12DC0;
	[dreg:$0x9] =	wrdreg s23  }
0x1b: {  	s10 =	simm.s32 $0x6;
	[dreg:$0xc] =	wrdreg s25;
	s23 =	simm.s32 $0x1AAC0  }
.LBB2_4:
0x1c: {  	s6 =	simm.s32 $0xD  }
0x1d: {  	_ =	swait.ge [sflag:s6], $0x1F40  }
0x1e: {  	[sflag:s6] =	ssyncset.done $0x0  }
0x1f: {  	[sflag:s6] =	ssyncadd.s32 $0xFFFFE0C0  }
0x20: {  	_ =	swait.ge [sflag:s31], $0x1F40  }
0x21: {  	[sflag:s31] =	ssyncset.done $0x0  }
0x22: {  	[sflag:s31] =	ssyncadd.s32 $0xFFFFE0C0  }
0x23: {  	_ =	swait.ge [sflag:s18], $0x1F40  }
0x24: {  	[sflag:s18] =	ssyncset.done $0x0  }
0x25: {  	[sflag:s18] =	ssyncadd.s32 $0xFFFFE0C0  }
0x26: {  	_ =	swait.ge [sflag:s5], $0x1F40  }
0x27: {  	[sflag:s5] =	ssyncset.done $0x0  }
0x28: {  	[sflag:s5] =	ssyncadd.s32 $0xFFFFE0C0  }
0x29: {  	[bflag:$0x0] =	sbarrier.arrive $0xFFFF  }
0x2a: {  	s26 =	rddreg [dreg:$0xa]  }
0x2b: {  	s19 =	rddreg [dreg:$0xe]  }
0x2c: {  	s14 =	simm.s32 $0x13;
	s20 =	rddreg [dreg:$0xf]  }
0x2d: {  	[hbm:s26], [sflag:s19] =	dma.local [spmem:s20], $0x1400  }
0x2e: {  	_ =	swait.ge [sflag:s14], $0x1400  }
0x2f: {  	s7 =	rddreg [dreg:$0x10]  }
0x30: {  	s29 =	rddreg [dreg:$0xb];
	s7 =	sadd.s32 $0x1, s7  }
0x31: {  	p0 =	sne.s32 s7, s29  }
.Ltmp1:
0x32: {  	_ = 	snop;
	(pc) =	sbr.rel @!p0 .LBB2_5-.Ltmp1, $3  }
0x33: {  	_ =	sdelay $0x1  }
0x34: {  	[sflag:s14] =	ssyncset.done $0x0  }
0x35: {  	[sflag:s14] =	ssyncadd.s32 $0xFFFFEC00  }
.LBB2_1:
0x36: {  	[dreg:$0x10] =	wrdreg s7  }
0x37: {  	s6 =	simm.s32 $0x0;
	s29 =	rddreg [dreg:$0x6];
	s8 =	simm.s32 $0xA800  }
0x38: {  	[tilespmem:s8], [sflag:$0x13] =	stream.linear.gather [hbm4b:s29+s6], $0x2800, $0x38;
	[tilespmem:$0x1CA00] =	vst v63  }
0x39: {  	_ =	swait.ge [sflag:s14], $0x2800  }
0x3a: {  	[sflag:s14] =	ssyncset.done $0x0  }
0x3b: {  	s9 =	rddreg [dreg:$0x8];
	[sflag:s14] =	ssyncadd.s32 $0xFFFFD800  }
0x3c: {  	[spmem:s20], [sflag:s19] =	dma.local [hbm:s9], $0x1400  }
0x3d: {  	_ =	swait.ge [sflag:s14], $0x1400  }
0x3e: {  	[sflag:s14] =	ssyncset.done $0x0  }
0x3f: {  	[sflag:s14] =	ssyncadd.s32 $0xFFFFEC00  }
0x40: {  	[bflag:$0x0] =	sbarrier.arrive $0xFFFF  }
0x41: {  	s22 =	simm.s32 $0x11;
	s20 =	simm.s32 $0xA000;
	s19 =	rddreg [dreg:$0x7]  }
0x42: {  	[tilespmem:s20], [sflag:$0x11] =	stream.linear.gather [hbm4b:s19+s6], $0x400, $0x38;
	[tilespmem:$0x1CA00] =	vst v63  }
0x43: {  	_ =	swait.ge [sflag:s22], $0x400  }
0x44: {  	[sflag:s22] =	ssyncset.done $0x0  }
0x45: {  	s9 =	simm.s32 $0xA400;
	s24 =	rddreg [dreg:$0x9];
	[sflag:s22] =	ssyncadd.s32 $0xFFFFFC00  }
0x46: {  	[tilespmem:s9], [sflag:$0x12] =	stream.linear.gather [hbm4b:s24+s6], $0x400, $0x38;
	[tilespmem:$0x1CA00] =	vst v63  }
0x47: {  	_ = 	snop  }
0x48: {  	[tilespmem:s12], [sflag:$0x1] =	stream.indirect.gather [hbm4b:s0+s21], $0x40, s20, s21, $0xb8;
	[tilespmem:$0x1CA00] =	vst v63  }
0x49: {  	s25 =	simm.s32 $0xA080  }
0x4a: {  	[tilespmem:s13], [sflag:$0x2] =	stream.indirect.gather [hbm4b:s0+s21], $0x40, s25, s21, $0xb8;
	[tilespmem:$0x1CA00] =	vst v63  }
0x4b: {  	s26 =	simm.s32 $0xA100  }
0x4c: {  	[tilespmem:s28], [sflag:$0x3] =	stream.indirect.gather [hbm4b:s0+s21], $0x40, s26, s21, $0xb8;
	[tilespmem:$0x1CA00] =	vst v63  }
0x4d: {  	s29 =	simm.s32 $0xA180;
	s19 =	simm.s32 $0x0;
	s14 =	rddreg [dreg:$0xd]  }
0x4e: {  	[tilespmem:s1], [sflag:$0x4] =	stream.indirect.gather [hbm4b:s0+s21], $0x40, s29, s21, $0xb8;
	[tilespmem:$0x1CA00] =	vst v63  }
0x4f: {  	s6 =	simm.s32 $0xA400;
	s20 =	rddreg [dreg:$0xc];
	s1 =	simm.s32 $0x12DC0  }
.LBB2_2:
0x50: {  	_ =	swait.ge [sflag:s30], $0x1F40  }
0x51: {  	s24 =	sshra.s32 s19, $0x2;
	s13 =	simm.s32 $0xD000;
	[sflag:s30] =	ssyncset.done $0x0  }
0x52: {  	p0 =	seq.s32 s19, $0x0;
	s8 =	sadd.s32 $0xA800, s24;
	[sflag:s30] =	ssyncadd.s32 $0xFFFFE0C0  }
0x53: {  	[spmem:s4] =	stream.indirect.scatter.add.bf16 [tilespmem:s13], [sflag:$0x9], $0x40, s8, s21, $0xb8;
	[tilespmem:$0x1CA00] =	vst v63  }
0x54: {  	s7 =	simm.s32 @p0 $0xA200;
	s22 =	simm.s32 @p0 $0x14D00;
	s8 =	simm.s32 @p0 $0x7D  }
0x55: {  	[tilespmem:s22], [sflag:$0x5] =	stream.indirect.gather @p0 [hbm4b:s0+s8], $0x40, s7, s8, $0xb8;
	[tilespmem:$0x1CA00] =	vst v63  }
0x56: {  	s7 =	simm.s32 @p0 $0x2  }
0x57: {  	_ =	swait.ge @p0 [sflag:s7], $0x1F40  }
0x58: {  	s22 =	sshra.s32 @p0 s19, $0x2;
	[sflag:s7] =	ssyncset.done @p0 $0x0  }
0x59: {  	s29 =	simm.s32 @p0 $0xEF40;
	[sflag:s7] =	ssyncadd.s32 @p0 $0xFFFFE0C0;
	s7 =	sadd.s32 @p0 $0xA880, s22  }
0x5a: {  	[spmem:s4] =	stream.indirect.scatter.add.bf16 @p0 [tilespmem:s29], [sflag:$0xA], $0x40, s7, s8, $0xb8;
	[tilespmem:$0x1CA00] =	vst v63  }
0x5b: {  	s7 =	simm.s32 @!p0 $0xD  }
0x5c: {  	_ =	swait.ge @!p0 [sflag:s7], $0x1F40  }
0x5d: {  	s26 =	simm.s32 @!p0 $0x14D00;
	[sflag:s7] =	ssyncset.done @!p0 $0x0  }
0x5e: {  	s29 =	simm.s32 @!p0 $0xA200;
	[sflag:s7] =	ssyncadd.s32 @!p0 $0xFFFFE0C0;
	s7 =	simm.s32 @!p0 $0x7D  }
0x5f: {  	[tilespmem:s26], [sflag:$0x5] =	stream.indirect.gather @!p0 [hbm4b:s0+s7], $0x40, s29, s7, $0xb8;
	[tilespmem:$0x1CA00] =	vst v63  }
0x60: {  	s26 =	simm.s32 @!p0 $0x2  }
0x61: {  	_ =	swait.ge @!p0 [sflag:s26], $0x1F40  }
0x62: {  	s29 =	sshra.s32 @!p0 s19, $0x2;
	[sflag:s26] =	ssyncset.done @!p0 $0x0  }
0x63: {  	s25 =	simm.s32 @!p0 $0xEF40;
	[sflag:s26] =	ssyncadd.s32 @!p0 $0xFFFFE0C0;
	s26 =	sadd.s32 @!p0 $0xA880, s29  }
0x64: {  	[spmem:s4] =	stream.indirect.scatter.add.bf16 @!p0 [tilespmem:s25], [sflag:$0xA], $0x40, s26, s7, $0xb8;
	[tilespmem:$0x1CA00] =	vst v63  }
0x65: {  	s25 =	simm.s32 @!p0 $0xE  }
0x66: {  	_ =	swait.ge @!p0 [sflag:s25], $0x1F40  }
0x67: {  	[sflag:s25] =	ssyncset.done @!p0 $0x0  }
0x68: {  	s9 =	simm.s32 $0xA280;
	[sflag:s25] =	ssyncadd.s32 @!p0 $0xFFFFE0C0  }
0x69: {  	[tilespmem:s2], [sflag:$0x6] =	stream.indirect.gather [hbm4b:s0+s21], $0x40, s9, s21, $0xb8;
	[tilespmem:$0x1CA00] =	vst v63  }
0x6a: {  	_ =	swait.ge [sflag:s3], $0x1F40  }
0x6b: {  	[sflag:s3] =	ssyncset.done $0x0  }
0x6c: {  	s12 =	sadd.s32 $0xA900, s24;
	[sflag:s3] =	ssyncadd.s32 $0xFFFFE0C0  }
0x6d: {  	[spmem:s4] =	stream.indirect.scatter.add.bf16 [tilespmem:s15], [sflag:$0xB], $0x40, s12, s21, $0xb8;
	[tilespmem:$0x1CA00] =	vst v63  }
0x6e: {  	s26 =	simm.s32 @p0 $0x18B80;
	s25 =	simm.s32 @p0 $0xA300  }
0x6f: {  	[tilespmem:s26], [sflag:$0x7] =	stream.indirect.gather @p0 [hbm4b:s0+s8], $0x40, s25, s8, $0xb8;
	[tilespmem:$0x1CA00] =	vst v63  }
0x70: {  	s25 =	simm.s32 @p0 $0x4  }
0x71: {  	_ =	swait.ge @p0 [sflag:s25], $0x1F40  }
0x72: {  	[sflag:s25] =	ssyncset.done @p0 $0x0  }
0x73: {  	s22 =	sadd.s32 @p0 $0xA980, s22;
	[sflag:s25] =	ssyncadd.s32 @p0 $0xFFFFE0C0;
	s25 =	simm.s32 @p0 $0x12DC0  }
0x74: {  	[spmem:s4] =	stream.indirect.scatter.add.bf16 @p0 [tilespmem:s25], [sflag:$0xC], $0x40, s22, s8, $0xb8;
	[tilespmem:$0x1CA00] =	vst v63  }
0x75: {  	s8 =	simm.s32 @!p0 $0xF  }
0x76: {  	_ =	swait.ge @!p0 [sflag:s8], $0x1F40  }
0x77: {  	[sflag:s8] =	ssyncset.done @!p0 $0x0  }
0x78: {  	s22 =	simm.s32 @!p0 $0x18B80;
	[sflag:s8] =	ssyncadd.s32 @!p0 $0xFFFFE0C0;
	s8 =	simm.s32 @!p0 $0xA300  }
0x79: {  	[tilespmem:s22], [sflag:$0x7] =	stream.indirect.gather @!p0 [hbm4b:s0+s7], $0x40, s8, s7, $0xb8;
	[tilespmem:$0x1CA00] =	vst v63  }
0x7a: {  	s8 =	simm.s32 @!p0 $0x4  }
0x7b: {  	_ =	swait.ge @!p0 [sflag:s8], $0x1F40  }
0x7c: {  	[sflag:s8] =	ssyncset.done @!p0 $0x0  }
0x7d: {  	s22 =	simm.s32 @!p0 $0x12DC0;
	[sflag:s8] =	ssyncadd.s32 @!p0 $0xFFFFE0C0;
	s8 =	sadd.s32 @!p0 $0xA980, s29  }
0x7e: {  	[spmem:s4] =	stream.indirect.scatter.add.bf16 @!p0 [tilespmem:s22], [sflag:$0xC], $0x40, s8, s7, $0xb8;
	[tilespmem:$0x1CA00] =	vst v63  }
0x7f: {  	s7 =	simm.s32 @!p0 $0x10  }
0x80: {  	_ =	swait.ge @!p0 [sflag:s7], $0x1F40  }
0x81: {  	[sflag:s7] =	ssyncset.done @!p0 $0x0  }
0x82: {  	s26 =	simm.s32 $0x12;
	s25 =	simm.s32 $0xA380;
	[sflag:s7] =	ssyncadd.s32 @!p0 $0xFFFFE0C0  }
0x83: {  	[tilespmem:s23], [sflag:$0x8] =	stream.indirect.gather [hbm4b:s0+s21], $0x40, s25, s21, $0xb8;
	[tilespmem:$0x1CA00] =	vst v63  }
0x84: {  	_ =	swait.ge [sflag:s26], $0x400  }
0x85: {  	[sflag:s26] =	ssyncset.done $0x0  }
0x86: {  	s29 =	simm.s32 $0x5;
	[sflag:s26] =	ssyncadd.s32 $0xFFFFFC00  }
0x87: {  	_ =	swait.ge [sflag:s29], $0x1F40  }
0x88: {  	s9 =	simm.s32 $0x9;
	[sflag:s29] =	ssyncset.done $0x0  }
0x89: {  	s8 =	sadd.s32 $0xAA00, s24;
	s26 =	simm.s32 $0x14D00;
	[sflag:s29] =	ssyncadd.s32 $0xFFFFE0C0  }
0x8a: {  	[spmem:s4] =	stream.indirect.scatter.add.bf16 [tilespmem:s26], [sflag:$0xD], $0x40, s8, s21, $0xb8;
	[tilespmem:$0x1CA00] =	vst v63  }
0x8b: {  	_ =	swait.ge [sflag:s9], $0x1F40  }
0x8c: {  	[sflag:s9] =	ssyncset.done $0x0  }
0x8d: {  	[sflag:s9] =	ssyncadd.s32 $0xFFFFE0C0  }
0x8e: {  	[tilespmem:s13], [sflag:$0x1] =	stream.indirect.gather [hbm4b:s0+s21], $0x40, s6, s21, $0xb8;
	[tilespmem:$0x1CA00] =	vst v63  }
0x8f: {  	_ =	swait.ge [sflag:s10], $0x1F40  }
0x90: {  	[sflag:s10] =	ssyncset.done $0x0  }
0x91: {  	s12 =	sadd.s32 $0xAA80, s24;
	[sflag:s10] =	ssyncadd.s32 $0xFFFFE0C0  }
0x92: {  	[spmem:s4] =	stream.indirect.scatter.add.bf16 [tilespmem:s2], [sflag:$0xE], $0x40, s12, s21, $0xb8;
	[tilespmem:$0x1CA00] =	vst v63  }
0x93: {  	_ =	swait.ge [sflag:s11], $0x1F40  }
0x94: {  	s22 =	simm.s32 $0xA480;
	[sflag:s11] =	ssyncset.done $0x0  }
0x95: {  	s25 =	simm.s32 $0xEF40;
	s29 =	simm.s32 $0x7;
	[sflag:s11] =	ssyncadd.s32 $0xFFFFE0C0  }
0x96: {  	[tilespmem:s25], [sflag:$0x2] =	stream.indirect.gather [hbm4b:s0+s21], $0x40, s22, s21, $0xb8;
	[tilespmem:$0x1CA00] =	vst v63  }
0x97: {  	_ =	swait.ge [sflag:s29], $0x1F40  }
0x98: {  	s8 =	simm.s32 $0xB;
	[sflag:s29] =	ssyncset.done $0x0  }
0x99: {  	s6 =	sadd.s32 $0xAB00, s24;
	[sflag:s29] =	ssyncadd.s32 $0xFFFFE0C0;
	s29 =	simm.s32 $0x18B80  }
0x9a: {  	[spmem:s4] =	stream.indirect.scatter.add.bf16 [tilespmem:s29], [sflag:$0xF], $0x40, s6, s21, $0xb8;
	[tilespmem:$0x1CA00] =	vst v63  }
0x9b: {  	_ =	swait.ge [sflag:s8], $0x1F40  }
0x9c: {  	[sflag:s8] =	ssyncset.done $0x0  }
0x9d: {  	s9 =	simm.s32 $0xA500;
	[sflag:s8] =	ssyncadd.s32 $0xFFFFE0C0  }
0x9e: {  	[tilespmem:s15], [sflag:$0x3] =	stream.indirect.gather [hbm4b:s0+s21], $0x40, s9, s21, $0xb8;
	[tilespmem:$0x1CA00] =	vst v63  }
0x9f: {  	_ =	swait.ge [sflag:s16], $0x1F40  }
0xa0: {  	[sflag:s16] =	ssyncset.done $0x0  }
0xa1: {  	s12 =	sadd.s32 $0xAB80, s24;
	[sflag:s16] =	ssyncadd.s32 $0xFFFFE0C0  }
0xa2: {  	[spmem:s4] =	stream.indirect.scatter.add.bf16 [tilespmem:s23], [sflag:$0x10], $0x40, s12, s21, $0xb8;
	[tilespmem:$0x1CA00] =	vst v63  }
0xa3: {  	_ =	swait.ge [sflag:s17], $0x1F40  }
0xa4: {  	[sflag:s17] =	ssyncset.done $0x0  }
0xa5: {  	p0 =	seq.s32 s19, $0x8000;
	s22 =	simm.s32 $0xA580;
	[sflag:s17] =	ssyncadd.s32 $0xFFFFE0C0  }
0xa6: {  	[tilespmem:s1], [sflag:$0x4] =	stream.indirect.gather [hbm4b:s0+s21], $0x40, s22, s21, $0xb8;
	[tilespmem:$0x1CA00] =	vst v63  }
0xa7: {  	s7 =	sshrl.u32 @!p0 s14, $0x3;
	s6 =	rddreg [dreg:$0x1]  }
0xa8: {  	s8 =	simm.s32 @!p0 $0xA000;
	s22 =	simm.s32 @!p0 $0x0;
	s7 =	sadd.s32 @!p0 s6, s7  }
0xa9: {  	[tilespmem:s8], [sflag:$0x11] =	stream.linear.gather @!p0 [hbm4b:s7+s22], $0x400, $0x38;
	[tilespmem:$0x1CA00] =	vst v63  }
0xaa: {  	_ =	swait.ge [sflag:s30], $0x1F40  }
0xab: {  	[sflag:s30] =	ssyncset.done $0x0  }
0xac: {  	s6 =	sadd.s32 $0xAC00, s24;
	[sflag:s30] =	ssyncadd.s32 $0xFFFFE0C0  }
0xad: {  	[spmem:s4] =	stream.indirect.scatter.add.bf16 [tilespmem:s13], [sflag:$0x9], $0x40, s6, s21, $0xb8;
	[tilespmem:$0x1CA00] =	vst v63  }
0xae: {  	s13 =	simm.s32 $0xD  }
0xaf: {  	_ =	swait.ge [sflag:s13], $0x1F40  }
0xb0: {  	[sflag:s13] =	ssyncset.done $0x0  }
0xb1: {  	s22 =	simm.s32 $0xA600;
	[sflag:s13] =	ssyncadd.s32 $0xFFFFE0C0  }
0xb2: {  	[tilespmem:s26], [sflag:$0x5] =	stream.indirect.gather [hbm4b:s0+s21], $0x40, s22, s21, $0xb8;
	[tilespmem:$0x1CA00] =	vst v63  }
0xb3: {  	s26 =	simm.s32 $0x2  }
0xb4: {  	_ =	swait.ge [sflag:s26], $0x1F40  }
0xb5: {  	[sflag:s26] =	ssyncset.done $0x0  }
0xb6: {  	s6 =	sadd.s32 $0xAC80, s24;
	[sflag:s26] =	ssyncadd.s32 $0xFFFFE0C0  }
0xb7: {  	[spmem:s4] =	stream.indirect.scatter.add.bf16 [tilespmem:s25], [sflag:$0xA], $0x40, s6, s21, $0xb8;
	[tilespmem:$0x1CA00] =	vst v63  }
0xb8: {  	_ =	swait.ge [sflag:s31], $0x1F40  }
0xb9: {  	[sflag:s31] =	ssyncset.done $0x0  }
0xba: {  	s22 =	simm.s32 $0xA680;
	[sflag:s31] =	ssyncadd.s32 $0xFFFFE0C0  }
0xbb: {  	[tilespmem:s2], [sflag:$0x6] =	stream.indirect.gather [hbm4b:s0+s21], $0x40, s22, s21, $0xb8;
	[tilespmem:$0x1CA00] =	vst v63  }
0xbc: {  	_ =	swait.ge [sflag:s3], $0x1F40  }
0xbd: {  	[sflag:s3] =	ssyncset.done $0x0  }
0xbe: {  	s25 =	sadd.s32 $0xAD00, s24;
	[sflag:s3] =	ssyncadd.s32 $0xFFFFE0C0  }
0xbf: {  	[spmem:s4] =	stream.indirect.scatter.add.bf16 [tilespmem:s15], [sflag:$0xB], $0x40, s25, s21, $0xb8;
	[tilespmem:$0x1CA00] =	vst v63  }
0xc0: {  	_ =	swait.ge [sflag:s18], $0x1F40  }
0xc1: {  	[sflag:s18] =	ssyncset.done $0x0  }
0xc2: {  	s7 =	simm.s32 $0x4;
	s26 =	simm.s32 $0xA700;
	[sflag:s18] =	ssyncadd.s32 $0xFFFFE0C0  }
0xc3: {  	[tilespmem:s29], [sflag:$0x7] =	stream.indirect.gather [hbm4b:s0+s21], $0x40, s26, s21, $0xb8;
	[tilespmem:$0x1CA00] =	vst v63  }
0xc4: {  	_ =	swait.ge [sflag:s7], $0x1F40  }
0xc5: {  	[sflag:s7] =	ssyncset.done $0x0  }
0xc6: {  	s22 =	sadd.s32 $0xAD80, s24;
	[sflag:s7] =	ssyncadd.s32 $0xFFFFE0C0  }
0xc7: {  	[spmem:s4] =	stream.indirect.scatter.add.bf16 [tilespmem:s1], [sflag:$0xC], $0x40, s22, s21, $0xb8;
	[tilespmem:$0x1CA00] =	vst v63  }
0xc8: {  	_ =	swait.ge [sflag:s5], $0x1F40  }
0xc9: {  	[sflag:s5] =	ssyncset.done $0x0  }
0xca: {  	s25 =	simm.s32 $0xA780;
	s7 =	simm.s32 @p0 $0x5;
	[sflag:s5] =	ssyncadd.s32 $0xFFFFE0C0  }
0xcb: {  	[tilespmem:s23], [sflag:$0x8] =	stream.indirect.gather [hbm4b:s0+s21], $0x40, s25, s21, $0xb8;
	[tilespmem:$0x1CA00] =	vst v63  }
0xcc: {  	_ =	swait.ge @p0 [sflag:s7], $0x1F40  }
0xcd: {  	[sflag:s7] =	ssyncset.done @p0 $0x0  }
0xce: {  	[sflag:s7] =	ssyncadd.s32 @p0 $0xFFFFE0C0;
	s7 =	sshra.s32 @p0 s19, $0x2  }
0xcf: {  	s26 =	simm.s32 @p0 $0x14D00;
	s25 =	simm.s32 @p0 $0x7D;
	s22 =	sadd.s32 @p0 $0xAE00, s7  }
0xd0: {  	[spmem:s4] =	stream.indirect.scatter.add.bf16 @p0 [tilespmem:s26], [sflag:$0xD], $0x40, s22, s25, $0xb8;
	[tilespmem:$0x1CA00] =	vst v63  }
0xd1: {  	s22 =	simm.s32 @p0 $0x9  }
0xd2: {  	_ =	swait.ge @p0 [sflag:s22], $0x1F40  }
0xd3: {  	[sflag:s22] =	ssyncset.done @p0 $0x0  }
0xd4: {  	[sflag:s22] =	ssyncadd.s32 @p0 $0xFFFFE0C0;
	s22 =	simm.s32 @!p0 $0x11  }
0xd5: {  	_ =	swait.ge @!p0 [sflag:s22], $0x400  }
0xd6: {  	[sflag:s22] =	ssyncset.done @!p0 $0x0  }
0xd7: {  	[sflag:s22] =	ssyncadd.s32 @!p0 $0xFFFFFC00;
	s22 =	simm.s32 @!p0 $0x5  }
0xd8: {  	_ =	swait.ge @!p0 [sflag:s22], $0x1F40  }
0xd9: {  	[sflag:s22] =	ssyncset.done @!p0 $0x0  }
0xda: {  	[sflag:s22] =	ssyncadd.s32 @!p0 $0xFFFFE0C0;
	s22 =	sshra.s32 @!p0 s19, $0x2  }
0xdb: {  	s6 =	simm.s32 @!p0 $0x14D00;
	s29 =	simm.s32 @!p0 $0x7D;
	s26 =	sadd.s32 @!p0 $0xAE00, s22  }
0xdc: {  	[spmem:s4] =	stream.indirect.scatter.add.bf16 @!p0 [tilespmem:s6], [sflag:$0xD], $0x40, s26, s29, $0xb8;
	[tilespmem:$0x1CA00] =	vst v63  }
0xdd: {  	s6 =	simm.s32 @!p0 $0x9  }
0xde: {  	_ =	swait.ge @!p0 [sflag:s6], $0x1F40  }
0xdf: {  	[sflag:s6] =	ssyncset.done @!p0 $0x0  }
0xe0: {  	[sflag:s6] =	ssyncadd.s32 @!p0 $0xFFFFE0C0;
	s6 =	simm.s32 @!p0 $0xD000  }
0xe1: {  	[tilespmem:s6], [sflag:$0x1] =	stream.indirect.gather @!p0 [hbm4b:s0+s29], $0x40, s8, s29, $0xb8;
	[tilespmem:$0x1CA00] =	vst v63  }
0xe2: {  	_ =	swait.ge [sflag:s10], $0x1F40  }
0xe3: {  	[sflag:s10] =	ssyncset.done $0x0  }
0xe4: {  	s26 =	sadd.s32 $0xAE80, s24;
	[sflag:s10] =	ssyncadd.s32 $0xFFFFE0C0  }
0xe5: {  	[spmem:s4] =	stream.indirect.scatter.add.bf16 [tilespmem:s2], [sflag:$0xE], $0x40, s26, s21, $0xb8;
	[tilespmem:$0x1CA00] =	vst v63  }
0xe6: {  	_ =	swait.ge [sflag:s11], $0x1F40  }
0xe7: {  	[sflag:s11] =	ssyncset.done $0x0  }
0xe8: {  	s6 =	simm.s32 @p0 $0x7;
	[sflag:s11] =	ssyncadd.s32 $0xFFFFE0C0  }
0xe9: {  	_ =	swait.ge @p0 [sflag:s6], $0x1F40  }
0xea: {  	[sflag:s6] =	ssyncset.done @p0 $0x0  }
0xeb: {  	[sflag:s6] =	ssyncadd.s32 @p0 $0xFFFFE0C0;
	s6 =	sadd.s32 @p0 $0xAF00, s7;
	s7 =	simm.s32 @p0 $0x18B80  }
0xec: {  	[spmem:s4] =	stream.indirect.scatter.add.bf16 @p0 [tilespmem:s7], [sflag:$0xF], $0x40, s6, s25, $0xb8;
	[tilespmem:$0x1CA00] =	vst v63  }
0xed: {  	s6 =	simm.s32 @p0 $0xB  }
0xee: {  	_ =	swait.ge @p0 [sflag:s6], $0x1F40  }
0xef: {  	[sflag:s6] =	ssyncset.done @p0 $0x0  }
0xf0: {  	s7 =	simm.s32 @!p0 $0xEF40;
	[sflag:s6] =	ssyncadd.s32 @p0 $0xFFFFE0C0;
	s6 =	simm.s32 @!p0 $0xA080  }
0xf1: {  	[tilespmem:s7], [sflag:$0x2] =	stream.indirect.gather @!p0 [hbm4b:s0+s29], $0x40, s6, s29, $0xb8;
	[tilespmem:$0x1CA00] =	vst v63  }
0xf2: {  	s6 =	simm.s32 @!p0 $0x7  }
0xf3: {  	_ =	swait.ge @!p0 [sflag:s6], $0x1F40  }
0xf4: {  	[sflag:s6] =	ssyncset.done @!p0 $0x0  }
0xf5: {  	s7 =	simm.s32 @!p0 $0x18B80;
	[sflag:s6] =	ssyncadd.s32 @!p0 $0xFFFFE0C0;
	s6 =	sadd.s32 @!p0 $0xAF00, s22  }
0xf6: {  	[spmem:s4] =	stream.indirect.scatter.add.bf16 @!p0 [tilespmem:s7], [sflag:$0xF], $0x40, s6, s29, $0xb8;
	[tilespmem:$0x1CA00] =	vst v63  }
0xf7: {  	s6 =	simm.s32 @!p0 $0xB  }
0xf8: {  	_ =	swait.ge @!p0 [sflag:s6], $0x1F40  }
0xf9: {  	[sflag:s6] =	ssyncset.done @!p0 $0x0  }
0xfa: {  	s7 =	simm.s32 @!p0 $0x10E80;
	[sflag:s6] =	ssyncadd.s32 @!p0 $0xFFFFE0C0;
	s6 =	simm.s32 @!p0 $0xA100  }
0xfb: {  	[tilespmem:s7], [sflag:$0x3] =	stream.indirect.gather @!p0 [hbm4b:s0+s29], $0x40, s6, s29, $0xb8;
	[tilespmem:$0x1CA00] =	vst v63  }
0xfc: {  	_ =	swait.ge [sflag:s16], $0x1F40  }
0xfd: {  	[sflag:s16] =	ssyncset.done $0x0  }
.Ltmp2:
0xfe: {  	s29 =	sadd.s32 $0xAF80, s24;
	[sflag:s16] =	ssyncadd.s32 $0xFFFFE0C0;
	(pc) =	sbr.rel @p0 .LBB2_4-.Ltmp2, $4  }
0xff: {  	[spmem:s4] =	stream.indirect.scatter.add.bf16 [tilespmem:s23], [sflag:$0x10], $0x40, s29, s21, $0xb8;
	[tilespmem:$0x1CA00] =	vst v63  }
0x100: {  	s28 =	simm.s32 $0x10E80;
	_ =	swait.ge [sflag:s17], $0x1F40  }
0x101: {  	s9 =	simm.s32 $0xA400;
	s12 =	simm.s32 $0xD000;
	[sflag:s17] =	ssyncset.done $0x0  }
0x102: {  	s13 =	simm.s32 $0xEF40;
	s1 =	simm.s32 $0x12DC0;
	[sflag:s17] =	ssyncadd.s32 $0xFFFFE0C0  }
.Ltmp3:
0x103: {  	s6 =	simm.s32 $0xA180;
	(pc) =	sbr.rel .LBB2_2-.Ltmp3, $4  }
0x104: {  	[tilespmem:s1], [sflag:$0x4] =	stream.indirect.gather [hbm4b:s0+s21], $0x40, s6, s21, $0xb8;
	[tilespmem:$0x1CA00] =	vst v63  }
0x105: {  	s29 =	simm.s32 $0x0;
	s14 =	sadd.s32 $0x800, s14;
	s19 =	sadd.s32 $0x2000, s19  }
0x106: {  	[tilespmem:s9], [sflag:$0x12] =	stream.linear.gather [hbm4b:s20+s29], $0x400, $0x38;
	[tilespmem:$0x1CA00] =	vst v63  }
0x107: {  	s6 =	simm.s32 $0xA400;
	s1 =	simm.s32 $0x12DC0;
	s20 =	sadd.s32 $0x100, s20  }
.LBB2_5:
0x108: {  	_ =	sfence.sel $0x180000  }
0x109: {  	[bflag:$0x0] =	sbarrier.arrive $0xFFFF  }
0x10a: {  	_ =	strace $0x9000004A  }
0x10b: {  	s0 =	stileid.u32;
	[bflag:$0x2] =	sbarrier.arrive $0xFFFF  }
0x10c: {  	p0 =	sne.s32 s0, $0x0;
	s0 =	rddreg [dreg:$0x5]  }
0x10d: {  	s0 =	sadd.s32 @!p0 $0x100000, s0  }
0x10e: {  	[sflag:s0] =	ssyncadd.tile.s32 @!p0 $0x1;
	_ =	shalt  }
.Lfunc_end2:
_tile_overlayer_lowered:
.L_overlay_start_2:
0x10f: {  	(tag) =	ssettag $0x2  }
0x110: {  	s0 =	rddreg [dreg:$0x0];
	s2 =	stileid.u32  }
0x111: {  	s1 =	rddreg [dreg:$0x1];
	p0 =	sne.s32 s2, $0x0  }
0x112: {  	s3 =	rddreg [dreg:$0x2];
	[bflag:$0x3] =	sbarrier.arrive $0xFFFF;
	s2 =	simm.s32 @!p0 $0x1C13  }
0x113: {  	[timem:s3], [sflag:s2] =	dma.local @!p0 [hbm:s0], s1  }
0x114: {  	s0 =	simm.s32 @!p0 $0x13  }
0x115: {  	_ =	swait.ge @!p0 [sflag:s0], s1  }
0x116: {  	s1 =	ssub.s32 @!p0 $0x0, s1;
	[sflag:s0] =	ssyncset.done @!p0 $0x0  }
0x117: {  	[sflag:s0] =	ssyncadd.s32 @!p0 s1  }
0x118: {  	[bflag:$0x3] =	sbarrier.arrive $0xFFFF  }
0x119: {  	_ =	shalt  }

</sc_bundles>
